<compile_context>
chip_gen: v7x
topology: tpu7x:2x2x1
jax: 0.10.2.dev20260603
libtpu: 0.0.44.dev20260713+nightly
codegen_flags: <defaults>
</compile_context>

<pallas_src>
import functools

import jax
import jax.numpy as jnp
from jax import lax
from jax.experimental import pallas as pl
from jax.experimental.pallas import tpu as pltpu
from jax.experimental.pallas import tpu_sc as plsc

_N = 10000
_E = 160000
_DIN = 128
_DOUT = 8
_DE = 16
_HID = 128

_CHUNK = 128
_NC = 2
_NS = 16
_NW = _NC * _NS
_EH = _E // 2
_NCH_H = _EH // _CHUNK
_CPW = -(-_NCH_H // _NW)
_NCHP = _CPW * _NW
_EPH = _NCHP * _CHUNK
_GDEPTH = 4
_SGRP = 10
_NACC = _N + 16
_NPW = _NACC // _NS

_sc_mesh = plsc.VectorSubcoreMesh(core_axis_name="c", subcore_axis_name="s")


@functools.partial(
    pl.kernel,
    mesh=_sc_mesh,
    out_type=jax.ShapeDtypeStruct((_EPH, _DIN), jnp.float32),
    scratch_types=[
        pltpu.VMEM((_CPW, _CHUNK), jnp.int32),
        *([pltpu.VMEM((_CHUNK, _DIN), jnp.float32)] * _GDEPTH),
        pltpu.SemaphoreType.DMA,
        pltpu.SemaphoreType.DMA,
    ],
    compiler_params=pltpu.CompilerParams(use_tc_tiling_on_sc=False),
)
def _sc_gather(na_hbm, src_hbm, out_hbm, idx_v, b0, b1, b2, b3, gsem, wsem):
    bufs = (b0, b1, b2, b3)
    wid = lax.axis_index("s") * _NC + lax.axis_index("c")
    base_chunk = wid * _CPW
    pltpu.sync_copy(src_hbm.at[pl.ds(base_chunk, _CPW)], idx_v)

    def body(g, carry):
        j0 = g * _GDEPTH
        gds = [
            pltpu.async_copy(na_hbm.at[idx_v.at[j0 + b]], bufs[b], gsem)
            for b in range(_GDEPTH)
        ]
        wds = []
        for b in range(_GDEPTH):
            gds[b].wait()
            row0 = (base_chunk + j0 + b) * _CHUNK
            wds.append(
                pltpu.async_copy(bufs[b], out_hbm.at[pl.ds(row0, _CHUNK)], wsem)
            )
        for wd in wds:
            wd.wait()
        return carry

    lax.fori_loop(0, _CPW // _GDEPTH, body, 0)


_BE = 4000


def _msg_body(ea_ref, x_ref, w1_ref, b1_ref, wc_ref, b2r_ref, s_ref, o_ref):
    x = x_ref[...].astype(jnp.bfloat16)
    h = jnp.maximum(
        jnp.dot(ea_ref[...], w1_ref[...], preferred_element_type=jnp.float32)
        + b1_ref[...],
        0.0,
    ).astype(jnp.bfloat16)
    q = jnp.dot(x, wc_ref[...], preferred_element_type=jnp.float32).astype(
        jnp.bfloat16
    )
    hrep = jnp.concatenate([h] * _DOUT, axis=1)
    t = q * hrep
    m = jnp.dot(t, s_ref[...], preferred_element_type=jnp.float32)
    o_ref[...] = m + jnp.dot(x, b2r_ref[...], preferred_element_type=jnp.float32)


def _make_msg_call(half):
    blk0 = half * (_EH // _BE)
    return pl.pallas_call(
        _msg_body,
        grid=(_EH // _BE,),
        in_specs=[
            pl.BlockSpec((_BE, _DE), lambda i: (i + blk0, 0)),
            pl.BlockSpec((_BE, _DIN), lambda i: (i, 0)),
            pl.BlockSpec((_DE, _HID), lambda i: (0, 0)),
            pl.BlockSpec((1, _HID), lambda i: (0, 0)),
            pl.BlockSpec((_DIN, _DOUT * _HID), lambda i: (0, 0)),
            pl.BlockSpec((_DIN, _DOUT), lambda i: (0, 0)),
            pl.BlockSpec((_DOUT * _HID, _DOUT), lambda i: (0, 0)),
        ],
        out_specs=pl.BlockSpec((_BE, _DOUT), lambda i: (i, 0)),
        out_shape=jax.ShapeDtypeStruct((_EPH, _DOUT), jnp.float32),
        compiler_params=pltpu.CompilerParams(
            dimension_semantics=("arbitrary",),
        ),
    )


_msg_calls = (_make_msg_call(0), _make_msg_call(1))


@functools.partial(
    pl.kernel,
    mesh=_sc_mesh,
    out_type=jax.ShapeDtypeStruct((_NC * _N, _DOUT), jnp.float32),
    scratch_types=[
        pltpu.VMEM((_CPW, _CHUNK), jnp.int32),
        pltpu.VMEM((_SGRP * _CHUNK, _DOUT), jnp.float32),
        pltpu.VMEM_SHARED((_NACC, _DOUT), jnp.float32),
    ],
    compiler_params=pltpu.CompilerParams(use_tc_tiling_on_sc=False),
)
def _sc_scatter(msg_hbm, dst_hbm, zero_hbm, out_hbm, idx_v, msg_v, acc_sh):
    cid = lax.axis_index("c")
    sid = lax.axis_index("s")
    wid = sid * _NC + cid
    base_chunk = wid * _CPW

    zstripe = pl.ds(sid * _NPW, _NPW)
    pltpu.sync_copy(zero_hbm.at[zstripe], acc_sh.at[zstripe])
    pltpu.sync_copy(dst_hbm.at[pl.ds(base_chunk, _CPW)], idx_v)
    plsc.subcore_barrier()

    def body(g, carry):
        j0 = g * _SGRP
        pltpu.sync_copy(
            msg_hbm.at[pl.ds((base_chunk + j0) * _CHUNK, _SGRP * _CHUNK)], msg_v
        )
        for b in range(_SGRP):
            pltpu.sync_copy(
                msg_v.at[pl.ds(b * _CHUNK, _CHUNK)],
                acc_sh.at[idx_v.at[j0 + b]],
                add=True,
            )
        return carry

    lax.fori_loop(0, _CPW // _SGRP, body, 0)
    plsc.subcore_barrier()

    nw = _N // _NS
    pltpu.sync_copy(
        acc_sh.at[pl.ds(sid * nw, nw)],
        out_hbm.at[pl.ds(cid * _N + sid * nw, nw)],
    )


def _comb_body(pa_ref, pb_ref, na_ref, root_ref, o_ref):
    o_ref[...] = (
        pa_ref[0:_N, :]
        + pa_ref[_N:, :]
        + pb_ref[0:_N, :]
        + pb_ref[_N:, :]
        + jnp.dot(na_ref[...], root_ref[...], preferred_element_type=jnp.float32)
    )


_comb_call = pl.pallas_call(
    _comb_body,
    out_shape=jax.ShapeDtypeStruct((_N, _DOUT), jnp.float32),
)


def _pad_half(idx_half, pad_rows):
    return jnp.concatenate([idx_half.reshape(_NCH_H, _CHUNK), pad_rows])


def kernel(node_attr, edge_index, edge_attr, W1, b1, W2, b2, root):
    src = edge_index[0]
    dst = edge_index[1]
    Wc = W2.reshape(_HID, _DIN, _DOUT).transpose(1, 2, 0).reshape(_DIN, _DOUT * _HID)
    Wc16 = Wc.astype(jnp.bfloat16)
    b2r16 = b2.reshape(_DIN, _DOUT).astype(jnp.bfloat16)
    b1r = b1.reshape(1, _HID)
    sel = jnp.repeat(jnp.eye(_DOUT, dtype=jnp.bfloat16), _HID, axis=0)

    npad = _NCHP - _NCH_H
    pad_src = jnp.broadcast_to(jnp.arange(_CHUNK, dtype=jnp.int32), (npad, _CHUNK))
    pad_dst = _N + (pad_src % 16)
    zeros = jnp.zeros((_NACC, _DOUT), jnp.float32)

    parts = []
    x_halves = []
    for half in range(2):
        src_h = _pad_half(lax.slice(src, (half * _EH,), ((half + 1) * _EH,)), pad_src)
        x_halves.append(_sc_gather(node_attr, src_h))
    for half in range(2):
        dst_h = _pad_half(lax.slice(dst, (half * _EH,), ((half + 1) * _EH,)), pad_dst)
        msgs = _msg_calls[half](
            edge_attr, x_halves[half], W1, b1r, Wc16, b2r16, sel
        )
        parts.append(_sc_scatter(msgs, dst_h, zeros))

    return _comb_call(parts[0], parts[1], node_attr, root)

# --- scband reference (transcript-rebuilt; emitter-appended) ---
"""Pipeline reference for scband-nnconv-49177375539505 (READ-ONLY COPY).

The authoritative reference and input builder live on the scoring server;
editing this copy changes nothing except your own understanding.
"""

import jax, jax.numpy as jnp
import numpy as np

N = 10000
E = 160000
D_IN = 128
D_OUT = 8
D_EDGE = 16
HIDDEN = 128


def setup_inputs(seed: int = 0) -> dict:
    key = jax.random.key(seed)
    ks = jax.random.split(key, 9)
    node_attr = jax.random.normal(ks[0], (N, D_IN), dtype=jnp.float32)
    edge_index = jax.random.randint(ks[1], (2, E), 0, N, dtype=jnp.int32)
    edge_attr = jax.random.normal(ks[2], (E, D_EDGE), dtype=jnp.float32)
    # net: MLP Linear(D_EDGE, HIDDEN) -> ReLU -> Linear(HIDDEN, D_IN*D_OUT)
    W1 = jax.random.normal(ks[3], (D_EDGE, HIDDEN), dtype=jnp.float32) / np.sqrt(D_EDGE)
    b1 = jnp.zeros((HIDDEN,), dtype=jnp.float32)
    W2 = jax.random.normal(ks[4], (HIDDEN, D_IN * D_OUT), dtype=jnp.float32) / np.sqrt(HIDDEN)
    b2 = jnp.zeros((D_IN * D_OUT,), dtype=jnp.float32)
    bound = 1.0 / np.sqrt(D_IN)
    root = jax.random.uniform(ks[5], (D_IN, D_OUT), dtype=jnp.float32, minval=-bound, maxval=bound)
    return {
        "node_attr": node_attr,
        "edge_index": edge_index,
        "edge_attr": edge_attr,
        "W1": W1,
        "b1": b1,
        "W2": W2,
        "b2": b2,
        "root": root,
    }


def reference(node_attr, edge_index, edge_attr, W1, b1, W2, b2, root):
    src = edge_index[0]
    dst = edge_index[1]
    # net(edge_attr): edge-conditioned weight generation
    h = jnp.maximum(edge_attr @ W1 + b1, 0.0)
    weights = (h @ W2 + b2).reshape(-1, D_IN, D_OUT)  # [E, D_IN, D_OUT]
    # gather source node features per edge
    scat_node_attr = jnp.take(node_attr, src, axis=0)  # [E, D_IN]
    # messages = (1 x D_IN) @ (D_IN x D_OUT) per edge
    messages = jnp.einsum("ei,eio->eo", scat_node_attr, weights)  # [E, D_OUT]
    # scatter-sum into destination nodes
    output = jax.ops.segment_sum(messages, dst, num_segments=N)  # [N, D_OUT]
    # root/self connection (bias parameter is created but unused in original forward)
    output = output + node_attr @ root
    return output

if __name__ == "__main__":
    import jax
    _d = setup_inputs()
    print(jax.jit(kernel)(*tuple(_d.values())))

</pallas_src>

<mosaic_0001>
#map = affine_map<(d0, d1) -> (0, 0)>
module attributes {stable_mosaic.version = 14 : i64} {
  func.func @_sc_gather(%arg0: i32, %arg1: i32, %arg2: memref<10000x128xf32, #tpu.memory_space<hbm>>, %arg3: memref<640x128xi32, #tpu.memory_space<hbm>>, %arg4: memref<81920x128xf32, #tpu.memory_space<hbm>>, %arg5: memref<20x128xi32, #tpu.memory_space<vmem>>, %arg6: memref<128x128xf32, #tpu.memory_space<vmem>>, %arg7: memref<128x128xf32, #tpu.memory_space<vmem>>, %arg8: memref<128x128xf32, #tpu.memory_space<vmem>>, %arg9: memref<128x128xf32, #tpu.memory_space<vmem>>, %arg10: memref<!tpu.dma_semaphore, #tpu.memory_space<semaphore_mem>>, %arg11: memref<!tpu.dma_semaphore, #tpu.memory_space<semaphore_mem>>) attributes {dimension_semantics = [#tpu.dimension_semantics<core_parallel>, #tpu.dimension_semantics<subcore_parallel>], iteration_bounds = array<i64: 2, 16>, scalar_prefetch = 0 : i64, scratch_operands = 7 : i64, tpu.core_type = #tpu.core_type<sc_vector_subcore>, window_params = [{transform_indices = #map}, {transform_indices = #map}, {transform_indices = #map}]} {
    %mul3A = arith.constant 2 : i32
    %mul3A_0 = arith.muli %arg1, %mul3A : i32
    %add3A = arith.addi %mul3A_0, %arg0 : i32
    %mul3A_1 = arith.constant 20 : i32
    %mul3A_2 = arith.muli %add3A, %mul3A_1 : i32
    "tpu.region"() ({
      %run_scoped3A = tpu.sem_alloc : memref<!tpu.dma_semaphore, #tpu.memory_space<semaphore_mem>>
      %dma_start3A = arith.constant 0 : i32
      %dma_start3A_8 = tpu.memref_slice %arg3[%mul3A_2, %dma_start3A] : memref<640x128xi32, #tpu.memory_space<hbm>> -> memref<20x128xi32, #tpu.memory_space<hbm>>
      %dma_start3A_9 = arith.constant 0 : i32
      %dma_start3A_10 = tpu.memref_slice %arg3[%mul3A_2, %dma_start3A_9] : memref<640x128xi32, #tpu.memory_space<hbm>> -> memref<20x128xi32, #tpu.memory_space<hbm>>
      tpu.enqueue_dma source(%dma_start3A_10 : memref<20x128xi32, #tpu.memory_space<hbm>>) target(%arg5 : memref<20x128xi32, #tpu.memory_space<vmem>>) target_semaphore(%run_scoped3A : memref<!tpu.dma_semaphore, #tpu.memory_space<semaphore_mem>>)
      %dma_wait3A = arith.constant 0 : i32
      %dma_wait3A_11 = tpu.memref_slice %arg3[%mul3A_2, %dma_wait3A] : memref<640x128xi32, #tpu.memory_space<hbm>> -> memref<20x128xi32, #tpu.memory_space<hbm>>
      %dma_wait3A_12 = arith.constant 0 : i32
      %dma_wait3A_13 = tpu.memref_slice %arg3[%mul3A_2, %dma_wait3A_12] : memref<640x128xi32, #tpu.memory_space<hbm>> -> memref<20x128xi32, #tpu.memory_space<hbm>>
      tpu.wait_dma2 semaphore(%run_scoped3A : memref<!tpu.dma_semaphore, #tpu.memory_space<semaphore_mem>>) src(%dma_wait3A_13 : memref<20x128xi32, #tpu.memory_space<hbm>>) dst(%arg5 : memref<20x128xi32, #tpu.memory_space<vmem>>)
      tpu.yield
    }) : () -> ()
    %scan3A = arith.constant 0 : i32
    %scan3A_3 = arith.constant 0 : i32
    %scan3A_4 = arith.constant 5 : i32
    %scan3A_5 = arith.addi %scan3A_3, %scan3A_4 : i32
    %scan3A_6 = arith.constant 1 : i32
    scf.for %scan3A_8 = %scan3A_3 to %scan3A_5 step %scan3A_6  : i32 {
      %mul3A_9 = arith.constant 4 : i32
      %mul3A_10 = arith.muli %scan3A_8, %mul3A_9 : i32
      %add3A_11 = arith.constant 0 : i32
      %add3A_12 = arith.addi %mul3A_10, %add3A_11 : i32
      %dma_start3A = arith.constant 0 : i32
      %dma_start3A_13 = tpu.memref_slice %arg5[%add3A_12, %dma_start3A] : memref<20x128xi32, #tpu.memory_space<vmem>> -> memref<1x128xi32, #tpu.memory_space<vmem>>
      %dma_start3A_14 = tpu.memref_squeeze %dma_start3A_13 : memref<1x128xi32, #tpu.memory_space<vmem>> -> memref<128xi32, #tpu.memory_space<vmem>>
      %dma_start3A_15 = arith.constant 0 : i32
      %dma_start3A_16 = arith.constant 0 : i32
      %dma_start3A_17 = tpu.memref_slice %arg2[%dma_start3A_15, %dma_start3A_16] : memref<10000x128xf32, #tpu.memory_space<hbm>> -> memref<10000x128xf32, #tpu.memory_space<hbm>>
      tpu.enqueue_indirect_dma source(%dma_start3A_17 : memref<10000x128xf32, #tpu.memory_space<hbm>>) target(%arg6 : memref<128x128xf32, #tpu.memory_space<vmem>>) offsets(%dma_start3A_14 : memref<128xi32, #tpu.memory_space<vmem>>) semaphore(%arg10 : memref<!tpu.dma_semaphore, #tpu.memory_space<semaphore_mem>>)
      %add3A_18 = arith.constant 1 : i32
      %add3A_19 = arith.addi %mul3A_10, %add3A_18 : i32
      %dma_start3A_20 = arith.constant 0 : i32
      %dma_start3A_21 = tpu.memref_slice %arg5[%add3A_19, %dma_start3A_20] : memref<20x128xi32, #tpu.memory_space<vmem>> -> memref<1x128xi32, #tpu.memory_space<vmem>>
      %dma_start3A_22 = tpu.memref_squeeze %dma_start3A_21 : memref<1x128xi32, #tpu.memory_space<vmem>> -> memref<128xi32, #tpu.memory_space<vmem>>
      %dma_start3A_23 = arith.constant 0 : i32
      %dma_start3A_24 = arith.constant 0 : i32
      %dma_start3A_25 = tpu.memref_slice %arg2[%dma_start3A_23, %dma_start3A_24] : memref<10000x128xf32, #tpu.memory_space<hbm>> -> memref<10000x128xf32, #tpu.memory_space<hbm>>
      tpu.enqueue_indirect_dma source(%dma_start3A_25 : memref<10000x128xf32, #tpu.memory_space<hbm>>) target(%arg7 : memref<128x128xf32, #tpu.memory_space<vmem>>) offsets(%dma_start3A_22 : memref<128xi32, #tpu.memory_space<vmem>>) semaphore(%arg10 : memref<!tpu.dma_semaphore, #tpu.memory_space<semaphore_mem>>)
      %add3A_26 = arith.constant 2 : i32
      %add3A_27 = arith.addi %mul3A_10, %add3A_26 : i32
      %dma_start3A_28 = arith.constant 0 : i32
      %dma_start3A_29 = tpu.memref_slice %arg5[%add3A_27, %dma_start3A_28] : memref<20x128xi32, #tpu.memory_space<vmem>> -> memref<1x128xi32, #tpu.memory_space<vmem>>
      %dma_start3A_30 = tpu.memref_squeeze %dma_start3A_29 : memref<1x128xi32, #tpu.memory_space<vmem>> -> memref<128xi32, #tpu.memory_space<vmem>>
      %dma_start3A_31 = arith.constant 0 : i32
      %dma_start3A_32 = arith.constant 0 : i32
      %dma_start3A_33 = tpu.memref_slice %arg2[%dma_start3A_31, %dma_start3A_32] : memref<10000x128xf32, #tpu.memory_space<hbm>> -> memref<10000x128xf32, #tpu.memory_space<hbm>>
      tpu.enqueue_indirect_dma source(%dma_start3A_33 : memref<10000x128xf32, #tpu.memory_space<hbm>>) target(%arg8 : memref<128x128xf32, #tpu.memory_space<vmem>>) offsets(%dma_start3A_30 : memref<128xi32, #tpu.memory_space<vmem>>) semaphore(%arg10 : memref<!tpu.dma_semaphore, #tpu.memory_space<semaphore_mem>>)
      %add3A_34 = arith.constant 3 : i32
      %add3A_35 = arith.addi %mul3A_10, %add3A_34 : i32
      %dma_start3A_36 = arith.constant 0 : i32
      %dma_start3A_37 = tpu.memref_slice %arg5[%add3A_35, %dma_start3A_36] : memref<20x128xi32, #tpu.memory_space<vmem>> -> memref<1x128xi32, #tpu.memory_space<vmem>>
      %dma_start3A_38 = tpu.memref_squeeze %dma_start3A_37 : memref<1x128xi32, #tpu.memory_space<vmem>> -> memref<128xi32, #tpu.memory_space<vmem>>
      %dma_start3A_39 = arith.constant 0 : i32
      %dma_start3A_40 = arith.constant 0 : i32
      %dma_start3A_41 = tpu.memref_slice %arg2[%dma_start3A_39, %dma_start3A_40] : memref<10000x128xf32, #tpu.memory_space<hbm>> -> memref<10000x128xf32, #tpu.memory_space<hbm>>
      tpu.enqueue_indirect_dma source(%dma_start3A_41 : memref<10000x128xf32, #tpu.memory_space<hbm>>) target(%arg9 : memref<128x128xf32, #tpu.memory_space<vmem>>) offsets(%dma_start3A_38 : memref<128xi32, #tpu.memory_space<vmem>>) semaphore(%arg10 : memref<!tpu.dma_semaphore, #tpu.memory_space<semaphore_mem>>)
      %dma_wait3A = arith.constant 0 : i32
      %dma_wait3A_42 = tpu.memref_slice %arg5[%add3A_12, %dma_wait3A] : memref<20x128xi32, #tpu.memory_space<vmem>> -> memref<1x128xi32, #tpu.memory_space<vmem>>
      %dma_wait3A_43 = tpu.memref_squeeze %dma_wait3A_42 : memref<1x128xi32, #tpu.memory_space<vmem>> -> memref<128xi32, #tpu.memory_space<vmem>>
      %dma_wait3A_44 = arith.constant 0 : i32
      %dma_wait3A_45 = arith.constant 0 : i32
      %dma_wait3A_46 = tpu.memref_slice %arg2[%dma_wait3A_44, %dma_wait3A_45] : memref<10000x128xf32, #tpu.memory_space<hbm>> -> memref<10000x128xf32, #tpu.memory_space<hbm>>
      tpu.wait_indirect_dma semaphore(%arg10 : memref<!tpu.dma_semaphore, #tpu.memory_space<semaphore_mem>>) src(%dma_wait3A_46 : memref<10000x128xf32, #tpu.memory_space<hbm>>) dst(%arg6 : memref<128x128xf32, #tpu.memory_space<vmem>>)
      %add3A_47 = arith.addi %mul3A_2, %mul3A_10 : i32
      %add3A_48 = arith.constant 0 : i32
      %add3A_49 = arith.addi %add3A_47, %add3A_48 : i32
      %mul3A_50 = arith.constant 128 : i32
      %mul3A_51 = arith.muli %add3A_49, %mul3A_50 : i32
      %dma_start3A_52 = arith.constant 0 : i32
      %dma_start3A_53 = tpu.memref_slice %arg4[%mul3A_51, %dma_start3A_52] : memref<81920x128xf32, #tpu.memory_space<hbm>> -> memref<128x128xf32, #tpu.memory_space<hbm>>
      %dma_start3A_54 = arith.constant 0 : i32
      %dma_start3A_55 = tpu.memref_slice %arg4[%mul3A_51, %dma_start3A_54] : memref<81920x128xf32, #tpu.memory_space<hbm>> -> memref<128x128xf32, #tpu.memory_space<hbm>>
      tpu.enqueue_dma source(%arg6 : memref<128x128xf32, #tpu.memory_space<vmem>>) target(%dma_start3A_55 : memref<128x128xf32, #tpu.memory_space<hbm>>) target_semaphore(%arg11 : memref<!tpu.dma_semaphore, #tpu.memory_space<semaphore_mem>>)
      %dma_wait3A_56 = arith.constant 0 : i32
      %dma_wait3A_57 = tpu.memref_slice %arg5[%add3A_19, %dma_wait3A_56] : memref<20x128xi32, #tpu.memory_space<vmem>> -> memref<1x128xi32, #tpu.memory_space<vmem>>
      %dma_wait3A_58 = tpu.memref_squeeze %dma_wait3A_57 : memref<1x128xi32, #tpu.memory_space<vmem>> -> memref<128xi32, #tpu.memory_space<vmem>>
      %dma_wait3A_59 = arith.constant 0 : i32
      %dma_wait3A_60 = arith.constant 0 : i32
      %dma_wait3A_61 = tpu.memref_slice %arg2[%dma_wait3A_59, %dma_wait3A_60] : memref<10000x128xf32, #tpu.memory_space<hbm>> -> memref<10000x128xf32, #tpu.memory_space<hbm>>
      tpu.wait_indirect_dma semaphore(%arg10 : memref<!tpu.dma_semaphore, #tpu.memory_space<semaphore_mem>>) src(%dma_wait3A_61 : memref<10000x128xf32, #tpu.memory_space<hbm>>) dst(%arg7 : memref<128x128xf32, #tpu.memory_space<vmem>>)
      %add3A_62 = arith.addi %mul3A_2, %mul3A_10 : i32
      %add3A_63 = arith.constant 1 : i32
      %add3A_64 = arith.addi %add3A_62, %add3A_63 : i32
      %mul3A_65 = arith.constant 128 : i32
      %mul3A_66 = arith.muli %add3A_64, %mul3A_65 : i32
      %dma_start3A_67 = arith.constant 0 : i32
      %dma_start3A_68 = tpu.memref_slice %arg4[%mul3A_66, %dma_start3A_67] : memref<81920x128xf32, #tpu.memory_space<hbm>> -> memref<128x128xf32, #tpu.memory_space<hbm>>
      %dma_start3A_69 = arith.constant 0 : i32
      %dma_start3A_70 = tpu.memref_slice %arg4[%mul3A_66, %dma_start3A_69] : memref<81920x128xf32, #tpu.memory_space<hbm>> -> memref<128x128xf32, #tpu.memory_space<hbm>>
      tpu.enqueue_dma source(%arg7 : memref<128x128xf32, #tpu.memory_space<vmem>>) target(%dma_start3A_70 : memref<128x128xf32, #tpu.memory_space<hbm>>) target_semaphore(%arg11 : memref<!tpu.dma_semaphore, #tpu.memory_space<semaphore_mem>>)
      %dma_wait3A_71 = arith.constant 0 : i32
      %dma_wait3A_72 = tpu.memref_slice %arg5[%add3A_27, %dma_wait3A_71] : memref<20x128xi32, #tpu.memory_space<vmem>> -> memref<1x128xi32, #tpu.memory_space<vmem>>
      %dma_wait3A_73 = tpu.memref_squeeze %dma_wait3A_72 : memref<1x128xi32, #tpu.memory_space<vmem>> -> memref<128xi32, #tpu.memory_space<vmem>>
      %dma_wait3A_74 = arith.constant 0 : i32
      %dma_wait3A_75 = arith.constant 0 : i32
      %dma_wait3A_76 = tpu.memref_slice %arg2[%dma_wait3A_74, %dma_wait3A_75] : memref<10000x128xf32, #tpu.memory_space<hbm>> -> memref<10000x128xf32, #tpu.memory_space<hbm>>
      tpu.wait_indirect_dma semaphore(%arg10 : memref<!tpu.dma_semaphore, #tpu.memory_space<semaphore_mem>>) src(%dma_wait3A_76 : memref<10000x128xf32, #tpu.memory_space<hbm>>) dst(%arg8 : memref<128x128xf32, #tpu.memory_space<vmem>>)
      %add3A_77 = arith.addi %mul3A_2, %mul3A_10 : i32
      %add3A_78 = arith.constant 2 : i32
      %add3A_79 = arith.addi %add3A_77, %add3A_78 : i32
      %mul3A_80 = arith.constant 128 : i32
      %mul3A_81 = arith.muli %add3A_79, %mul3A_80 : i32
      %dma_start3A_82 = arith.constant 0 : i32
      %dma_start3A_83 = tpu.memref_slice %arg4[%mul3A_81, %dma_start3A_82] : memref<81920x128xf32, #tpu.memory_space<hbm>> -> memref<128x128xf32, #tpu.memory_space<hbm>>
      %dma_start3A_84 = arith.constant 0 : i32
      %dma_start3A_85 = tpu.memref_slice %arg4[%mul3A_81, %dma_start3A_84] : memref<81920x128xf32, #tpu.memory_space<hbm>> -> memref<128x128xf32, #tpu.memory_space<hbm>>
      tpu.enqueue_dma source(%arg8 : memref<128x128xf32, #tpu.memory_space<vmem>>) target(%dma_start3A_85 : memref<128x128xf32, #tpu.memory_space<hbm>>) target_semaphore(%arg11 : memref<!tpu.dma_semaphore, #tpu.memory_space<semaphore_mem>>)
      %dma_wait3A_86 = arith.constant 0 : i32
      %dma_wait3A_87 = tpu.memref_slice %arg5[%add3A_35, %dma_wait3A_86] : memref<20x128xi32, #tpu.memory_space<vmem>> -> memref<1x128xi32, #tpu.memory_space<vmem>>
      %dma_wait3A_88 = tpu.memref_squeeze %dma_wait3A_87 : memref<1x128xi32, #tpu.memory_space<vmem>> -> memref<128xi32, #tpu.memory_space<vmem>>
      %dma_wait3A_89 = arith.constant 0 : i32
      %dma_wait3A_90 = arith.constant 0 : i32
      %dma_wait3A_91 = tpu.memref_slice %arg2[%dma_wait3A_89, %dma_wait3A_90] : memref<10000x128xf32, #tpu.memory_space<hbm>> -> memref<10000x128xf32, #tpu.memory_space<hbm>>
      tpu.wait_indirect_dma semaphore(%arg10 : memref<!tpu.dma_semaphore, #tpu.memory_space<semaphore_mem>>) src(%dma_wait3A_91 : memref<10000x128xf32, #tpu.memory_space<hbm>>) dst(%arg9 : memref<128x128xf32, #tpu.memory_space<vmem>>)
      %add3A_92 = arith.addi %mul3A_2, %mul3A_10 : i32
      %add3A_93 = arith.constant 3 : i32
      %add3A_94 = arith.addi %add3A_92, %add3A_93 : i32
      %mul3A_95 = arith.constant 128 : i32
      %mul3A_96 = arith.muli %add3A_94, %mul3A_95 : i32
      %dma_start3A_97 = arith.constant 0 : i32
      %dma_start3A_98 = tpu.memref_slice %arg4[%mul3A_96, %dma_start3A_97] : memref<81920x128xf32, #tpu.memory_space<hbm>> -> memref<128x128xf32, #tpu.memory_space<hbm>>
      %dma_start3A_99 = arith.constant 0 : i32
      %dma_start3A_100 = tpu.memref_slice %arg4[%mul3A_96, %dma_start3A_99] : memref<81920x128xf32, #tpu.memory_space<hbm>> -> memref<128x128xf32, #tpu.memory_space<hbm>>
      tpu.enqueue_dma source(%arg9 : memref<128x128xf32, #tpu.memory_space<vmem>>) target(%dma_start3A_100 : memref<128x128xf32, #tpu.memory_space<hbm>>) target_semaphore(%arg11 : memref<!tpu.dma_semaphore, #tpu.memory_space<semaphore_mem>>)
      %dma_wait3A_101 = arith.constant 0 : i32
      %dma_wait3A_102 = tpu.memref_slice %arg4[%mul3A_51, %dma_wait3A_101] : memref<81920x128xf32, #tpu.memory_space<hbm>> -> memref<128x128xf32, #tpu.memory_space<hbm>>
      %dma_wait3A_103 = arith.constant 0 : i32
      %dma_wait3A_104 = tpu.memref_slice %arg4[%mul3A_51, %dma_wait3A_103] : memref<81920x128xf32, #tpu.memory_space<hbm>> -> memref<128x128xf32, #tpu.memory_space<hbm>>
      tpu.wait_dma2 semaphore(%arg11 : memref<!tpu.dma_semaphore, #tpu.memory_space<semaphore_mem>>) src(%arg6 : memref<128x128xf32, #tpu.memory_space<vmem>>) dst(%dma_wait3A_104 : memref<128x128xf32, #tpu.memory_space<hbm>>)
      %dma_wait3A_105 = arith.constant 0 : i32
      %dma_wait3A_106 = tpu.memref_slice %arg4[%mul3A_66, %dma_wait3A_105] : memref<81920x128xf32, #tpu.memory_space<hbm>> -> memref<128x128xf32, #tpu.memory_space<hbm>>
      %dma_wait3A_107 = arith.constant 0 : i32
      %dma_wait3A_108 = tpu.memref_slice %arg4[%mul3A_66, %dma_wait3A_107] : memref<81920x128xf32, #tpu.memory_space<hbm>> -> memref<128x128xf32, #tpu.memory_space<hbm>>
      tpu.wait_dma2 semaphore(%arg11 : memref<!tpu.dma_semaphore, #tpu.memory_space<semaphore_mem>>) src(%arg7 : memref<128x128xf32, #tpu.memory_space<vmem>>) dst(%dma_wait3A_108 : memref<128x128xf32, #tpu.memory_space<hbm>>)
      %dma_wait3A_109 = arith.constant 0 : i32
      %dma_wait3A_110 = tpu.memref_slice %arg4[%mul3A_81, %dma_wait3A_109] : memref<81920x128xf32, #tpu.memory_space<hbm>> -> memref<128x128xf32, #tpu.memory_space<hbm>>
      %dma_wait3A_111 = arith.constant 0 : i32
      %dma_wait3A_112 = tpu.memref_slice %arg4[%mul3A_81, %dma_wait3A_111] : memref<81920x128xf32, #tpu.memory_space<hbm>> -> memref<128x128xf32, #tpu.memory_space<hbm>>
      tpu.wait_dma2 semaphore(%arg11 : memref<!tpu.dma_semaphore, #tpu.memory_space<semaphore_mem>>) src(%arg8 : memref<128x128xf32, #tpu.memory_space<vmem>>) dst(%dma_wait3A_112 : memref<128x128xf32, #tpu.memory_space<hbm>>)
      %dma_wait3A_113 = arith.constant 0 : i32
      %dma_wait3A_114 = tpu.memref_slice %arg4[%mul3A_96, %dma_wait3A_113] : memref<81920x128xf32, #tpu.memory_space<hbm>> -> memref<128x128xf32, #tpu.memory_space<hbm>>
      %dma_wait3A_115 = arith.constant 0 : i32
      %dma_wait3A_116 = tpu.memref_slice %arg4[%mul3A_96, %dma_wait3A_115] : memref<81920x128xf32, #tpu.memory_space<hbm>> -> memref<128x128xf32, #tpu.memory_space<hbm>>
      tpu.wait_dma2 semaphore(%arg11 : memref<!tpu.dma_semaphore, #tpu.memory_space<semaphore_mem>>) src(%arg9 : memref<128x128xf32, #tpu.memory_space<vmem>>) dst(%dma_wait3A_116 : memref<128x128xf32, #tpu.memory_space<hbm>>)
    }
    %scan3A_7 = arith.constant 5 : i32
    return
  }
}

#map = affine_map<(d0, d1) -> (0, 0)>
module attributes {stable_mosaic.version = 14 : i64} {
  func.func @_sc_gather(%arg0: i32, %arg1: i32, %arg2: memref<10000x128xf32, #tpu.memory_space<hbm>>, %arg3: memref<640x128xi32, #tpu.memory_space<hbm>>, %arg4: memref<81920x128xf32, #tpu.memory_space<hbm>>, %arg5: memref<20x128xi32, #tpu.memory_space<vmem>>, %arg6: memref<128x128xf32, #tpu.memory_space<vmem>>, %arg7: memref<128x128xf32, #tpu.memory_space<vmem>>, %arg8: memref<128x128xf32, #tpu.memory_space<vmem>>, %arg9: memref<128x128xf32, #tpu.memory_space<vmem>>, %arg10: memref<!tpu.dma_semaphore, #tpu.memory_space<semaphore_mem>>, %arg11: memref<!tpu.dma_semaphore, #tpu.memory_space<semaphore_mem>>) attributes {dimension_semantics = [#tpu.dimension_semantics<core_parallel>, #tpu.dimension_semantics<subcore_parallel>], iteration_bounds = array<i64: 2, 16>, scalar_prefetch = 0 : i64, scratch_operands = 7 : i64, tpu.core_type = #tpu.core_type<sc_vector_subcore>, window_params = [{transform_indices = #map}, {transform_indices = #map}, {transform_indices = #map}]} {
    %mul3A = arith.constant 2 : i32
    %mul3A_0 = arith.muli %arg1, %mul3A : i32
    %add3A = arith.addi %mul3A_0, %arg0 : i32
    %mul3A_1 = arith.constant 20 : i32
    %mul3A_2 = arith.muli %add3A, %mul3A_1 : i32
    "tpu.region"() ({
      %run_scoped3A = tpu.sem_alloc : memref<!tpu.dma_semaphore, #tpu.memory_space<semaphore_mem>>
      %dma_start3A = arith.constant 0 : i32
      %dma_start3A_8 = tpu.memref_slice %arg3[%mul3A_2, %dma_start3A] : memref<640x128xi32, #tpu.memory_space<hbm>> -> memref<20x128xi32, #tpu.memory_space<hbm>>
      %dma_start3A_9 = arith.constant 0 : i32
      %dma_start3A_10 = tpu.memref_slice %arg3[%mul3A_2, %dma_start3A_9] : memref<640x128xi32, #tpu.memory_space<hbm>> -> memref<20x128xi32, #tpu.memory_space<hbm>>
      tpu.enqueue_dma source(%dma_start3A_10 : memref<20x128xi32, #tpu.memory_space<hbm>>) target(%arg5 : memref<20x128xi32, #tpu.memory_space<vmem>>) target_semaphore(%run_scoped3A : memref<!tpu.dma_semaphore, #tpu.memory_space<semaphore_mem>>)
      %dma_wait3A = arith.constant 0 : i32
      %dma_wait3A_11 = tpu.memref_slice %arg3[%mul3A_2, %dma_wait3A] : memref<640x128xi32, #tpu.memory_space<hbm>> -> memref<20x128xi32, #tpu.memory_space<hbm>>
      %dma_wait3A_12 = arith.constant 0 : i32
      %dma_wait3A_13 = tpu.memref_slice %arg3[%mul3A_2, %dma_wait3A_12] : memref<640x128xi32, #tpu.memory_space<hbm>> -> memref<20x128xi32, #tpu.memory_space<hbm>>
      tpu.wait_dma2 semaphore(%run_scoped3A : memref<!tpu.dma_semaphore, #tpu.memory_space<semaphore_mem>>) src(%dma_wait3A_13 : memref<20x128xi32, #tpu.memory_space<hbm>>) dst(%arg5 : memref<20x128xi32, #tpu.memory_space<vmem>>)
      tpu.yield
    }) : () -> ()
    %scan3A = arith.constant 0 : i32
    %scan3A_3 = arith.constant 0 : i32
    %scan3A_4 = arith.constant 5 : i32
    %scan3A_5 = arith.addi %scan3A_3, %scan3A_4 : i32
    %scan3A_6 = arith.constant 1 : i32
    scf.for %scan3A_8 = %scan3A_3 to %scan3A_5 step %scan3A_6  : i32 {
      %mul3A_9 = arith.constant 4 : i32
      %mul3A_10 = arith.muli %scan3A_8, %mul3A_9 : i32
      %add3A_11 = arith.constant 0 : i32
      %add3A_12 = arith.addi %mul3A_10, %add3A_11 : i32
      %dma_start3A = arith.constant 0 : i32
      %dma_start3A_13 = tpu.memref_slice %arg5[%add3A_12, %dma_start3A] : memref<20x128xi32, #tpu.memory_space<vmem>> -> memref<1x128xi32, #tpu.memory_space<vmem>>
      %dma_start3A_14 = tpu.memref_squeeze %dma_start3A_13 : memref<1x128xi32, #tpu.memory_space<vmem>> -> memref<128xi32, #tpu.memory_space<vmem>>
      %dma_start3A_15 = arith.constant 0 : i32
      %dma_start3A_16 = arith.constant 0 : i32
      %dma_start3A_17 = tpu.memref_slice %arg2[%dma_start3A_15, %dma_start3A_16] : memref<10000x128xf32, #tpu.memory_space<hbm>> -> memref<10000x128xf32, #tpu.memory_space<hbm>>
      tpu.enqueue_indirect_dma source(%dma_start3A_17 : memref<10000x128xf32, #tpu.memory_space<hbm>>) target(%arg6 : memref<128x128xf32, #tpu.memory_space<vmem>>) offsets(%dma_start3A_14 : memref<128xi32, #tpu.memory_space<vmem>>) semaphore(%arg10 : memref<!tpu.dma_semaphore, #tpu.memory_space<semaphore_mem>>)
      %add3A_18 = arith.constant 1 : i32
      %add3A_19 = arith.addi %mul3A_10, %add3A_18 : i32
      %dma_start3A_20 = arith.constant 0 : i32
      %dma_start3A_21 = tpu.memref_slice %arg5[%add3A_19, %dma_start3A_20] : memref<20x128xi32, #tpu.memory_space<vmem>> -> memref<1x128xi32, #tpu.memory_space<vmem>>
      %dma_start3A_22 = tpu.memref_squeeze %dma_start3A_21 : memref<1x128xi32, #tpu.memory_space<vmem>> -> memref<128xi32, #tpu.memory_space<vmem>>
      %dma_start3A_23 = arith.constant 0 : i32
      %dma_start3A_24 = arith.constant 0 : i32
      %dma_start3A_25 = tpu.memref_slice %arg2[%dma_start3A_23, %dma_start3A_24] : memref<10000x128xf32, #tpu.memory_space<hbm>> -> memref<10000x128xf32, #tpu.memory_space<hbm>>
      tpu.enqueue_indirect_dma source(%dma_start3A_25 : memref<10000x128xf32, #tpu.memory_space<hbm>>) target(%arg7 : memref<128x128xf32, #tpu.memory_space<vmem>>) offsets(%dma_start3A_22 : memref<128xi32, #tpu.memory_space<vmem>>) semaphore(%arg10 : memref<!tpu.dma_semaphore, #tpu.memory_space<semaphore_mem>>)
      %add3A_26 = arith.constant 2 : i32
      %add3A_27 = arith.addi %mul3A_10, %add3A_26 : i32
      %dma_start3A_28 = arith.constant 0 : i32
      %dma_start3A_29 = tpu.memref_slice %arg5[%add3A_27, %dma_start3A_28] : memref<20x128xi32, #tpu.memory_space<vmem>> -> memref<1x128xi32, #tpu.memory_space<vmem>>
      %dma_start3A_30 = tpu.memref_squeeze %dma_start3A_29 : memref<1x128xi32, #tpu.memory_space<vmem>> -> memref<128xi32, #tpu.memory_space<vmem>>
      %dma_start3A_31 = arith.constant 0 : i32
      %dma_start3A_32 = arith.constant 0 : i32
      %dma_start3A_33 = tpu.memref_slice %arg2[%dma_start3A_31, %dma_start3A_32] : memref<10000x128xf32, #tpu.memory_space<hbm>> -> memref<10000x128xf32, #tpu.memory_space<hbm>>
      tpu.enqueue_indirect_dma source(%dma_start3A_33 : memref<10000x128xf32, #tpu.memory_space<hbm>>) target(%arg8 : memref<128x128xf32, #tpu.memory_space<vmem>>) offsets(%dma_start3A_30 : memref<128xi32, #tpu.memory_space<vmem>>) semaphore(%arg10 : memref<!tpu.dma_semaphore, #tpu.memory_space<semaphore_mem>>)
      %add3A_34 = arith.constant 3 : i32
      %add3A_35 = arith.addi %mul3A_10, %add3A_34 : i32
      %dma_start3A_36 = arith.constant 0 : i32
      %dma_start3A_37 = tpu.memref_slice %arg5[%add3A_35, %dma_start3A_36] : memref<20x128xi32, #tpu.memory_space<vmem>> -> memref<1x128xi32, #tpu.memory_space<vmem>>
      %dma_start3A_38 = tpu.memref_squeeze %dma_start3A_37 : memref<1x128xi32, #tpu.memory_space<vmem>> -> memref<128xi32, #tpu.memory_space<vmem>>
      %dma_start3A_39 = arith.constant 0 : i32
      %dma_start3A_40 = arith.constant 0 : i32
      %dma_start3A_41 = tpu.memref_slice %arg2[%dma_start3A_39, %dma_start3A_40] : memref<10000x128xf32, #tpu.memory_space<hbm>> -> memref<10000x128xf32, #tpu.memory_space<hbm>>
      tpu.enqueue_indirect_dma source(%dma_start3A_41 : memref<10000x128xf32, #tpu.memory_space<hbm>>) target(%arg9 : memref<128x128xf32, #tpu.memory_space<vmem>>) offsets(%dma_start3A_38 : memref<128xi32, #tpu.memory_space<vmem>>) semaphore(%arg10 : memref<!tpu.dma_semaphore, #tpu.memory_space<semaphore_mem>>)
      %dma_wait3A = arith.constant 0 : i32
      %dma_wait3A_42 = tpu.memref_slice %arg5[%add3A_12, %dma_wait3A] : memref<20x128xi32, #tpu.memory_space<vmem>> -> memref<1x128xi32, #tpu.memory_space<vmem>>
      %dma_wait3A_43 = tpu.memref_squeeze %dma_wait3A_42 : memref<1x128xi32, #tpu.memory_space<vmem>> -> memref<128xi32, #tpu.memory_space<vmem>>
      %dma_wait3A_44 = arith.constant 0 : i32
      %dma_wait3A_45 = arith.constant 0 : i32
      %dma_wait3A_46 = tpu.memref_slice %arg2[%dma_wait3A_44, %dma_wait3A_45] : memref<10000x128xf32, #tpu.memory_space<hbm>> -> memref<10000x128xf32, #tpu.memory_space<hbm>>
      tpu.wait_indirect_dma semaphore(%arg10 : memref<!tpu.dma_semaphore, #tpu.memory_space<semaphore_mem>>) src(%dma_wait3A_46 : memref<10000x128xf32, #tpu.memory_space<hbm>>) dst(%arg6 : memref<128x128xf32, #tpu.memory_space<vmem>>)
      %add3A_47 = arith.addi %mul3A_2, %mul3A_10 : i32
      %add3A_48 = arith.constant 0 : i32
      %add3A_49 = arith.addi %add3A_47, %add3A_48 : i32
      %mul3A_50 = arith.constant 128 : i32
      %mul3A_51 = arith.muli %add3A_49, %mul3A_50 : i32
      %dma_start3A_52 = arith.constant 0 : i32
      %dma_start3A_53 = tpu.memref_slice %arg4[%mul3A_51, %dma_start3A_52] : memref<81920x128xf32, #tpu.memory_space<hbm>> -> memref<128x128xf32, #tpu.memory_space<hbm>>
      %dma_start3A_54 = arith.constant 0 : i32
      %dma_start3A_55 = tpu.memref_slice %arg4[%mul3A_51, %dma_start3A_54] : memref<81920x128xf32, #tpu.memory_space<hbm>> -> memref<128x128xf32, #tpu.memory_space<hbm>>
      tpu.enqueue_dma source(%arg6 : memref<128x128xf32, #tpu.memory_space<vmem>>) target(%dma_start3A_55 : memref<128x128xf32, #tpu.memory_space<hbm>>) target_semaphore(%arg11 : memref<!tpu.dma_semaphore, #tpu.memory_space<semaphore_mem>>)
      %dma_wait3A_56 = arith.constant 0 : i32
      %dma_wait3A_57 = tpu.memref_slice %arg5[%add3A_19, %dma_wait3A_56] : memref<20x128xi32, #tpu.memory_space<vmem>> -> memref<1x128xi32, #tpu.memory_space<vmem>>
      %dma_wait3A_58 = tpu.memref_squeeze %dma_wait3A_57 : memref<1x128xi32, #tpu.memory_space<vmem>> -> memref<128xi32, #tpu.memory_space<vmem>>
      %dma_wait3A_59 = arith.constant 0 : i32
      %dma_wait3A_60 = arith.constant 0 : i32
      %dma_wait3A_61 = tpu.memref_slice %arg2[%dma_wait3A_59, %dma_wait3A_60] : memref<10000x128xf32, #tpu.memory_space<hbm>> -> memref<10000x128xf32, #tpu.memory_space<hbm>>
      tpu.wait_indirect_dma semaphore(%arg10 : memref<!tpu.dma_semaphore, #tpu.memory_space<semaphore_mem>>) src(%dma_wait3A_61 : memref<10000x128xf32, #tpu.memory_space<hbm>>) dst(%arg7 : memref<128x128xf32, #tpu.memory_space<vmem>>)
      %add3A_62 = arith.addi %mul3A_2, %mul3A_10 : i32
      %add3A_63 = arith.constant 1 : i32
      %add3A_64 = arith.addi %add3A_62, %add3A_63 : i32
      %mul3A_65 = arith.constant 128 : i32
      %mul3A_66 = arith.muli %add3A_64, %mul3A_65 : i32
      %dma_start3A_67 = arith.constant 0 : i32
      %dma_start3A_68 = tpu.memref_slice %arg4[%mul3A_66, %dma_start3A_67] : memref<81920x128xf32, #tpu.memory_space<hbm>> -> memref<128x128xf32, #tpu.memory_space<hbm>>
      %dma_start3A_69 = arith.constant 0 : i32
      %dma_start3A_70 = tpu.memref_slice %arg4[%mul3A_66, %dma_start3A_69] : memref<81920x128xf32, #tpu.memory_space<hbm>> -> memref<128x128xf32, #tpu.memory_space<hbm>>
      tpu.enqueue_dma source(%arg7 : memref<128x128xf32, #tpu.memory_space<vmem>>) target(%dma_start3A_70 : memref<128x128xf32, #tpu.memory_space<hbm>>) target_semaphore(%arg11 : memref<!tpu.dma_semaphore, #tpu.memory_space<semaphore_mem>>)
      %dma_wait3A_71 = arith.constant 0 : i32
      %dma_wait3A_72 = tpu.memref_slice %arg5[%add3A_27, %dma_wait3A_71] : memref<20x128xi32, #tpu.memory_space<vmem>> -> memref<1x128xi32, #tpu.memory_space<vmem>>
      %dma_wait3A_73 = tpu.memref_squeeze %dma_wait3A_72 : memref<1x128xi32, #tpu.memory_space<vmem>> -> memref<128xi32, #tpu.memory_space<vmem>>
      %dma_wait3A_74 = arith.constant 0 : i32
      %dma_wait3A_75 = arith.constant 0 : i32
      %dma_wait3A_76 = tpu.memref_slice %arg2[%dma_wait3A_74, %dma_wait3A_75] : memref<10000x128xf32, #tpu.memory_space<hbm>> -> memref<10000x128xf32, #tpu.memory_space<hbm>>
      tpu.wait_indirect_dma semaphore(%arg10 : memref<!tpu.dma_semaphore, #tpu.memory_space<semaphore_mem>>) src(%dma_wait3A_76 : memref<10000x128xf32, #tpu.memory_space<hbm>>) dst(%arg8 : memref<128x128xf32, #tpu.memory_space<vmem>>)
      %add3A_77 = arith.addi %mul3A_2, %mul3A_10 : i32
      %add3A_78 = arith.constant 2 : i32
      %add3A_79 = arith.addi %add3A_77, %add3A_78 : i32
      %mul3A_80 = arith.constant 128 : i32
      %mul3A_81 = arith.muli %add3A_79, %mul3A_80 : i32
      %dma_start3A_82 = arith.constant 0 : i32
      %dma_start3A_83 = tpu.memref_slice %arg4[%mul3A_81, %dma_start3A_82] : memref<81920x128xf32, #tpu.memory_space<hbm>> -> memref<128x128xf32, #tpu.memory_space<hbm>>
      %dma_start3A_84 = arith.constant 0 : i32
      %dma_start3A_85 = tpu.memref_slice %arg4[%mul3A_81, %dma_start3A_84] : memref<81920x128xf32, #tpu.memory_space<hbm>> -> memref<128x128xf32, #tpu.memory_space<hbm>>
      tpu.enqueue_dma source(%arg8 : memref<128x128xf32, #tpu.memory_space<vmem>>) target(%dma_start3A_85 : memref<128x128xf32, #tpu.memory_space<hbm>>) target_semaphore(%arg11 : memref<!tpu.dma_semaphore, #tpu.memory_space<semaphore_mem>>)
      %dma_wait3A_86 = arith.constant 0 : i32
      %dma_wait3A_87 = tpu.memref_slice %arg5[%add3A_35, %dma_wait3A_86] : memref<20x128xi32, #tpu.memory_space<vmem>> -> memref<1x128xi32, #tpu.memory_space<vmem>>
      %dma_wait3A_88 = tpu.memref_squeeze %dma_wait3A_87 : memref<1x128xi32, #tpu.memory_space<vmem>> -> memref<128xi32, #tpu.memory_space<vmem>>
      %dma_wait3A_89 = arith.constant 0 : i32
      %dma_wait3A_90 = arith.constant 0 : i32
      %dma_wait3A_91 = tpu.memref_slice %arg2[%dma_wait3A_89, %dma_wait3A_90] : memref<10000x128xf32, #tpu.memory_space<hbm>> -> memref<10000x128xf32, #tpu.memory_space<hbm>>
      tpu.wait_indirect_dma semaphore(%arg10 : memref<!tpu.dma_semaphore, #tpu.memory_space<semaphore_mem>>) src(%dma_wait3A_91 : memref<10000x128xf32, #tpu.memory_space<hbm>>) dst(%arg9 : memref<128x128xf32, #tpu.memory_space<vmem>>)
      %add3A_92 = arith.addi %mul3A_2, %mul3A_10 : i32
      %add3A_93 = arith.constant 3 : i32
      %add3A_94 = arith.addi %add3A_92, %add3A_93 : i32
      %mul3A_95 = arith.constant 128 : i32
      %mul3A_96 = arith.muli %add3A_94, %mul3A_95 : i32
      %dma_start3A_97 = arith.constant 0 : i32
      %dma_start3A_98 = tpu.memref_slice %arg4[%mul3A_96, %dma_start3A_97] : memref<81920x128xf32, #tpu.memory_space<hbm>> -> memref<128x128xf32, #tpu.memory_space<hbm>>
      %dma_start3A_99 = arith.constant 0 : i32
      %dma_start3A_100 = tpu.memref_slice %arg4[%mul3A_96, %dma_start3A_99] : memref<81920x128xf32, #tpu.memory_space<hbm>> -> memref<128x128xf32, #tpu.memory_space<hbm>>
      tpu.enqueue_dma source(%arg9 : memref<128x128xf32, #tpu.memory_space<vmem>>) target(%dma_start3A_100 : memref<128x128xf32, #tpu.memory_space<hbm>>) target_semaphore(%arg11 : memref<!tpu.dma_semaphore, #tpu.memory_space<semaphore_mem>>)
      %dma_wait3A_101 = arith.constant 0 : i32
      %dma_wait3A_102 = tpu.memref_slice %arg4[%mul3A_51, %dma_wait3A_101] : memref<81920x128xf32, #tpu.memory_space<hbm>> -> memref<128x128xf32, #tpu.memory_space<hbm>>
      %dma_wait3A_103 = arith.constant 0 : i32
      %dma_wait3A_104 = tpu.memref_slice %arg4[%mul3A_51, %dma_wait3A_103] : memref<81920x128xf32, #tpu.memory_space<hbm>> -> memref<128x128xf32, #tpu.memory_space<hbm>>
      tpu.wait_dma2 semaphore(%arg11 : memref<!tpu.dma_semaphore, #tpu.memory_space<semaphore_mem>>) src(%arg6 : memref<128x128xf32, #tpu.memory_space<vmem>>) dst(%dma_wait3A_104 : memref<128x128xf32, #tpu.memory_space<hbm>>)
      %dma_wait3A_105 = arith.constant 0 : i32
      %dma_wait3A_106 = tpu.memref_slice %arg4[%mul3A_66, %dma_wait3A_105] : memref<81920x128xf32, #tpu.memory_space<hbm>> -> memref<128x128xf32, #tpu.memory_space<hbm>>
      %dma_wait3A_107 = arith.constant 0 : i32
      %dma_wait3A_108 = tpu.memref_slice %arg4[%mul3A_66, %dma_wait3A_107] : memref<81920x128xf32, #tpu.memory_space<hbm>> -> memref<128x128xf32, #tpu.memory_space<hbm>>
      tpu.wait_dma2 semaphore(%arg11 : memref<!tpu.dma_semaphore, #tpu.memory_space<semaphore_mem>>) src(%arg7 : memref<128x128xf32, #tpu.memory_space<vmem>>) dst(%dma_wait3A_108 : memref<128x128xf32, #tpu.memory_space<hbm>>)
      %dma_wait3A_109 = arith.constant 0 : i32
      %dma_wait3A_110 = tpu.memref_slice %arg4[%mul3A_81, %dma_wait3A_109] : memref<81920x128xf32, #tpu.memory_space<hbm>> -> memref<128x128xf32, #tpu.memory_space<hbm>>
      %dma_wait3A_111 = arith.constant 0 : i32
      %dma_wait3A_112 = tpu.memref_slice %arg4[%mul3A_81, %dma_wait3A_111] : memref<81920x128xf32, #tpu.memory_space<hbm>> -> memref<128x128xf32, #tpu.memory_space<hbm>>
      tpu.wait_dma2 semaphore(%arg11 : memref<!tpu.dma_semaphore, #tpu.memory_space<semaphore_mem>>) src(%arg8 : memref<128x128xf32, #tpu.memory_space<vmem>>) dst(%dma_wait3A_112 : memref<128x128xf32, #tpu.memory_space<hbm>>)
      %dma_wait3A_113 = arith.constant 0 : i32
      %dma_wait3A_114 = tpu.memref_slice %arg4[%mul3A_96, %dma_wait3A_113] : memref<81920x128xf32, #tpu.memory_space<hbm>> -> memref<128x128xf32, #tpu.memory_space<hbm>>
      %dma_wait3A_115 = arith.constant 0 : i32
      %dma_wait3A_116 = tpu.memref_slice %arg4[%mul3A_96, %dma_wait3A_115] : memref<81920x128xf32, #tpu.memory_space<hbm>> -> memref<128x128xf32, #tpu.memory_space<hbm>>
      tpu.wait_dma2 semaphore(%arg11 : memref<!tpu.dma_semaphore, #tpu.memory_space<semaphore_mem>>) src(%arg9 : memref<128x128xf32, #tpu.memory_space<vmem>>) dst(%dma_wait3A_116 : memref<128x128xf32, #tpu.memory_space<hbm>>)
    }
    %scan3A_7 = arith.constant 5 : i32
    return
  }
}

#map = affine_map<(d0, d1) -> (0, 0)>
module attributes {stable_mosaic.version = 14 : i64} {
  func.func @_sc_scatter(%arg0: i32, %arg1: i32, %arg2: memref<81920x8xf32, #tpu.memory_space<hbm>>, %arg3: memref<640x128xi32, #tpu.memory_space<hbm>>, %arg4: memref<10016x8xf32, #tpu.memory_space<hbm>>, %arg5: memref<20000x8xf32, #tpu.memory_space<hbm>>, %arg6: memref<20x128xi32, #tpu.memory_space<vmem>>, %arg7: memref<1280x8xf32, #tpu.memory_space<vmem>>, %arg8: memref<10016x8xf32, #tpu.memory_space<vmem_shared>>) attributes {dimension_semantics = [#tpu.dimension_semantics<core_parallel>, #tpu.dimension_semantics<subcore_parallel>], iteration_bounds = array<i64: 2, 16>, scalar_prefetch = 0 : i64, scratch_operands = 3 : i64, tpu.core_type = #tpu.core_type<sc_vector_subcore>, window_params = [{transform_indices = #map}, {transform_indices = #map}, {transform_indices = #map}, {transform_indices = #map}]} {
    %mul3A = arith.constant 2 : i32
    %mul3A_0 = arith.muli %arg1, %mul3A : i32
    %add3A = arith.addi %mul3A_0, %arg0 : i32
    %mul3A_1 = arith.constant 20 : i32
    %mul3A_2 = arith.muli %add3A, %mul3A_1 : i32
    %mul3A_3 = arith.constant 626 : i32
    %mul3A_4 = arith.muli %arg1, %mul3A_3 : i32
    "tpu.region"() ({
      %run_scoped3A = tpu.sem_alloc : memref<!tpu.dma_semaphore, #tpu.memory_space<semaphore_mem>>
      %dma_start3A = arith.constant 0 : i32
      %dma_start3A_18 = tpu.memref_slice %arg8[%mul3A_4, %dma_start3A] : memref<10016x8xf32, #tpu.memory_space<vmem_shared>> -> memref<626x8xf32, #tpu.memory_space<vmem_shared>>
      %dma_start3A_19 = arith.constant 0 : i32
      %dma_start3A_20 = tpu.memref_slice %arg4[%mul3A_4, %dma_start3A_19] : memref<10016x8xf32, #tpu.memory_space<hbm>> -> memref<626x8xf32, #tpu.memory_space<hbm>>
      tpu.enqueue_dma source(%dma_start3A_20 : memref<626x8xf32, #tpu.memory_space<hbm>>) target(%dma_start3A_18 : memref<626x8xf32, #tpu.memory_space<vmem_shared>>) target_semaphore(%run_scoped3A : memref<!tpu.dma_semaphore, #tpu.memory_space<semaphore_mem>>)
      %dma_wait3A = arith.constant 0 : i32
      %dma_wait3A_21 = tpu.memref_slice %arg8[%mul3A_4, %dma_wait3A] : memref<10016x8xf32, #tpu.memory_space<vmem_shared>> -> memref<626x8xf32, #tpu.memory_space<vmem_shared>>
      %dma_wait3A_22 = arith.constant 0 : i32
      %dma_wait3A_23 = tpu.memref_slice %arg4[%mul3A_4, %dma_wait3A_22] : memref<10016x8xf32, #tpu.memory_space<hbm>> -> memref<626x8xf32, #tpu.memory_space<hbm>>
      tpu.wait_dma2 semaphore(%run_scoped3A : memref<!tpu.dma_semaphore, #tpu.memory_space<semaphore_mem>>) src(%dma_wait3A_23 : memref<626x8xf32, #tpu.memory_space<hbm>>) dst(%dma_wait3A_21 : memref<626x8xf32, #tpu.memory_space<vmem_shared>>)
      tpu.yield
    }) : () -> ()
    "tpu.region"() ({
      %run_scoped3A = tpu.sem_alloc : memref<!tpu.dma_semaphore, #tpu.memory_space<semaphore_mem>>
      %dma_start3A = arith.constant 0 : i32
      %dma_start3A_18 = tpu.memref_slice %arg3[%mul3A_2, %dma_start3A] : memref<640x128xi32, #tpu.memory_space<hbm>> -> memref<20x128xi32, #tpu.memory_space<hbm>>
      %dma_start3A_19 = arith.constant 0 : i32
      %dma_start3A_20 = tpu.memref_slice %arg3[%mul3A_2, %dma_start3A_19] : memref<640x128xi32, #tpu.memory_space<hbm>> -> memref<20x128xi32, #tpu.memory_space<hbm>>
      tpu.enqueue_dma source(%dma_start3A_20 : memref<20x128xi32, #tpu.memory_space<hbm>>) target(%arg6 : memref<20x128xi32, #tpu.memory_space<vmem>>) target_semaphore(%run_scoped3A : memref<!tpu.dma_semaphore, #tpu.memory_space<semaphore_mem>>)
      %dma_wait3A = arith.constant 0 : i32
      %dma_wait3A_21 = tpu.memref_slice %arg3[%mul3A_2, %dma_wait3A] : memref<640x128xi32, #tpu.memory_space<hbm>> -> memref<20x128xi32, #tpu.memory_space<hbm>>
      %dma_wait3A_22 = arith.constant 0 : i32
      %dma_wait3A_23 = tpu.memref_slice %arg3[%mul3A_2, %dma_wait3A_22] : memref<640x128xi32, #tpu.memory_space<hbm>> -> memref<20x128xi32, #tpu.memory_space<hbm>>
      tpu.wait_dma2 semaphore(%run_scoped3A : memref<!tpu.dma_semaphore, #tpu.memory_space<semaphore_mem>>) src(%dma_wait3A_23 : memref<20x128xi32, #tpu.memory_space<hbm>>) dst(%arg6 : memref<20x128xi32, #tpu.memory_space<vmem>>)
      tpu.yield
    }) : () -> ()
    %barrier3A = arith.constant 0 : index
    tpu.barrier barrier_id(%barrier3A)
    %scan3A = arith.constant 0 : i32
    %scan3A_5 = arith.constant 0 : i32
    %scan3A_6 = arith.constant 2 : i32
    %scan3A_7 = arith.addi %scan3A_5, %scan3A_6 : i32
    %scan3A_8 = arith.constant 1 : i32
    scf.for %scan3A_18 = %scan3A_5 to %scan3A_7 step %scan3A_8  : i32 {
      %mul3A_19 = arith.constant 10 : i32
      %mul3A_20 = arith.muli %scan3A_18, %mul3A_19 : i32
      %add3A_21 = arith.addi %mul3A_2, %mul3A_20 : i32
      %mul3A_22 = arith.constant 128 : i32
      %mul3A_23 = arith.muli %add3A_21, %mul3A_22 : i32
      "tpu.region"() ({
        %run_scoped3A = tpu.sem_alloc : memref<!tpu.dma_semaphore, #tpu.memory_space<semaphore_mem>>
        %dma_start3A = arith.constant 0 : i32
        %dma_start3A_44 = tpu.memref_slice %arg2[%mul3A_23, %dma_start3A] : memref<81920x8xf32, #tpu.memory_space<hbm>> -> memref<1280x8xf32, #tpu.memory_space<hbm>>
        %dma_start3A_45 = arith.constant 0 : i32
        %dma_start3A_46 = tpu.memref_slice %arg2[%mul3A_23, %dma_start3A_45] : memref<81920x8xf32, #tpu.memory_space<hbm>> -> memref<1280x8xf32, #tpu.memory_space<hbm>>
        tpu.enqueue_dma source(%dma_start3A_46 : memref<1280x8xf32, #tpu.memory_space<hbm>>) target(%arg7 : memref<1280x8xf32, #tpu.memory_space<vmem>>) target_semaphore(%run_scoped3A : memref<!tpu.dma_semaphore, #tpu.memory_space<semaphore_mem>>)
        %dma_wait3A = arith.constant 0 : i32
        %dma_wait3A_47 = tpu.memref_slice %arg2[%mul3A_23, %dma_wait3A] : memref<81920x8xf32, #tpu.memory_space<hbm>> -> memref<1280x8xf32, #tpu.memory_space<hbm>>
        %dma_wait3A_48 = arith.constant 0 : i32
        %dma_wait3A_49 = tpu.memref_slice %arg2[%mul3A_23, %dma_wait3A_48] : memref<81920x8xf32, #tpu.memory_space<hbm>> -> memref<1280x8xf32, #tpu.memory_space<hbm>>
        tpu.wait_dma2 semaphore(%run_scoped3A : memref<!tpu.dma_semaphore, #tpu.memory_space<semaphore_mem>>) src(%dma_wait3A_49 : memref<1280x8xf32, #tpu.memory_space<hbm>>) dst(%arg7 : memref<1280x8xf32, #tpu.memory_space<vmem>>)
        tpu.yield
      }) : () -> ()
      %add3A_24 = arith.constant 0 : i32
      %add3A_25 = arith.addi %mul3A_20, %add3A_24 : i32
      "tpu.region"() ({
        %run_scoped3A = tpu.sem_alloc : memref<!tpu.dma_semaphore, #tpu.memory_space<semaphore_mem>>
        %dma_start3A = arith.constant 0 : i32
        %dma_start3A_44 = arith.constant 0 : i32
        %dma_start3A_45 = tpu.memref_slice %arg7[%dma_start3A, %dma_start3A_44] : memref<1280x8xf32, #tpu.memory_space<vmem>> -> memref<128x8xf32, #tpu.memory_space<vmem>>
        %dma_start3A_46 = arith.constant 0 : i32
        %dma_start3A_47 = tpu.memref_slice %arg6[%add3A_25, %dma_start3A_46] : memref<20x128xi32, #tpu.memory_space<vmem>> -> memref<1x128xi32, #tpu.memory_space<vmem>>
        %dma_start3A_48 = tpu.memref_squeeze %dma_start3A_47 : memref<1x128xi32, #tpu.memory_space<vmem>> -> memref<128xi32, #tpu.memory_space<vmem>>
        %dma_start3A_49 = arith.constant 0 : i32
        %dma_start3A_50 = arith.constant 0 : i32
        %dma_start3A_51 = tpu.memref_slice %arg8[%dma_start3A_49, %dma_start3A_50] : memref<10016x8xf32, #tpu.memory_space<vmem_shared>> -> memref<10016x8xf32, #tpu.memory_space<vmem_shared>>
        tpu.enqueue_indirect_dma source(%dma_start3A_45 : memref<128x8xf32, #tpu.memory_space<vmem>>) target(%dma_start3A_51 : memref<10016x8xf32, #tpu.memory_space<vmem_shared>>) offsets(%dma_start3A_48 : memref<128xi32, #tpu.memory_space<vmem>>) semaphore(%run_scoped3A : memref<!tpu.dma_semaphore, #tpu.memory_space<semaphore_mem>>) {add = true}
        %dma_wait3A = arith.constant 0 : i32
        %dma_wait3A_52 = arith.constant 0 : i32
        %dma_wait3A_53 = tpu.memref_slice %arg7[%dma_wait3A, %dma_wait3A_52] : memref<1280x8xf32, #tpu.memory_space<vmem>> -> memref<128x8xf32, #tpu.memory_space<vmem>>
        %dma_wait3A_54 = arith.constant 0 : i32
        %dma_wait3A_55 = tpu.memref_slice %arg6[%add3A_25, %dma_wait3A_54] : memref<20x128xi32, #tpu.memory_space<vmem>> -> memref<1x128xi32, #tpu.memory_space<vmem>>
        %dma_wait3A_56 = tpu.memref_squeeze %dma_wait3A_55 : memref<1x128xi32, #tpu.memory_space<vmem>> -> memref<128xi32, #tpu.memory_space<vmem>>
        %dma_wait3A_57 = arith.constant 0 : i32
        %dma_wait3A_58 = arith.constant 0 : i32
        %dma_wait3A_59 = tpu.memref_slice %arg8[%dma_wait3A_57, %dma_wait3A_58] : memref<10016x8xf32, #tpu.memory_space<vmem_shared>> -> memref<10016x8xf32, #tpu.memory_space<vmem_shared>>
        tpu.wait_indirect_dma semaphore(%run_scoped3A : memref<!tpu.dma_semaphore, #tpu.memory_space<semaphore_mem>>) src(%dma_wait3A_53 : memref<128x8xf32, #tpu.memory_space<vmem>>) dst(%dma_wait3A_59 : memref<10016x8xf32, #tpu.memory_space<vmem_shared>>)
        tpu.yield
      }) : () -> ()
      %add3A_26 = arith.constant 1 : i32
      %add3A_27 = arith.addi %mul3A_20, %add3A_26 : i32
      "tpu.region"() ({
        %run_scoped3A = tpu.sem_alloc : memref<!tpu.dma_semaphore, #tpu.memory_space<semaphore_mem>>
        %dma_start3A = arith.constant 128 : i32
        %dma_start3A_44 = arith.constant 0 : i32
        %dma_start3A_45 = tpu.memref_slice %arg7[%dma_start3A, %dma_start3A_44] : memref<1280x8xf32, #tpu.memory_space<vmem>> -> memref<128x8xf32, #tpu.memory_space<vmem>>
        %dma_start3A_46 = arith.constant 0 : i32
        %dma_start3A_47 = tpu.memref_slice %arg6[%add3A_27, %dma_start3A_46] : memref<20x128xi32, #tpu.memory_space<vmem>> -> memref<1x128xi32, #tpu.memory_space<vmem>>
        %dma_start3A_48 = tpu.memref_squeeze %dma_start3A_47 : memref<1x128xi32, #tpu.memory_space<vmem>> -> memref<128xi32, #tpu.memory_space<vmem>>
        %dma_start3A_49 = arith.constant 0 : i32
        %dma_start3A_50 = arith.constant 0 : i32
        %dma_start3A_51 = tpu.memref_slice %arg8[%dma_start3A_49, %dma_start3A_50] : memref<10016x8xf32, #tpu.memory_space<vmem_shared>> -> memref<10016x8xf32, #tpu.memory_space<vmem_shared>>
        tpu.enqueue_indirect_dma source(%dma_start3A_45 : memref<128x8xf32, #tpu.memory_space<vmem>>) target(%dma_start3A_51 : memref<10016x8xf32, #tpu.memory_space<vmem_shared>>) offsets(%dma_start3A_48 : memref<128xi32, #tpu.memory_space<vmem>>) semaphore(%run_scoped3A : memref<!tpu.dma_semaphore, #tpu.memory_space<semaphore_mem>>) {add = true}
        %dma_wait3A = arith.constant 128 : i32
        %dma_wait3A_52 = arith.constant 0 : i32
        %dma_wait3A_53 = tpu.memref_slice %arg7[%dma_wait3A, %dma_wait3A_52] : memref<1280x8xf32, #tpu.memory_space<vmem>> -> memref<128x8xf32, #tpu.memory_space<vmem>>
        %dma_wait3A_54 = arith.constant 0 : i32
        %dma_wait3A_55 = tpu.memref_slice %arg6[%add3A_27, %dma_wait3A_54] : memref<20x128xi32, #tpu.memory_space<vmem>> -> memref<1x128xi32, #tpu.memory_space<vmem>>
        %dma_wait3A_56 = tpu.memref_squeeze %dma_wait3A_55 : memref<1x128xi32, #tpu.memory_space<vmem>> -> memref<128xi32, #tpu.memory_space<vmem>>
        %dma_wait3A_57 = arith.constant 0 : i32
        %dma_wait3A_58 = arith.constant 0 : i32
        %dma_wait3A_59 = tpu.memref_slice %arg8[%dma_wait3A_57, %dma_wait3A_58] : memref<10016x8xf32, #tpu.memory_space<vmem_shared>> -> memref<10016x8xf32, #tpu.memory_space<vmem_shared>>
        tpu.wait_indirect_dma semaphore(%run_scoped3A : memref<!tpu.dma_semaphore, #tpu.memory_space<semaphore_mem>>) src(%dma_wait3A_53 : memref<128x8xf32, #tpu.memory_space<vmem>>) dst(%dma_wait3A_59 : memref<10016x8xf32, #tpu.memory_space<vmem_shared>>)
        tpu.yield
      }) : () -> ()
      %add3A_28 = arith.constant 2 : i32
      %add3A_29 = arith.addi %mul3A_20, %add3A_28 : i32
      "tpu.region"() ({
        %run_scoped3A = tpu.sem_alloc : memref<!tpu.dma_semaphore, #tpu.memory_space<semaphore_mem>>
        %dma_start3A = arith.constant 256 : i32
        %dma_start3A_44 = arith.constant 0 : i32
        %dma_start3A_45 = tpu.memref_slice %arg7[%dma_start3A, %dma_start3A_44] : memref<1280x8xf32, #tpu.memory_space<vmem>> -> memref<128x8xf32, #tpu.memory_space<vmem>>
        %dma_start3A_46 = arith.constant 0 : i32
        %dma_start3A_47 = tpu.memref_slice %arg6[%add3A_29, %dma_start3A_46] : memref<20x128xi32, #tpu.memory_space<vmem>> -> memref<1x128xi32, #tpu.memory_space<vmem>>
        %dma_start3A_48 = tpu.memref_squeeze %dma_start3A_47 : memref<1x128xi32, #tpu.memory_space<vmem>> -> memref<128xi32, #tpu.memory_space<vmem>>
        %dma_start3A_49 = arith.constant 0 : i32
        %dma_start3A_50 = arith.constant 0 : i32
        %dma_start3A_51 = tpu.memref_slice %arg8[%dma_start3A_49, %dma_start3A_50] : memref<10016x8xf32, #tpu.memory_space<vmem_shared>> -> memref<10016x8xf32, #tpu.memory_space<vmem_shared>>
        tpu.enqueue_indirect_dma source(%dma_start3A_45 : memref<128x8xf32, #tpu.memory_space<vmem>>) target(%dma_start3A_51 : memref<10016x8xf32, #tpu.memory_space<vmem_shared>>) offsets(%dma_start3A_48 : memref<128xi32, #tpu.memory_space<vmem>>) semaphore(%run_scoped3A : memref<!tpu.dma_semaphore, #tpu.memory_space<semaphore_mem>>) {add = true}
        %dma_wait3A = arith.constant 256 : i32
        %dma_wait3A_52 = arith.constant 0 : i32
        %dma_wait3A_53 = tpu.memref_slice %arg7[%dma_wait3A, %dma_wait3A_52] : memref<1280x8xf32, #tpu.memory_space<vmem>> -> memref<128x8xf32, #tpu.memory_space<vmem>>
        %dma_wait3A_54 = arith.constant 0 : i32
        %dma_wait3A_55 = tpu.memref_slice %arg6[%add3A_29, %dma_wait3A_54] : memref<20x128xi32, #tpu.memory_space<vmem>> -> memref<1x128xi32, #tpu.memory_space<vmem>>
        %dma_wait3A_56 = tpu.memref_squeeze %dma_wait3A_55 : memref<1x128xi32, #tpu.memory_space<vmem>> -> memref<128xi32, #tpu.memory_space<vmem>>
        %dma_wait3A_57 = arith.constant 0 : i32
        %dma_wait3A_58 = arith.constant 0 : i32
        %dma_wait3A_59 = tpu.memref_slice %arg8[%dma_wait3A_57, %dma_wait3A_58] : memref<10016x8xf32, #tpu.memory_space<vmem_shared>> -> memref<10016x8xf32, #tpu.memory_space<vmem_shared>>
        tpu.wait_indirect_dma semaphore(%run_scoped3A : memref<!tpu.dma_semaphore, #tpu.memory_space<semaphore_mem>>) src(%dma_wait3A_53 : memref<128x8xf32, #tpu.memory_space<vmem>>) dst(%dma_wait3A_59 : memref<10016x8xf32, #tpu.memory_space<vmem_shared>>)
        tpu.yield
      }) : () -> ()
      %add3A_30 = arith.constant 3 : i32
      %add3A_31 = arith.addi %mul3A_20, %add3A_30 : i32
      "tpu.region"() ({
        %run_scoped3A = tpu.sem_alloc : memref<!tpu.dma_semaphore, #tpu.memory_space<semaphore_mem>>
        %dma_start3A = arith.constant 384 : i32
        %dma_start3A_44 = arith.constant 0 : i32
        %dma_start3A_45 = tpu.memref_slice %arg7[%dma_start3A, %dma_start3A_44] : memref<1280x8xf32, #tpu.memory_space<vmem>> -> memref<128x8xf32, #tpu.memory_space<vmem>>
        %dma_start3A_46 = arith.constant 0 : i32
        %dma_start3A_47 = tpu.memref_slice %arg6[%add3A_31, %dma_start3A_46] : memref<20x128xi32, #tpu.memory_space<vmem>> -> memref<1x128xi32, #tpu.memory_space<vmem>>
        %dma_start3A_48 = tpu.memref_squeeze %dma_start3A_47 : memref<1x128xi32, #tpu.memory_space<vmem>> -> memref<128xi32, #tpu.memory_space<vmem>>
        %dma_start3A_49 = arith.constant 0 : i32
        %dma_start3A_50 = arith.constant 0 : i32
        %dma_start3A_51 = tpu.memref_slice %arg8[%dma_start3A_49, %dma_start3A_50] : memref<10016x8xf32, #tpu.memory_space<vmem_shared>> -> memref<10016x8xf32, #tpu.memory_space<vmem_shared>>
        tpu.enqueue_indirect_dma source(%dma_start3A_45 : memref<128x8xf32, #tpu.memory_space<vmem>>) target(%dma_start3A_51 : memref<10016x8xf32, #tpu.memory_space<vmem_shared>>) offsets(%dma_start3A_48 : memref<128xi32, #tpu.memory_space<vmem>>) semaphore(%run_scoped3A : memref<!tpu.dma_semaphore, #tpu.memory_space<semaphore_mem>>) {add = true}
        %dma_wait3A = arith.constant 384 : i32
        %dma_wait3A_52 = arith.constant 0 : i32
        %dma_wait3A_53 = tpu.memref_slice %arg7[%dma_wait3A, %dma_wait3A_52] : memref<1280x8xf32, #tpu.memory_space<vmem>> -> memref<128x8xf32, #tpu.memory_space<vmem>>
        %dma_wait3A_54 = arith.constant 0 : i32
        %dma_wait3A_55 = tpu.memref_slice %arg6[%add3A_31, %dma_wait3A_54] : memref<20x128xi32, #tpu.memory_space<vmem>> -> memref<1x128xi32, #tpu.memory_space<vmem>>
        %dma_wait3A_56 = tpu.memref_squeeze %dma_wait3A_55 : memref<1x128xi32, #tpu.memory_space<vmem>> -> memref<128xi32, #tpu.memory_space<vmem>>
        %dma_wait3A_57 = arith.constant 0 : i32
        %dma_wait3A_58 = arith.constant 0 : i32
        %dma_wait3A_59 = tpu.memref_slice %arg8[%dma_wait3A_57, %dma_wait3A_58] : memref<10016x8xf32, #tpu.memory_space<vmem_shared>> -> memref<10016x8xf32, #tpu.memory_space<vmem_shared>>
        tpu.wait_indirect_dma semaphore(%run_scoped3A : memref<!tpu.dma_semaphore, #tpu.memory_space<semaphore_mem>>) src(%dma_wait3A_53 : memref<128x8xf32, #tpu.memory_space<vmem>>) dst(%dma_wait3A_59 : memref<10016x8xf32, #tpu.memory_space<vmem_shared>>)
        tpu.yield
      }) : () -> ()
      %add3A_32 = arith.constant 4 : i32
      %add3A_33 = arith.addi %mul3A_20, %add3A_32 : i32
      "tpu.region"() ({
        %run_scoped3A = tpu.sem_alloc : memref<!tpu.dma_semaphore, #tpu.memory_space<semaphore_mem>>
        %dma_start3A = arith.constant 512 : i32
        %dma_start3A_44 = arith.constant 0 : i32
        %dma_start3A_45 = tpu.memref_slice %arg7[%dma_start3A, %dma_start3A_44] : memref<1280x8xf32, #tpu.memory_space<vmem>> -> memref<128x8xf32, #tpu.memory_space<vmem>>
        %dma_start3A_46 = arith.constant 0 : i32
        %dma_start3A_47 = tpu.memref_slice %arg6[%add3A_33, %dma_start3A_46] : memref<20x128xi32, #tpu.memory_space<vmem>> -> memref<1x128xi32, #tpu.memory_space<vmem>>
        %dma_start3A_48 = tpu.memref_squeeze %dma_start3A_47 : memref<1x128xi32, #tpu.memory_space<vmem>> -> memref<128xi32, #tpu.memory_space<vmem>>
        %dma_start3A_49 = arith.constant 0 : i32
        %dma_start3A_50 = arith.constant 0 : i32
        %dma_start3A_51 = tpu.memref_slice %arg8[%dma_start3A_49, %dma_start3A_50] : memref<10016x8xf32, #tpu.memory_space<vmem_shared>> -> memref<10016x8xf32, #tpu.memory_space<vmem_shared>>
        tpu.enqueue_indirect_dma source(%dma_start3A_45 : memref<128x8xf32, #tpu.memory_space<vmem>>) target(%dma_start3A_51 : memref<10016x8xf32, #tpu.memory_space<vmem_shared>>) offsets(%dma_start3A_48 : memref<128xi32, #tpu.memory_space<vmem>>) semaphore(%run_scoped3A : memref<!tpu.dma_semaphore, #tpu.memory_space<semaphore_mem>>) {add = true}
        %dma_wait3A = arith.constant 512 : i32
        %dma_wait3A_52 = arith.constant 0 : i32
        %dma_wait3A_53 = tpu.memref_slice %arg7[%dma_wait3A, %dma_wait3A_52] : memref<1280x8xf32, #tpu.memory_space<vmem>> -> memref<128x8xf32, #tpu.memory_space<vmem>>
        %dma_wait3A_54 = arith.constant 0 : i32
        %dma_wait3A_55 = tpu.memref_slice %arg6[%add3A_33, %dma_wait3A_54] : memref<20x128xi32, #tpu.memory_space<vmem>> -> memref<1x128xi32, #tpu.memory_space<vmem>>
        %dma_wait3A_56 = tpu.memref_squeeze %dma_wait3A_55 : memref<1x128xi32, #tpu.memory_space<vmem>> -> memref<128xi32, #tpu.memory_space<vmem>>
        %dma_wait3A_57 = arith.constant 0 : i32
        %dma_wait3A_58 = arith.constant 0 : i32
        %dma_wait3A_59 = tpu.memref_slice %arg8[%dma_wait3A_57, %dma_wait3A_58] : memref<10016x8xf32, #tpu.memory_space<vmem_shared>> -> memref<10016x8xf32, #tpu.memory_space<vmem_shared>>
        tpu.wait_indirect_dma semaphore(%run_scoped3A : memref<!tpu.dma_semaphore, #tpu.memory_space<semaphore_mem>>) src(%dma_wait3A_53 : memref<128x8xf32, #tpu.memory_space<vmem>>) dst(%dma_wait3A_59 : memref<10016x8xf32, #tpu.memory_space<vmem_shared>>)
        tpu.yield
      }) : () -> ()
      %add3A_34 = arith.constant 5 : i32
      %add3A_35 = arith.addi %mul3A_20, %add3A_34 : i32
      "tpu.region"() ({
        %run_scoped3A = tpu.sem_alloc : memref<!tpu.dma_semaphore, #tpu.memory_space<semaphore_mem>>
        %dma_start3A = arith.constant 640 : i32
        %dma_start3A_44 = arith.constant 0 : i32
        %dma_start3A_45 = tpu.memref_slice %arg7[%dma_start3A, %dma_start3A_44] : memref<1280x8xf32, #tpu.memory_space<vmem>> -> memref<128x8xf32, #tpu.memory_space<vmem>>
        %dma_start3A_46 = arith.constant 0 : i32
        %dma_start3A_47 = tpu.memref_slice %arg6[%add3A_35, %dma_start3A_46] : memref<20x128xi32, #tpu.memory_space<vmem>> -> memref<1x128xi32, #tpu.memory_space<vmem>>
        %dma_start3A_48 = tpu.memref_squeeze %dma_start3A_47 : memref<1x128xi32, #tpu.memory_space<vmem>> -> memref<128xi32, #tpu.memory_space<vmem>>
        %dma_start3A_49 = arith.constant 0 : i32
        %dma_start3A_50 = arith.constant 0 : i32
        %dma_start3A_51 = tpu.memref_slice %arg8[%dma_start3A_49, %dma_start3A_50] : memref<10016x8xf32, #tpu.memory_space<vmem_shared>> -> memref<10016x8xf32, #tpu.memory_space<vmem_shared>>
        tpu.enqueue_indirect_dma source(%dma_start3A_45 : memref<128x8xf32, #tpu.memory_space<vmem>>) target(%dma_start3A_51 : memref<10016x8xf32, #tpu.memory_space<vmem_shared>>) offsets(%dma_start3A_48 : memref<128xi32, #tpu.memory_space<vmem>>) semaphore(%run_scoped3A : memref<!tpu.dma_semaphore, #tpu.memory_space<semaphore_mem>>) {add = true}
        %dma_wait3A = arith.constant 640 : i32
        %dma_wait3A_52 = arith.constant 0 : i32
        %dma_wait3A_53 = tpu.memref_slice %arg7[%dma_wait3A, %dma_wait3A_52] : memref<1280x8xf32, #tpu.memory_space<vmem>> -> memref<128x8xf32, #tpu.memory_space<vmem>>
        %dma_wait3A_54 = arith.constant 0 : i32
        %dma_wait3A_55 = tpu.memref_slice %arg6[%add3A_35, %dma_wait3A_54] : memref<20x128xi32, #tpu.memory_space<vmem>> -> memref<1x128xi32, #tpu.memory_space<vmem>>
        %dma_wait3A_56 = tpu.memref_squeeze %dma_wait3A_55 : memref<1x128xi32, #tpu.memory_space<vmem>> -> memref<128xi32, #tpu.memory_space<vmem>>
        %dma_wait3A_57 = arith.constant 0 : i32
        %dma_wait3A_58 = arith.constant 0 : i32
        %dma_wait3A_59 = tpu.memref_slice %arg8[%dma_wait3A_57, %dma_wait3A_58] : memref<10016x8xf32, #tpu.memory_space<vmem_shared>> -> memref<10016x8xf32, #tpu.memory_space<vmem_shared>>
        tpu.wait_indirect_dma semaphore(%run_scoped3A : memref<!tpu.dma_semaphore, #tpu.memory_space<semaphore_mem>>) src(%dma_wait3A_53 : memref<128x8xf32, #tpu.memory_space<vmem>>) dst(%dma_wait3A_59 : memref<10016x8xf32, #tpu.memory_space<vmem_shared>>)
        tpu.yield
      }) : () -> ()
      %add3A_36 = arith.constant 6 : i32
      %add3A_37 = arith.addi %mul3A_20, %add3A_36 : i32
      "tpu.region"() ({
        %run_scoped3A = tpu.sem_alloc : memref<!tpu.dma_semaphore, #tpu.memory_space<semaphore_mem>>
        %dma_start3A = arith.constant 768 : i32
        %dma_start3A_44 = arith.constant 0 : i32
        %dma_start3A_45 = tpu.memref_slice %arg7[%dma_start3A, %dma_start3A_44] : memref<1280x8xf32, #tpu.memory_space<vmem>> -> memref<128x8xf32, #tpu.memory_space<vmem>>
        %dma_start3A_46 = arith.constant 0 : i32
        %dma_start3A_47 = tpu.memref_slice %arg6[%add3A_37, %dma_start3A_46] : memref<20x128xi32, #tpu.memory_space<vmem>> -> memref<1x128xi32, #tpu.memory_space<vmem>>
        %dma_start3A_48 = tpu.memref_squeeze %dma_start3A_47 : memref<1x128xi32, #tpu.memory_space<vmem>> -> memref<128xi32, #tpu.memory_space<vmem>>
        %dma_start3A_49 = arith.constant 0 : i32
        %dma_start3A_50 = arith.constant 0 : i32
        %dma_start3A_51 = tpu.memref_slice %arg8[%dma_start3A_49, %dma_start3A_50] : memref<10016x8xf32, #tpu.memory_space<vmem_shared>> -> memref<10016x8xf32, #tpu.memory_space<vmem_shared>>
        tpu.enqueue_indirect_dma source(%dma_start3A_45 : memref<128x8xf32, #tpu.memory_space<vmem>>) target(%dma_start3A_51 : memref<10016x8xf32, #tpu.memory_space<vmem_shared>>) offsets(%dma_start3A_48 : memref<128xi32, #tpu.memory_space<vmem>>) semaphore(%run_scoped3A : memref<!tpu.dma_semaphore, #tpu.memory_space<semaphore_mem>>) {add = true}
        %dma_wait3A = arith.constant 768 : i32
        %dma_wait3A_52 = arith.constant 0 : i32
        %dma_wait3A_53 = tpu.memref_slice %arg7[%dma_wait3A, %dma_wait3A_52] : memref<1280x8xf32, #tpu.memory_space<vmem>> -> memref<128x8xf32, #tpu.memory_space<vmem>>
        %dma_wait3A_54 = arith.constant 0 : i32
        %dma_wait3A_55 = tpu.memref_slice %arg6[%add3A_37, %dma_wait3A_54] : memref<20x128xi32, #tpu.memory_space<vmem>> -> memref<1x128xi32, #tpu.memory_space<vmem>>
        %dma_wait3A_56 = tpu.memref_squeeze %dma_wait3A_55 : memref<1x128xi32, #tpu.memory_space<vmem>> -> memref<128xi32, #tpu.memory_space<vmem>>
        %dma_wait3A_57 = arith.constant 0 : i32
        %dma_wait3A_58 = arith.constant 0 : i32
        %dma_wait3A_59 = tpu.memref_slice %arg8[%dma_wait3A_57, %dma_wait3A_58] : memref<10016x8xf32, #tpu.memory_space<vmem_shared>> -> memref<10016x8xf32, #tpu.memory_space<vmem_shared>>
        tpu.wait_indirect_dma semaphore(%run_scoped3A : memref<!tpu.dma_semaphore, #tpu.memory_space<semaphore_mem>>) src(%dma_wait3A_53 : memref<128x8xf32, #tpu.memory_space<vmem>>) dst(%dma_wait3A_59 : memref<10016x8xf32, #tpu.memory_space<vmem_shared>>)
        tpu.yield
      }) : () -> ()
      %add3A_38 = arith.constant 7 : i32
      %add3A_39 = arith.addi %mul3A_20, %add3A_38 : i32
      "tpu.region"() ({
        %run_scoped3A = tpu.sem_alloc : memref<!tpu.dma_semaphore, #tpu.memory_space<semaphore_mem>>
        %dma_start3A = arith.constant 896 : i32
        %dma_start3A_44 = arith.constant 0 : i32
        %dma_start3A_45 = tpu.memref_slice %arg7[%dma_start3A, %dma_start3A_44] : memref<1280x8xf32, #tpu.memory_space<vmem>> -> memref<128x8xf32, #tpu.memory_space<vmem>>
        %dma_start3A_46 = arith.constant 0 : i32
        %dma_start3A_47 = tpu.memref_slice %arg6[%add3A_39, %dma_start3A_46] : memref<20x128xi32, #tpu.memory_space<vmem>> -> memref<1x128xi32, #tpu.memory_space<vmem>>
        %dma_start3A_48 = tpu.memref_squeeze %dma_start3A_47 : memref<1x128xi32, #tpu.memory_space<vmem>> -> memref<128xi32, #tpu.memory_space<vmem>>
        %dma_start3A_49 = arith.constant 0 : i32
        %dma_start3A_50 = arith.constant 0 : i32
        %dma_start3A_51 = tpu.memref_slice %arg8[%dma_start3A_49, %dma_start3A_50] : memref<10016x8xf32, #tpu.memory_space<vmem_shared>> -> memref<10016x8xf32, #tpu.memory_space<vmem_shared>>
        tpu.enqueue_indirect_dma source(%dma_start3A_45 : memref<128x8xf32, #tpu.memory_space<vmem>>) target(%dma_start3A_51 : memref<10016x8xf32, #tpu.memory_space<vmem_shared>>) offsets(%dma_start3A_48 : memref<128xi32, #tpu.memory_space<vmem>>) semaphore(%run_scoped3A : memref<!tpu.dma_semaphore, #tpu.memory_space<semaphore_mem>>) {add = true}
        %dma_wait3A = arith.constant 896 : i32
        %dma_wait3A_52 = arith.constant 0 : i32
        %dma_wait3A_53 = tpu.memref_slice %arg7[%dma_wait3A, %dma_wait3A_52] : memref<1280x8xf32, #tpu.memory_space<vmem>> -> memref<128x8xf32, #tpu.memory_space<vmem>>
        %dma_wait3A_54 = arith.constant 0 : i32
        %dma_wait3A_55 = tpu.memref_slice %arg6[%add3A_39, %dma_wait3A_54] : memref<20x128xi32, #tpu.memory_space<vmem>> -> memref<1x128xi32, #tpu.memory_space<vmem>>
        %dma_wait3A_56 = tpu.memref_squeeze %dma_wait3A_55 : memref<1x128xi32, #tpu.memory_space<vmem>> -> memref<128xi32, #tpu.memory_space<vmem>>
        %dma_wait3A_57 = arith.constant 0 : i32
        %dma_wait3A_58 = arith.constant 0 : i32
        %dma_wait3A_59 = tpu.memref_slice %arg8[%dma_wait3A_57, %dma_wait3A_58] : memref<10016x8xf32, #tpu.memory_space<vmem_shared>> -> memref<10016x8xf32, #tpu.memory_space<vmem_shared>>
        tpu.wait_indirect_dma semaphore(%run_scoped3A : memref<!tpu.dma_semaphore, #tpu.memory_space<semaphore_mem>>) src(%dma_wait3A_53 : memref<128x8xf32, #tpu.memory_space<vmem>>) dst(%dma_wait3A_59 : memref<10016x8xf32, #tpu.memory_space<vmem_shared>>)
        tpu.yield
      }) : () -> ()
      %add3A_40 = arith.constant 8 : i32
      %add3A_41 = arith.addi %mul3A_20, %add3A_40 : i32
      "tpu.region"() ({
        %run_scoped3A = tpu.sem_alloc : memref<!tpu.dma_semaphore, #tpu.memory_space<semaphore_mem>>
        %dma_start3A = arith.constant 1024 : i32
        %dma_start3A_44 = arith.constant 0 : i32
        %dma_start3A_45 = tpu.memref_slice %arg7[%dma_start3A, %dma_start3A_44] : memref<1280x8xf32, #tpu.memory_space<vmem>> -> memref<128x8xf32, #tpu.memory_space<vmem>>
        %dma_start3A_46 = arith.constant 0 : i32
        %dma_start3A_47 = tpu.memref_slice %arg6[%add3A_41, %dma_start3A_46] : memref<20x128xi32, #tpu.memory_space<vmem>> -> memref<1x128xi32, #tpu.memory_space<vmem>>
        %dma_start3A_48 = tpu.memref_squeeze %dma_start3A_47 : memref<1x128xi32, #tpu.memory_space<vmem>> -> memref<128xi32, #tpu.memory_space<vmem>>
        %dma_start3A_49 = arith.constant 0 : i32
        %dma_start3A_50 = arith.constant 0 : i32
        %dma_start3A_51 = tpu.memref_slice %arg8[%dma_start3A_49, %dma_start3A_50] : memref<10016x8xf32, #tpu.memory_space<vmem_shared>> -> memref<10016x8xf32, #tpu.memory_space<vmem_shared>>
        tpu.enqueue_indirect_dma source(%dma_start3A_45 : memref<128x8xf32, #tpu.memory_space<vmem>>) target(%dma_start3A_51 : memref<10016x8xf32, #tpu.memory_space<vmem_shared>>) offsets(%dma_start3A_48 : memref<128xi32, #tpu.memory_space<vmem>>) semaphore(%run_scoped3A : memref<!tpu.dma_semaphore, #tpu.memory_space<semaphore_mem>>) {add = true}
        %dma_wait3A = arith.constant 1024 : i32
        %dma_wait3A_52 = arith.constant 0 : i32
        %dma_wait3A_53 = tpu.memref_slice %arg7[%dma_wait3A, %dma_wait3A_52] : memref<1280x8xf32, #tpu.memory_space<vmem>> -> memref<128x8xf32, #tpu.memory_space<vmem>>
        %dma_wait3A_54 = arith.constant 0 : i32
        %dma_wait3A_55 = tpu.memref_slice %arg6[%add3A_41, %dma_wait3A_54] : memref<20x128xi32, #tpu.memory_space<vmem>> -> memref<1x128xi32, #tpu.memory_space<vmem>>
        %dma_wait3A_56 = tpu.memref_squeeze %dma_wait3A_55 : memref<1x128xi32, #tpu.memory_space<vmem>> -> memref<128xi32, #tpu.memory_space<vmem>>
        %dma_wait3A_57 = arith.constant 0 : i32
        %dma_wait3A_58 = arith.constant 0 : i32
        %dma_wait3A_59 = tpu.memref_slice %arg8[%dma_wait3A_57, %dma_wait3A_58] : memref<10016x8xf32, #tpu.memory_space<vmem_shared>> -> memref<10016x8xf32, #tpu.memory_space<vmem_shared>>
        tpu.wait_indirect_dma semaphore(%run_scoped3A : memref<!tpu.dma_semaphore, #tpu.memory_space<semaphore_mem>>) src(%dma_wait3A_53 : memref<128x8xf32, #tpu.memory_space<vmem>>) dst(%dma_wait3A_59 : memref<10016x8xf32, #tpu.memory_space<vmem_shared>>)
        tpu.yield
      }) : () -> ()
      %add3A_42 = arith.constant 9 : i32
      %add3A_43 = arith.addi %mul3A_20, %add3A_42 : i32
      "tpu.region"() ({
        %run_scoped3A = tpu.sem_alloc : memref<!tpu.dma_semaphore, #tpu.memory_space<semaphore_mem>>
        %dma_start3A = arith.constant 1152 : i32
        %dma_start3A_44 = arith.constant 0 : i32
        %dma_start3A_45 = tpu.memref_slice %arg7[%dma_start3A, %dma_start3A_44] : memref<1280x8xf32, #tpu.memory_space<vmem>> -> memref<128x8xf32, #tpu.memory_space<vmem>>
        %dma_start3A_46 = arith.constant 0 : i32
        %dma_start3A_47 = tpu.memref_slice %arg6[%add3A_43, %dma_start3A_46] : memref<20x128xi32, #tpu.memory_space<vmem>> -> memref<1x128xi32, #tpu.memory_space<vmem>>
        %dma_start3A_48 = tpu.memref_squeeze %dma_start3A_47 : memref<1x128xi32, #tpu.memory_space<vmem>> -> memref<128xi32, #tpu.memory_space<vmem>>
        %dma_start3A_49 = arith.constant 0 : i32
        %dma_start3A_50 = arith.constant 0 : i32
        %dma_start3A_51 = tpu.memref_slice %arg8[%dma_start3A_49, %dma_start3A_50] : memref<10016x8xf32, #tpu.memory_space<vmem_shared>> -> memref<10016x8xf32, #tpu.memory_space<vmem_shared>>
        tpu.enqueue_indirect_dma source(%dma_start3A_45 : memref<128x8xf32, #tpu.memory_space<vmem>>) target(%dma_start3A_51 : memref<10016x8xf32, #tpu.memory_space<vmem_shared>>) offsets(%dma_start3A_48 : memref<128xi32, #tpu.memory_space<vmem>>) semaphore(%run_scoped3A : memref<!tpu.dma_semaphore, #tpu.memory_space<semaphore_mem>>) {add = true}
        %dma_wait3A = arith.constant 1152 : i32
        %dma_wait3A_52 = arith.constant 0 : i32
        %dma_wait3A_53 = tpu.memref_slice %arg7[%dma_wait3A, %dma_wait3A_52] : memref<1280x8xf32, #tpu.memory_space<vmem>> -> memref<128x8xf32, #tpu.memory_space<vmem>>
        %dma_wait3A_54 = arith.constant 0 : i32
        %dma_wait3A_55 = tpu.memref_slice %arg6[%add3A_43, %dma_wait3A_54] : memref<20x128xi32, #tpu.memory_space<vmem>> -> memref<1x128xi32, #tpu.memory_space<vmem>>
        %dma_wait3A_56 = tpu.memref_squeeze %dma_wait3A_55 : memref<1x128xi32, #tpu.memory_space<vmem>> -> memref<128xi32, #tpu.memory_space<vmem>>
        %dma_wait3A_57 = arith.constant 0 : i32
        %dma_wait3A_58 = arith.constant 0 : i32
        %dma_wait3A_59 = tpu.memref_slice %arg8[%dma_wait3A_57, %dma_wait3A_58] : memref<10016x8xf32, #tpu.memory_space<vmem_shared>> -> memref<10016x8xf32, #tpu.memory_space<vmem_shared>>
        tpu.wait_indirect_dma semaphore(%run_scoped3A : memref<!tpu.dma_semaphore, #tpu.memory_space<semaphore_mem>>) src(%dma_wait3A_53 : memref<128x8xf32, #tpu.memory_space<vmem>>) dst(%dma_wait3A_59 : memref<10016x8xf32, #tpu.memory_space<vmem_shared>>)
        tpu.yield
      }) : () -> ()
    }
    %scan3A_9 = arith.constant 2 : i32
    %barrier3A_10 = arith.constant 0 : index
    tpu.barrier barrier_id(%barrier3A_10)
    %mul3A_11 = arith.constant 625 : i32
    %mul3A_12 = arith.muli %arg1, %mul3A_11 : i32
    %mul3A_13 = arith.constant 10000 : i32
    %mul3A_14 = arith.muli %arg0, %mul3A_13 : i32
    %mul3A_15 = arith.constant 625 : i32
    %mul3A_16 = arith.muli %arg1, %mul3A_15 : i32
    %add3A_17 = arith.addi %mul3A_14, %mul3A_16 : i32
    "tpu.region"() ({
      %run_scoped3A = tpu.sem_alloc : memref<!tpu.dma_semaphore, #tpu.memory_space<semaphore_mem>>
      %dma_start3A = arith.constant 0 : i32
      %dma_start3A_18 = tpu.memref_slice %arg5[%add3A_17, %dma_start3A] : memref<20000x8xf32, #tpu.memory_space<hbm>> -> memref<625x8xf32, #tpu.memory_space<hbm>>
      %dma_start3A_19 = arith.constant 0 : i32
      %dma_start3A_20 = tpu.memref_slice %arg8[%mul3A_12, %dma_start3A_19] : memref<10016x8xf32, #tpu.memory_space<vmem_shared>> -> memref<625x8xf32, #tpu.memory_space<vmem_shared>>
      tpu.enqueue_dma source(%dma_start3A_20 : memref<625x8xf32, #tpu.memory_space<vmem_shared>>) target(%dma_start3A_18 : memref<625x8xf32, #tpu.memory_space<hbm>>) target_semaphore(%run_scoped3A : memref<!tpu.dma_semaphore, #tpu.memory_space<semaphore_mem>>)
      %dma_wait3A = arith.constant 0 : i32
      %dma_wait3A_21 = tpu.memref_slice %arg5[%add3A_17, %dma_wait3A] : memref<20000x8xf32, #tpu.memory_space<hbm>> -> memref<625x8xf32, #tpu.memory_space<hbm>>
      %dma_wait3A_22 = arith.constant 0 : i32
      %dma_wait3A_23 = tpu.memref_slice %arg8[%mul3A_12, %dma_wait3A_22] : memref<10016x8xf32, #tpu.memory_space<vmem_shared>> -> memref<625x8xf32, #tpu.memory_space<vmem_shared>>
      tpu.wait_dma2 semaphore(%run_scoped3A : memref<!tpu.dma_semaphore, #tpu.memory_space<semaphore_mem>>) src(%dma_wait3A_23 : memref<625x8xf32, #tpu.memory_space<vmem_shared>>) dst(%dma_wait3A_21 : memref<625x8xf32, #tpu.memory_space<hbm>>)
      tpu.yield
    }) : () -> ()
    return
  }
}

#map = affine_map<(d0, d1) -> (0, 0)>
module attributes {stable_mosaic.version = 14 : i64} {
  func.func @_sc_scatter(%arg0: i32, %arg1: i32, %arg2: memref<81920x8xf32, #tpu.memory_space<hbm>>, %arg3: memref<640x128xi32, #tpu.memory_space<hbm>>, %arg4: memref<10016x8xf32, #tpu.memory_space<hbm>>, %arg5: memref<20000x8xf32, #tpu.memory_space<hbm>>, %arg6: memref<20x128xi32, #tpu.memory_space<vmem>>, %arg7: memref<1280x8xf32, #tpu.memory_space<vmem>>, %arg8: memref<10016x8xf32, #tpu.memory_space<vmem_shared>>) attributes {dimension_semantics = [#tpu.dimension_semantics<core_parallel>, #tpu.dimension_semantics<subcore_parallel>], iteration_bounds = array<i64: 2, 16>, scalar_prefetch = 0 : i64, scratch_operands = 3 : i64, tpu.core_type = #tpu.core_type<sc_vector_subcore>, window_params = [{transform_indices = #map}, {transform_indices = #map}, {transform_indices = #map}, {transform_indices = #map}]} {
    %mul3A = arith.constant 2 : i32
    %mul3A_0 = arith.muli %arg1, %mul3A : i32
    %add3A = arith.addi %mul3A_0, %arg0 : i32
    %mul3A_1 = arith.constant 20 : i32
    %mul3A_2 = arith.muli %add3A, %mul3A_1 : i32
    %mul3A_3 = arith.constant 626 : i32
    %mul3A_4 = arith.muli %arg1, %mul3A_3 : i32
    "tpu.region"() ({
      %run_scoped3A = tpu.sem_alloc : memref<!tpu.dma_semaphore, #tpu.memory_space<semaphore_mem>>
      %dma_start3A = arith.constant 0 : i32
      %dma_start3A_18 = tpu.memref_slice %arg8[%mul3A_4, %dma_start3A] : memref<10016x8xf32, #tpu.memory_space<vmem_shared>> -> memref<626x8xf32, #tpu.memory_space<vmem_shared>>
      %dma_start3A_19 = arith.constant 0 : i32
      %dma_start3A_20 = tpu.memref_slice %arg4[%mul3A_4, %dma_start3A_19] : memref<10016x8xf32, #tpu.memory_space<hbm>> -> memref<626x8xf32, #tpu.memory_space<hbm>>
      tpu.enqueue_dma source(%dma_start3A_20 : memref<626x8xf32, #tpu.memory_space<hbm>>) target(%dma_start3A_18 : memref<626x8xf32, #tpu.memory_space<vmem_shared>>) target_semaphore(%run_scoped3A : memref<!tpu.dma_semaphore, #tpu.memory_space<semaphore_mem>>)
      %dma_wait3A = arith.constant 0 : i32
      %dma_wait3A_21 = tpu.memref_slice %arg8[%mul3A_4, %dma_wait3A] : memref<10016x8xf32, #tpu.memory_space<vmem_shared>> -> memref<626x8xf32, #tpu.memory_space<vmem_shared>>
      %dma_wait3A_22 = arith.constant 0 : i32
      %dma_wait3A_23 = tpu.memref_slice %arg4[%mul3A_4, %dma_wait3A_22] : memref<10016x8xf32, #tpu.memory_space<hbm>> -> memref<626x8xf32, #tpu.memory_space<hbm>>
      tpu.wait_dma2 semaphore(%run_scoped3A : memref<!tpu.dma_semaphore, #tpu.memory_space<semaphore_mem>>) src(%dma_wait3A_23 : memref<626x8xf32, #tpu.memory_space<hbm>>) dst(%dma_wait3A_21 : memref<626x8xf32, #tpu.memory_space<vmem_shared>>)
      tpu.yield
    }) : () -> ()
    "tpu.region"() ({
      %run_scoped3A = tpu.sem_alloc : memref<!tpu.dma_semaphore, #tpu.memory_space<semaphore_mem>>
      %dma_start3A = arith.constant 0 : i32
      %dma_start3A_18 = tpu.memref_slice %arg3[%mul3A_2, %dma_start3A] : memref<640x128xi32, #tpu.memory_space<hbm>> -> memref<20x128xi32, #tpu.memory_space<hbm>>
      %dma_start3A_19 = arith.constant 0 : i32
      %dma_start3A_20 = tpu.memref_slice %arg3[%mul3A_2, %dma_start3A_19] : memref<640x128xi32, #tpu.memory_space<hbm>> -> memref<20x128xi32, #tpu.memory_space<hbm>>
      tpu.enqueue_dma source(%dma_start3A_20 : memref<20x128xi32, #tpu.memory_space<hbm>>) target(%arg6 : memref<20x128xi32, #tpu.memory_space<vmem>>) target_semaphore(%run_scoped3A : memref<!tpu.dma_semaphore, #tpu.memory_space<semaphore_mem>>)
      %dma_wait3A = arith.constant 0 : i32
      %dma_wait3A_21 = tpu.memref_slice %arg3[%mul3A_2, %dma_wait3A] : memref<640x128xi32, #tpu.memory_space<hbm>> -> memref<20x128xi32, #tpu.memory_space<hbm>>
      %dma_wait3A_22 = arith.constant 0 : i32
      %dma_wait3A_23 = tpu.memref_slice %arg3[%mul3A_2, %dma_wait3A_22] : memref<640x128xi32, #tpu.memory_space<hbm>> -> memref<20x128xi32, #tpu.memory_space<hbm>>
      tpu.wait_dma2 semaphore(%run_scoped3A : memref<!tpu.dma_semaphore, #tpu.memory_space<semaphore_mem>>) src(%dma_wait3A_23 : memref<20x128xi32, #tpu.memory_space<hbm>>) dst(%arg6 : memref<20x128xi32, #tpu.memory_space<vmem>>)
      tpu.yield
    }) : () -> ()
    %barrier3A = arith.constant 0 : index
    tpu.barrier barrier_id(%barrier3A)
    %scan3A = arith.constant 0 : i32
    %scan3A_5 = arith.constant 0 : i32
    %scan3A_6 = arith.constant 2 : i32
    %scan3A_7 = arith.addi %scan3A_5, %scan3A_6 : i32
    %scan3A_8 = arith.constant 1 : i32
    scf.for %scan3A_18 = %scan3A_5 to %scan3A_7 step %scan3A_8  : i32 {
      %mul3A_19 = arith.constant 10 : i32
      %mul3A_20 = arith.muli %scan3A_18, %mul3A_19 : i32
      %add3A_21 = arith.addi %mul3A_2, %mul3A_20 : i32
      %mul3A_22 = arith.constant 128 : i32
      %mul3A_23 = arith.muli %add3A_21, %mul3A_22 : i32
      "tpu.region"() ({
        %run_scoped3A = tpu.sem_alloc : memref<!tpu.dma_semaphore, #tpu.memory_space<semaphore_mem>>
        %dma_start3A = arith.constant 0 : i32
        %dma_start3A_44 = tpu.memref_slice %arg2[%mul3A_23, %dma_start3A] : memref<81920x8xf32, #tpu.memory_space<hbm>> -> memref<1280x8xf32, #tpu.memory_space<hbm>>
        %dma_start3A_45 = arith.constant 0 : i32
        %dma_start3A_46 = tpu.memref_slice %arg2[%mul3A_23, %dma_start3A_45] : memref<81920x8xf32, #tpu.memory_space<hbm>> -> memref<1280x8xf32, #tpu.memory_space<hbm>>
        tpu.enqueue_dma source(%dma_start3A_46 : memref<1280x8xf32, #tpu.memory_space<hbm>>) target(%arg7 : memref<1280x8xf32, #tpu.memory_space<vmem>>) target_semaphore(%run_scoped3A : memref<!tpu.dma_semaphore, #tpu.memory_space<semaphore_mem>>)
        %dma_wait3A = arith.constant 0 : i32
        %dma_wait3A_47 = tpu.memref_slice %arg2[%mul3A_23, %dma_wait3A] : memref<81920x8xf32, #tpu.memory_space<hbm>> -> memref<1280x8xf32, #tpu.memory_space<hbm>>
        %dma_wait3A_48 = arith.constant 0 : i32
        %dma_wait3A_49 = tpu.memref_slice %arg2[%mul3A_23, %dma_wait3A_48] : memref<81920x8xf32, #tpu.memory_space<hbm>> -> memref<1280x8xf32, #tpu.memory_space<hbm>>
        tpu.wait_dma2 semaphore(%run_scoped3A : memref<!tpu.dma_semaphore, #tpu.memory_space<semaphore_mem>>) src(%dma_wait3A_49 : memref<1280x8xf32, #tpu.memory_space<hbm>>) dst(%arg7 : memref<1280x8xf32, #tpu.memory_space<vmem>>)
        tpu.yield
      }) : () -> ()
      %add3A_24 = arith.constant 0 : i32
      %add3A_25 = arith.addi %mul3A_20, %add3A_24 : i32
      "tpu.region"() ({
        %run_scoped3A = tpu.sem_alloc : memref<!tpu.dma_semaphore, #tpu.memory_space<semaphore_mem>>
        %dma_start3A = arith.constant 0 : i32
        %dma_start3A_44 = arith.constant 0 : i32
        %dma_start3A_45 = tpu.memref_slice %arg7[%dma_start3A, %dma_start3A_44] : memref<1280x8xf32, #tpu.memory_space<vmem>> -> memref<128x8xf32, #tpu.memory_space<vmem>>
        %dma_start3A_46 = arith.constant 0 : i32
        %dma_start3A_47 = tpu.memref_slice %arg6[%add3A_25, %dma_start3A_46] : memref<20x128xi32, #tpu.memory_space<vmem>> -> memref<1x128xi32, #tpu.memory_space<vmem>>
        %dma_start3A_48 = tpu.memref_squeeze %dma_start3A_47 : memref<1x128xi32, #tpu.memory_space<vmem>> -> memref<128xi32, #tpu.memory_space<vmem>>
        %dma_start3A_49 = arith.constant 0 : i32
        %dma_start3A_50 = arith.constant 0 : i32
        %dma_start3A_51 = tpu.memref_slice %arg8[%dma_start3A_49, %dma_start3A_50] : memref<10016x8xf32, #tpu.memory_space<vmem_shared>> -> memref<10016x8xf32, #tpu.memory_space<vmem_shared>>
        tpu.enqueue_indirect_dma source(%dma_start3A_45 : memref<128x8xf32, #tpu.memory_space<vmem>>) target(%dma_start3A_51 : memref<10016x8xf32, #tpu.memory_space<vmem_shared>>) offsets(%dma_start3A_48 : memref<128xi32, #tpu.memory_space<vmem>>) semaphore(%run_scoped3A : memref<!tpu.dma_semaphore, #tpu.memory_space<semaphore_mem>>) {add = true}
        %dma_wait3A = arith.constant 0 : i32
        %dma_wait3A_52 = arith.constant 0 : i32
        %dma_wait3A_53 = tpu.memref_slice %arg7[%dma_wait3A, %dma_wait3A_52] : memref<1280x8xf32, #tpu.memory_space<vmem>> -> memref<128x8xf32, #tpu.memory_space<vmem>>
        %dma_wait3A_54 = arith.constant 0 : i32
        %dma_wait3A_55 = tpu.memref_slice %arg6[%add3A_25, %dma_wait3A_54] : memref<20x128xi32, #tpu.memory_space<vmem>> -> memref<1x128xi32, #tpu.memory_space<vmem>>
        %dma_wait3A_56 = tpu.memref_squeeze %dma_wait3A_55 : memref<1x128xi32, #tpu.memory_space<vmem>> -> memref<128xi32, #tpu.memory_space<vmem>>
        %dma_wait3A_57 = arith.constant 0 : i32
        %dma_wait3A_58 = arith.constant 0 : i32
        %dma_wait3A_59 = tpu.memref_slice %arg8[%dma_wait3A_57, %dma_wait3A_58] : memref<10016x8xf32, #tpu.memory_space<vmem_shared>> -> memref<10016x8xf32, #tpu.memory_space<vmem_shared>>
        tpu.wait_indirect_dma semaphore(%run_scoped3A : memref<!tpu.dma_semaphore, #tpu.memory_space<semaphore_mem>>) src(%dma_wait3A_53 : memref<128x8xf32, #tpu.memory_space<vmem>>) dst(%dma_wait3A_59 : memref<10016x8xf32, #tpu.memory_space<vmem_shared>>)
        tpu.yield
      }) : () -> ()
      %add3A_26 = arith.constant 1 : i32
      %add3A_27 = arith.addi %mul3A_20, %add3A_26 : i32
      "tpu.region"() ({
        %run_scoped3A = tpu.sem_alloc : memref<!tpu.dma_semaphore, #tpu.memory_space<semaphore_mem>>
        %dma_start3A = arith.constant 128 : i32
        %dma_start3A_44 = arith.constant 0 : i32
        %dma_start3A_45 = tpu.memref_slice %arg7[%dma_start3A, %dma_start3A_44] : memref<1280x8xf32, #tpu.memory_space<vmem>> -> memref<128x8xf32, #tpu.memory_space<vmem>>
        %dma_start3A_46 = arith.constant 0 : i32
        %dma_start3A_47 = tpu.memref_slice %arg6[%add3A_27, %dma_start3A_46] : memref<20x128xi32, #tpu.memory_space<vmem>> -> memref<1x128xi32, #tpu.memory_space<vmem>>
        %dma_start3A_48 = tpu.memref_squeeze %dma_start3A_47 : memref<1x128xi32, #tpu.memory_space<vmem>> -> memref<128xi32, #tpu.memory_space<vmem>>
        %dma_start3A_49 = arith.constant 0 : i32
        %dma_start3A_50 = arith.constant 0 : i32
        %dma_start3A_51 = tpu.memref_slice %arg8[%dma_start3A_49, %dma_start3A_50] : memref<10016x8xf32, #tpu.memory_space<vmem_shared>> -> memref<10016x8xf32, #tpu.memory_space<vmem_shared>>
        tpu.enqueue_indirect_dma source(%dma_start3A_45 : memref<128x8xf32, #tpu.memory_space<vmem>>) target(%dma_start3A_51 : memref<10016x8xf32, #tpu.memory_space<vmem_shared>>) offsets(%dma_start3A_48 : memref<128xi32, #tpu.memory_space<vmem>>) semaphore(%run_scoped3A : memref<!tpu.dma_semaphore, #tpu.memory_space<semaphore_mem>>) {add = true}
        %dma_wait3A = arith.constant 128 : i32
        %dma_wait3A_52 = arith.constant 0 : i32
        %dma_wait3A_53 = tpu.memref_slice %arg7[%dma_wait3A, %dma_wait3A_52] : memref<1280x8xf32, #tpu.memory_space<vmem>> -> memref<128x8xf32, #tpu.memory_space<vmem>>
        %dma_wait3A_54 = arith.constant 0 : i32
        %dma_wait3A_55 = tpu.memref_slice %arg6[%add3A_27, %dma_wait3A_54] : memref<20x128xi32, #tpu.memory_space<vmem>> -> memref<1x128xi32, #tpu.memory_space<vmem>>
        %dma_wait3A_56 = tpu.memref_squeeze %dma_wait3A_55 : memref<1x128xi32, #tpu.memory_space<vmem>> -> memref<128xi32, #tpu.memory_space<vmem>>
        %dma_wait3A_57 = arith.constant 0 : i32
        %dma_wait3A_58 = arith.constant 0 : i32
        %dma_wait3A_59 = tpu.memref_slice %arg8[%dma_wait3A_57, %dma_wait3A_58] : memref<10016x8xf32, #tpu.memory_space<vmem_shared>> -> memref<10016x8xf32, #tpu.memory_space<vmem_shared>>
        tpu.wait_indirect_dma semaphore(%run_scoped3A : memref<!tpu.dma_semaphore, #tpu.memory_space<semaphore_mem>>) src(%dma_wait3A_53 : memref<128x8xf32, #tpu.memory_space<vmem>>) dst(%dma_wait3A_59 : memref<10016x8xf32, #tpu.memory_space<vmem_shared>>)
        tpu.yield
      }) : () -> ()
      %add3A_28 = arith.constant 2 : i32
      %add3A_29 = arith.addi %mul3A_20, %add3A_28 : i32
      "tpu.region"() ({
        %run_scoped3A = tpu.sem_alloc : memref<!tpu.dma_semaphore, #tpu.memory_space<semaphore_mem>>
        %dma_start3A = arith.constant 256 : i32
        %dma_start3A_44 = arith.constant 0 : i32
        %dma_start3A_45 = tpu.memref_slice %arg7[%dma_start3A, %dma_start3A_44] : memref<1280x8xf32, #tpu.memory_space<vmem>> -> memref<128x8xf32, #tpu.memory_space<vmem>>
        %dma_start3A_46 = arith.constant 0 : i32
        %dma_start3A_47 = tpu.memref_slice %arg6[%add3A_29, %dma_start3A_46] : memref<20x128xi32, #tpu.memory_space<vmem>> -> memref<1x128xi32, #tpu.memory_space<vmem>>
        %dma_start3A_48 = tpu.memref_squeeze %dma_start3A_47 : memref<1x128xi32, #tpu.memory_space<vmem>> -> memref<128xi32, #tpu.memory_space<vmem>>
        %dma_start3A_49 = arith.constant 0 : i32
        %dma_start3A_50 = arith.constant 0 : i32
        %dma_start3A_51 = tpu.memref_slice %arg8[%dma_start3A_49, %dma_start3A_50] : memref<10016x8xf32, #tpu.memory_space<vmem_shared>> -> memref<10016x8xf32, #tpu.memory_space<vmem_shared>>
        tpu.enqueue_indirect_dma source(%dma_start3A_45 : memref<128x8xf32, #tpu.memory_space<vmem>>) target(%dma_start3A_51 : memref<10016x8xf32, #tpu.memory_space<vmem_shared>>) offsets(%dma_start3A_48 : memref<128xi32, #tpu.memory_space<vmem>>) semaphore(%run_scoped3A : memref<!tpu.dma_semaphore, #tpu.memory_space<semaphore_mem>>) {add = true}
        %dma_wait3A = arith.constant 256 : i32
        %dma_wait3A_52 = arith.constant 0 : i32
        %dma_wait3A_53 = tpu.memref_slice %arg7[%dma_wait3A, %dma_wait3A_52] : memref<1280x8xf32, #tpu.memory_space<vmem>> -> memref<128x8xf32, #tpu.memory_space<vmem>>
        %dma_wait3A_54 = arith.constant 0 : i32
        %dma_wait3A_55 = tpu.memref_slice %arg6[%add3A_29, %dma_wait3A_54] : memref<20x128xi32, #tpu.memory_space<vmem>> -> memref<1x128xi32, #tpu.memory_space<vmem>>
        %dma_wait3A_56 = tpu.memref_squeeze %dma_wait3A_55 : memref<1x128xi32, #tpu.memory_space<vmem>> -> memref<128xi32, #tpu.memory_space<vmem>>
        %dma_wait3A_57 = arith.constant 0 : i32
        %dma_wait3A_58 = arith.constant 0 : i32
        %dma_wait3A_59 = tpu.memref_slice %arg8[%dma_wait3A_57, %dma_wait3A_58] : memref<10016x8xf32, #tpu.memory_space<vmem_shared>> -> memref<10016x8xf32, #tpu.memory_space<vmem_shared>>
        tpu.wait_indirect_dma semaphore(%run_scoped3A : memref<!tpu.dma_semaphore, #tpu.memory_space<semaphore_mem>>) src(%dma_wait3A_53 : memref<128x8xf32, #tpu.memory_space<vmem>>) dst(%dma_wait3A_59 : memref<10016x8xf32, #tpu.memory_space<vmem_shared>>)
        tpu.yield
      }) : () -> ()
      %add3A_30 = arith.constant 3 : i32
      %add3A_31 = arith.addi %mul3A_20, %add3A_30 : i32
      "tpu.region"() ({
        %run_scoped3A = tpu.sem_alloc : memref<!tpu.dma_semaphore, #tpu.memory_space<semaphore_mem>>
        %dma_start3A = arith.constant 384 : i32
        %dma_start3A_44 = arith.constant 0 : i32
        %dma_start3A_45 = tpu.memref_slice %arg7[%dma_start3A, %dma_start3A_44] : memref<1280x8xf32, #tpu.memory_space<vmem>> -> memref<128x8xf32, #tpu.memory_space<vmem>>
        %dma_start3A_46 = arith.constant 0 : i32
        %dma_start3A_47 = tpu.memref_slice %arg6[%add3A_31, %dma_start3A_46] : memref<20x128xi32, #tpu.memory_space<vmem>> -> memref<1x128xi32, #tpu.memory_space<vmem>>
        %dma_start3A_48 = tpu.memref_squeeze %dma_start3A_47 : memref<1x128xi32, #tpu.memory_space<vmem>> -> memref<128xi32, #tpu.memory_space<vmem>>
        %dma_start3A_49 = arith.constant 0 : i32
        %dma_start3A_50 = arith.constant 0 : i32
        %dma_start3A_51 = tpu.memref_slice %arg8[%dma_start3A_49, %dma_start3A_50] : memref<10016x8xf32, #tpu.memory_space<vmem_shared>> -> memref<10016x8xf32, #tpu.memory_space<vmem_shared>>
        tpu.enqueue_indirect_dma source(%dma_start3A_45 : memref<128x8xf32, #tpu.memory_space<vmem>>) target(%dma_start3A_51 : memref<10016x8xf32, #tpu.memory_space<vmem_shared>>) offsets(%dma_start3A_48 : memref<128xi32, #tpu.memory_space<vmem>>) semaphore(%run_scoped3A : memref<!tpu.dma_semaphore, #tpu.memory_space<semaphore_mem>>) {add = true}
        %dma_wait3A = arith.constant 384 : i32
        %dma_wait3A_52 = arith.constant 0 : i32
        %dma_wait3A_53 = tpu.memref_slice %arg7[%dma_wait3A, %dma_wait3A_52] : memref<1280x8xf32, #tpu.memory_space<vmem>> -> memref<128x8xf32, #tpu.memory_space<vmem>>
        %dma_wait3A_54 = arith.constant 0 : i32
        %dma_wait3A_55 = tpu.memref_slice %arg6[%add3A_31, %dma_wait3A_54] : memref<20x128xi32, #tpu.memory_space<vmem>> -> memref<1x128xi32, #tpu.memory_space<vmem>>
        %dma_wait3A_56 = tpu.memref_squeeze %dma_wait3A_55 : memref<1x128xi32, #tpu.memory_space<vmem>> -> memref<128xi32, #tpu.memory_space<vmem>>
        %dma_wait3A_57 = arith.constant 0 : i32
        %dma_wait3A_58 = arith.constant 0 : i32
        %dma_wait3A_59 = tpu.memref_slice %arg8[%dma_wait3A_57, %dma_wait3A_58] : memref<10016x8xf32, #tpu.memory_space<vmem_shared>> -> memref<10016x8xf32, #tpu.memory_space<vmem_shared>>
        tpu.wait_indirect_dma semaphore(%run_scoped3A : memref<!tpu.dma_semaphore, #tpu.memory_space<semaphore_mem>>) src(%dma_wait3A_53 : memref<128x8xf32, #tpu.memory_space<vmem>>) dst(%dma_wait3A_59 : memref<10016x8xf32, #tpu.memory_space<vmem_shared>>)
        tpu.yield
      }) : () -> ()
      %add3A_32 = arith.constant 4 : i32
      %add3A_33 = arith.addi %mul3A_20, %add3A_32 : i32
      "tpu.region"() ({
        %run_scoped3A = tpu.sem_alloc : memref<!tpu.dma_semaphore, #tpu.memory_space<semaphore_mem>>
        %dma_start3A = arith.constant 512 : i32
        %dma_start3A_44 = arith.constant 0 : i32
        %dma_start3A_45 = tpu.memref_slice %arg7[%dma_start3A, %dma_start3A_44] : memref<1280x8xf32, #tpu.memory_space<vmem>> -> memref<128x8xf32, #tpu.memory_space<vmem>>
        %dma_start3A_46 = arith.constant 0 : i32
        %dma_start3A_47 = tpu.memref_slice %arg6[%add3A_33, %dma_start3A_46] : memref<20x128xi32, #tpu.memory_space<vmem>> -> memref<1x128xi32, #tpu.memory_space<vmem>>
        %dma_start3A_48 = tpu.memref_squeeze %dma_start3A_47 : memref<1x128xi32, #tpu.memory_space<vmem>> -> memref<128xi32, #tpu.memory_space<vmem>>
        %dma_start3A_49 = arith.constant 0 : i32
        %dma_start3A_50 = arith.constant 0 : i32
        %dma_start3A_51 = tpu.memref_slice %arg8[%dma_start3A_49, %dma_start3A_50] : memref<10016x8xf32, #tpu.memory_space<vmem_shared>> -> memref<10016x8xf32, #tpu.memory_space<vmem_shared>>
        tpu.enqueue_indirect_dma source(%dma_start3A_45 : memref<128x8xf32, #tpu.memory_space<vmem>>) target(%dma_start3A_51 : memref<10016x8xf32, #tpu.memory_space<vmem_shared>>) offsets(%dma_start3A_48 : memref<128xi32, #tpu.memory_space<vmem>>) semaphore(%run_scoped3A : memref<!tpu.dma_semaphore, #tpu.memory_space<semaphore_mem>>) {add = true}
        %dma_wait3A = arith.constant 512 : i32
        %dma_wait3A_52 = arith.constant 0 : i32
        %dma_wait3A_53 = tpu.memref_slice %arg7[%dma_wait3A, %dma_wait3A_52] : memref<1280x8xf32, #tpu.memory_space<vmem>> -> memref<128x8xf32, #tpu.memory_space<vmem>>
        %dma_wait3A_54 = arith.constant 0 : i32
        %dma_wait3A_55 = tpu.memref_slice %arg6[%add3A_33, %dma_wait3A_54] : memref<20x128xi32, #tpu.memory_space<vmem>> -> memref<1x128xi32, #tpu.memory_space<vmem>>
        %dma_wait3A_56 = tpu.memref_squeeze %dma_wait3A_55 : memref<1x128xi32, #tpu.memory_space<vmem>> -> memref<128xi32, #tpu.memory_space<vmem>>
        %dma_wait3A_57 = arith.constant 0 : i32
        %dma_wait3A_58 = arith.constant 0 : i32
        %dma_wait3A_59 = tpu.memref_slice %arg8[%dma_wait3A_57, %dma_wait3A_58] : memref<10016x8xf32, #tpu.memory_space<vmem_shared>> -> memref<10016x8xf32, #tpu.memory_space<vmem_shared>>
        tpu.wait_indirect_dma semaphore(%run_scoped3A : memref<!tpu.dma_semaphore, #tpu.memory_space<semaphore_mem>>) src(%dma_wait3A_53 : memref<128x8xf32, #tpu.memory_space<vmem>>) dst(%dma_wait3A_59 : memref<10016x8xf32, #tpu.memory_space<vmem_shared>>)
        tpu.yield
      }) : () -> ()
      %add3A_34 = arith.constant 5 : i32
      %add3A_35 = arith.addi %mul3A_20, %add3A_34 : i32
      "tpu.region"() ({
        %run_scoped3A = tpu.sem_alloc : memref<!tpu.dma_semaphore, #tpu.memory_space<semaphore_mem>>
        %dma_start3A = arith.constant 640 : i32
        %dma_start3A_44 = arith.constant 0 : i32
        %dma_start3A_45 = tpu.memref_slice %arg7[%dma_start3A, %dma_start3A_44] : memref<1280x8xf32, #tpu.memory_space<vmem>> -> memref<128x8xf32, #tpu.memory_space<vmem>>
        %dma_start3A_46 = arith.constant 0 : i32
        %dma_start3A_47 = tpu.memref_slice %arg6[%add3A_35, %dma_start3A_46] : memref<20x128xi32, #tpu.memory_space<vmem>> -> memref<1x128xi32, #tpu.memory_space<vmem>>
        %dma_start3A_48 = tpu.memref_squeeze %dma_start3A_47 : memref<1x128xi32, #tpu.memory_space<vmem>> -> memref<128xi32, #tpu.memory_space<vmem>>
        %dma_start3A_49 = arith.constant 0 : i32
        %dma_start3A_50 = arith.constant 0 : i32
        %dma_start3A_51 = tpu.memref_slice %arg8[%dma_start3A_49, %dma_start3A_50] : memref<10016x8xf32, #tpu.memory_space<vmem_shared>> -> memref<10016x8xf32, #tpu.memory_space<vmem_shared>>
        tpu.enqueue_indirect_dma source(%dma_start3A_45 : memref<128x8xf32, #tpu.memory_space<vmem>>) target(%dma_start3A_51 : memref<10016x8xf32, #tpu.memory_space<vmem_shared>>) offsets(%dma_start3A_48 : memref<128xi32, #tpu.memory_space<vmem>>) semaphore(%run_scoped3A : memref<!tpu.dma_semaphore, #tpu.memory_space<semaphore_mem>>) {add = true}
        %dma_wait3A = arith.constant 640 : i32
        %dma_wait3A_52 = arith.constant 0 : i32
        %dma_wait3A_53 = tpu.memref_slice %arg7[%dma_wait3A, %dma_wait3A_52] : memref<1280x8xf32, #tpu.memory_space<vmem>> -> memref<128x8xf32, #tpu.memory_space<vmem>>
        %dma_wait3A_54 = arith.constant 0 : i32
        %dma_wait3A_55 = tpu.memref_slice %arg6[%add3A_35, %dma_wait3A_54] : memref<20x128xi32, #tpu.memory_space<vmem>> -> memref<1x128xi32, #tpu.memory_space<vmem>>
        %dma_wait3A_56 = tpu.memref_squeeze %dma_wait3A_55 : memref<1x128xi32, #tpu.memory_space<vmem>> -> memref<128xi32, #tpu.memory_space<vmem>>
        %dma_wait3A_57 = arith.constant 0 : i32
        %dma_wait3A_58 = arith.constant 0 : i32
        %dma_wait3A_59 = tpu.memref_slice %arg8[%dma_wait3A_57, %dma_wait3A_58] : memref<10016x8xf32, #tpu.memory_space<vmem_shared>> -> memref<10016x8xf32, #tpu.memory_space<vmem_shared>>
        tpu.wait_indirect_dma semaphore(%run_scoped3A : memref<!tpu.dma_semaphore, #tpu.memory_space<semaphore_mem>>) src(%dma_wait3A_53 : memref<128x8xf32, #tpu.memory_space<vmem>>) dst(%dma_wait3A_59 : memref<10016x8xf32, #tpu.memory_space<vmem_shared>>)
        tpu.yield
      }) : () -> ()
      %add3A_36 = arith.constant 6 : i32
      %add3A_37 = arith.addi %mul3A_20, %add3A_36 : i32
      "tpu.region"() ({
        %run_scoped3A = tpu.sem_alloc : memref<!tpu.dma_semaphore, #tpu.memory_space<semaphore_mem>>
        %dma_start3A = arith.constant 768 : i32
        %dma_start3A_44 = arith.constant 0 : i32
        %dma_start3A_45 = tpu.memref_slice %arg7[%dma_start3A, %dma_start3A_44] : memref<1280x8xf32, #tpu.memory_space<vmem>> -> memref<128x8xf32, #tpu.memory_space<vmem>>
        %dma_start3A_46 = arith.constant 0 : i32
        %dma_start3A_47 = tpu.memref_slice %arg6[%add3A_37, %dma_start3A_46] : memref<20x128xi32, #tpu.memory_space<vmem>> -> memref<1x128xi32, #tpu.memory_space<vmem>>
        %dma_start3A_48 = tpu.memref_squeeze %dma_start3A_47 : memref<1x128xi32, #tpu.memory_space<vmem>> -> memref<128xi32, #tpu.memory_space<vmem>>
        %dma_start3A_49 = arith.constant 0 : i32
        %dma_start3A_50 = arith.constant 0 : i32
        %dma_start3A_51 = tpu.memref_slice %arg8[%dma_start3A_49, %dma_start3A_50] : memref<10016x8xf32, #tpu.memory_space<vmem_shared>> -> memref<10016x8xf32, #tpu.memory_space<vmem_shared>>
        tpu.enqueue_indirect_dma source(%dma_start3A_45 : memref<128x8xf32, #tpu.memory_space<vmem>>) target(%dma_start3A_51 : memref<10016x8xf32, #tpu.memory_space<vmem_shared>>) offsets(%dma_start3A_48 : memref<128xi32, #tpu.memory_space<vmem>>) semaphore(%run_scoped3A : memref<!tpu.dma_semaphore, #tpu.memory_space<semaphore_mem>>) {add = true}
        %dma_wait3A = arith.constant 768 : i32
        %dma_wait3A_52 = arith.constant 0 : i32
        %dma_wait3A_53 = tpu.memref_slice %arg7[%dma_wait3A, %dma_wait3A_52] : memref<1280x8xf32, #tpu.memory_space<vmem>> -> memref<128x8xf32, #tpu.memory_space<vmem>>
        %dma_wait3A_54 = arith.constant 0 : i32
        %dma_wait3A_55 = tpu.memref_slice %arg6[%add3A_37, %dma_wait3A_54] : memref<20x128xi32, #tpu.memory_space<vmem>> -> memref<1x128xi32, #tpu.memory_space<vmem>>
        %dma_wait3A_56 = tpu.memref_squeeze %dma_wait3A_55 : memref<1x128xi32, #tpu.memory_space<vmem>> -> memref<128xi32, #tpu.memory_space<vmem>>
        %dma_wait3A_57 = arith.constant 0 : i32
        %dma_wait3A_58 = arith.constant 0 : i32
        %dma_wait3A_59 = tpu.memref_slice %arg8[%dma_wait3A_57, %dma_wait3A_58] : memref<10016x8xf32, #tpu.memory_space<vmem_shared>> -> memref<10016x8xf32, #tpu.memory_space<vmem_shared>>
        tpu.wait_indirect_dma semaphore(%run_scoped3A : memref<!tpu.dma_semaphore, #tpu.memory_space<semaphore_mem>>) src(%dma_wait3A_53 : memref<128x8xf32, #tpu.memory_space<vmem>>) dst(%dma_wait3A_59 : memref<10016x8xf32, #tpu.memory_space<vmem_shared>>)
        tpu.yield
      }) : () -> ()
      %add3A_38 = arith.constant 7 : i32
      %add3A_39 = arith.addi %mul3A_20, %add3A_38 : i32
      "tpu.region"() ({
        %run_scoped3A = tpu.sem_alloc : memref<!tpu.dma_semaphore, #tpu.memory_space<semaphore_mem>>
        %dma_start3A = arith.constant 896 : i32
        %dma_start3A_44 = arith.constant 0 : i32
        %dma_start3A_45 = tpu.memref_slice %arg7[%dma_start3A, %dma_start3A_44] : memref<1280x8xf32, #tpu.memory_space<vmem>> -> memref<128x8xf32, #tpu.memory_space<vmem>>
        %dma_start3A_46 = arith.constant 0 : i32
        %dma_start3A_47 = tpu.memref_slice %arg6[%add3A_39, %dma_start3A_46] : memref<20x128xi32, #tpu.memory_space<vmem>> -> memref<1x128xi32, #tpu.memory_space<vmem>>
        %dma_start3A_48 = tpu.memref_squeeze %dma_start3A_47 : memref<1x128xi32, #tpu.memory_space<vmem>> -> memref<128xi32, #tpu.memory_space<vmem>>
        %dma_start3A_49 = arith.constant 0 : i32
        %dma_start3A_50 = arith.constant 0 : i32
        %dma_start3A_51 = tpu.memref_slice %arg8[%dma_start3A_49, %dma_start3A_50] : memref<10016x8xf32, #tpu.memory_space<vmem_shared>> -> memref<10016x8xf32, #tpu.memory_space<vmem_shared>>
        tpu.enqueue_indirect_dma source(%dma_start3A_45 : memref<128x8xf32, #tpu.memory_space<vmem>>) target(%dma_start3A_51 : memref<10016x8xf32, #tpu.memory_space<vmem_shared>>) offsets(%dma_start3A_48 : memref<128xi32, #tpu.memory_space<vmem>>) semaphore(%run_scoped3A : memref<!tpu.dma_semaphore, #tpu.memory_space<semaphore_mem>>) {add = true}
        %dma_wait3A = arith.constant 896 : i32
        %dma_wait3A_52 = arith.constant 0 : i32
        %dma_wait3A_53 = tpu.memref_slice %arg7[%dma_wait3A, %dma_wait3A_52] : memref<1280x8xf32, #tpu.memory_space<vmem>> -> memref<128x8xf32, #tpu.memory_space<vmem>>
        %dma_wait3A_54 = arith.constant 0 : i32
        %dma_wait3A_55 = tpu.memref_slice %arg6[%add3A_39, %dma_wait3A_54] : memref<20x128xi32, #tpu.memory_space<vmem>> -> memref<1x128xi32, #tpu.memory_space<vmem>>
        %dma_wait3A_56 = tpu.memref_squeeze %dma_wait3A_55 : memref<1x128xi32, #tpu.memory_space<vmem>> -> memref<128xi32, #tpu.memory_space<vmem>>
        %dma_wait3A_57 = arith.constant 0 : i32
        %dma_wait3A_58 = arith.constant 0 : i32
        %dma_wait3A_59 = tpu.memref_slice %arg8[%dma_wait3A_57, %dma_wait3A_58] : memref<10016x8xf32, #tpu.memory_space<vmem_shared>> -> memref<10016x8xf32, #tpu.memory_space<vmem_shared>>
        tpu.wait_indirect_dma semaphore(%run_scoped3A : memref<!tpu.dma_semaphore, #tpu.memory_space<semaphore_mem>>) src(%dma_wait3A_53 : memref<128x8xf32, #tpu.memory_space<vmem>>) dst(%dma_wait3A_59 : memref<10016x8xf32, #tpu.memory_space<vmem_shared>>)
        tpu.yield
      }) : () -> ()
      %add3A_40 = arith.constant 8 : i32
      %add3A_41 = arith.addi %mul3A_20, %add3A_40 : i32
      "tpu.region"() ({
        %run_scoped3A = tpu.sem_alloc : memref<!tpu.dma_semaphore, #tpu.memory_space<semaphore_mem>>
        %dma_start3A = arith.constant 1024 : i32
        %dma_start3A_44 = arith.constant 0 : i32
        %dma_start3A_45 = tpu.memref_slice %arg7[%dma_start3A, %dma_start3A_44] : memref<1280x8xf32, #tpu.memory_space<vmem>> -> memref<128x8xf32, #tpu.memory_space<vmem>>
        %dma_start3A_46 = arith.constant 0 : i32
        %dma_start3A_47 = tpu.memref_slice %arg6[%add3A_41, %dma_start3A_46] : memref<20x128xi32, #tpu.memory_space<vmem>> -> memref<1x128xi32, #tpu.memory_space<vmem>>
        %dma_start3A_48 = tpu.memref_squeeze %dma_start3A_47 : memref<1x128xi32, #tpu.memory_space<vmem>> -> memref<128xi32, #tpu.memory_space<vmem>>
        %dma_start3A_49 = arith.constant 0 : i32
        %dma_start3A_50 = arith.constant 0 : i32
        %dma_start3A_51 = tpu.memref_slice %arg8[%dma_start3A_49, %dma_start3A_50] : memref<10016x8xf32, #tpu.memory_space<vmem_shared>> -> memref<10016x8xf32, #tpu.memory_space<vmem_shared>>
        tpu.enqueue_indirect_dma source(%dma_start3A_45 : memref<128x8xf32, #tpu.memory_space<vmem>>) target(%dma_start3A_51 : memref<10016x8xf32, #tpu.memory_space<vmem_shared>>) offsets(%dma_start3A_48 : memref<128xi32, #tpu.memory_space<vmem>>) semaphore(%run_scoped3A : memref<!tpu.dma_semaphore, #tpu.memory_space<semaphore_mem>>) {add = true}
        %dma_wait3A = arith.constant 1024 : i32
        %dma_wait3A_52 = arith.constant 0 : i32
        %dma_wait3A_53 = tpu.memref_slice %arg7[%dma_wait3A, %dma_wait3A_52] : memref<1280x8xf32, #tpu.memory_space<vmem>> -> memref<128x8xf32, #tpu.memory_space<vmem>>
        %dma_wait3A_54 = arith.constant 0 : i32
        %dma_wait3A_55 = tpu.memref_slice %arg6[%add3A_41, %dma_wait3A_54] : memref<20x128xi32, #tpu.memory_space<vmem>> -> memref<1x128xi32, #tpu.memory_space<vmem>>
        %dma_wait3A_56 = tpu.memref_squeeze %dma_wait3A_55 : memref<1x128xi32, #tpu.memory_space<vmem>> -> memref<128xi32, #tpu.memory_space<vmem>>
        %dma_wait3A_57 = arith.constant 0 : i32
        %dma_wait3A_58 = arith.constant 0 : i32
        %dma_wait3A_59 = tpu.memref_slice %arg8[%dma_wait3A_57, %dma_wait3A_58] : memref<10016x8xf32, #tpu.memory_space<vmem_shared>> -> memref<10016x8xf32, #tpu.memory_space<vmem_shared>>
        tpu.wait_indirect_dma semaphore(%run_scoped3A : memref<!tpu.dma_semaphore, #tpu.memory_space<semaphore_mem>>) src(%dma_wait3A_53 : memref<128x8xf32, #tpu.memory_space<vmem>>) dst(%dma_wait3A_59 : memref<10016x8xf32, #tpu.memory_space<vmem_shared>>)
        tpu.yield
      }) : () -> ()
      %add3A_42 = arith.constant 9 : i32
      %add3A_43 = arith.addi %mul3A_20, %add3A_42 : i32
      "tpu.region"() ({
        %run_scoped3A = tpu.sem_alloc : memref<!tpu.dma_semaphore, #tpu.memory_space<semaphore_mem>>
        %dma_start3A = arith.constant 1152 : i32
        %dma_start3A_44 = arith.constant 0 : i32
        %dma_start3A_45 = tpu.memref_slice %arg7[%dma_start3A, %dma_start3A_44] : memref<1280x8xf32, #tpu.memory_space<vmem>> -> memref<128x8xf32, #tpu.memory_space<vmem>>
        %dma_start3A_46 = arith.constant 0 : i32
        %dma_start3A_47 = tpu.memref_slice %arg6[%add3A_43, %dma_start3A_46] : memref<20x128xi32, #tpu.memory_space<vmem>> -> memref<1x128xi32, #tpu.memory_space<vmem>>
        %dma_start3A_48 = tpu.memref_squeeze %dma_start3A_47 : memref<1x128xi32, #tpu.memory_space<vmem>> -> memref<128xi32, #tpu.memory_space<vmem>>
        %dma_start3A_49 = arith.constant 0 : i32
        %dma_start3A_50 = arith.constant 0 : i32
        %dma_start3A_51 = tpu.memref_slice %arg8[%dma_start3A_49, %dma_start3A_50] : memref<10016x8xf32, #tpu.memory_space<vmem_shared>> -> memref<10016x8xf32, #tpu.memory_space<vmem_shared>>
        tpu.enqueue_indirect_dma source(%dma_start3A_45 : memref<128x8xf32, #tpu.memory_space<vmem>>) target(%dma_start3A_51 : memref<10016x8xf32, #tpu.memory_space<vmem_shared>>) offsets(%dma_start3A_48 : memref<128xi32, #tpu.memory_space<vmem>>) semaphore(%run_scoped3A : memref<!tpu.dma_semaphore, #tpu.memory_space<semaphore_mem>>) {add = true}
        %dma_wait3A = arith.constant 1152 : i32
        %dma_wait3A_52 = arith.constant 0 : i32
        %dma_wait3A_53 = tpu.memref_slice %arg7[%dma_wait3A, %dma_wait3A_52] : memref<1280x8xf32, #tpu.memory_space<vmem>> -> memref<128x8xf32, #tpu.memory_space<vmem>>
        %dma_wait3A_54 = arith.constant 0 : i32
        %dma_wait3A_55 = tpu.memref_slice %arg6[%add3A_43, %dma_wait3A_54] : memref<20x128xi32, #tpu.memory_space<vmem>> -> memref<1x128xi32, #tpu.memory_space<vmem>>
        %dma_wait3A_56 = tpu.memref_squeeze %dma_wait3A_55 : memref<1x128xi32, #tpu.memory_space<vmem>> -> memref<128xi32, #tpu.memory_space<vmem>>
        %dma_wait3A_57 = arith.constant 0 : i32
        %dma_wait3A_58 = arith.constant 0 : i32
        %dma_wait3A_59 = tpu.memref_slice %arg8[%dma_wait3A_57, %dma_wait3A_58] : memref<10016x8xf32, #tpu.memory_space<vmem_shared>> -> memref<10016x8xf32, #tpu.memory_space<vmem_shared>>
        tpu.wait_indirect_dma semaphore(%run_scoped3A : memref<!tpu.dma_semaphore, #tpu.memory_space<semaphore_mem>>) src(%dma_wait3A_53 : memref<128x8xf32, #tpu.memory_space<vmem>>) dst(%dma_wait3A_59 : memref<10016x8xf32, #tpu.memory_space<vmem_shared>>)
        tpu.yield
      }) : () -> ()
    }
    %scan3A_9 = arith.constant 2 : i32
    %barrier3A_10 = arith.constant 0 : index
    tpu.barrier barrier_id(%barrier3A_10)
    %mul3A_11 = arith.constant 625 : i32
    %mul3A_12 = arith.muli %arg1, %mul3A_11 : i32
    %mul3A_13 = arith.constant 10000 : i32
    %mul3A_14 = arith.muli %arg0, %mul3A_13 : i32
    %mul3A_15 = arith.constant 625 : i32
    %mul3A_16 = arith.muli %arg1, %mul3A_15 : i32
    %add3A_17 = arith.addi %mul3A_14, %mul3A_16 : i32
    "tpu.region"() ({
      %run_scoped3A = tpu.sem_alloc : memref<!tpu.dma_semaphore, #tpu.memory_space<semaphore_mem>>
      %dma_start3A = arith.constant 0 : i32
      %dma_start3A_18 = tpu.memref_slice %arg5[%add3A_17, %dma_start3A] : memref<20000x8xf32, #tpu.memory_space<hbm>> -> memref<625x8xf32, #tpu.memory_space<hbm>>
      %dma_start3A_19 = arith.constant 0 : i32
      %dma_start3A_20 = tpu.memref_slice %arg8[%mul3A_12, %dma_start3A_19] : memref<10016x8xf32, #tpu.memory_space<vmem_shared>> -> memref<625x8xf32, #tpu.memory_space<vmem_shared>>
      tpu.enqueue_dma source(%dma_start3A_20 : memref<625x8xf32, #tpu.memory_space<vmem_shared>>) target(%dma_start3A_18 : memref<625x8xf32, #tpu.memory_space<hbm>>) target_semaphore(%run_scoped3A : memref<!tpu.dma_semaphore, #tpu.memory_space<semaphore_mem>>)
      %dma_wait3A = arith.constant 0 : i32
      %dma_wait3A_21 = tpu.memref_slice %arg5[%add3A_17, %dma_wait3A] : memref<20000x8xf32, #tpu.memory_space<hbm>> -> memref<625x8xf32, #tpu.memory_space<hbm>>
      %dma_wait3A_22 = arith.constant 0 : i32
      %dma_wait3A_23 = tpu.memref_slice %arg8[%mul3A_12, %dma_wait3A_22] : memref<10016x8xf32, #tpu.memory_space<vmem_shared>> -> memref<625x8xf32, #tpu.memory_space<vmem_shared>>
      tpu.wait_dma2 semaphore(%run_scoped3A : memref<!tpu.dma_semaphore, #tpu.memory_space<semaphore_mem>>) src(%dma_wait3A_23 : memref<625x8xf32, #tpu.memory_space<vmem_shared>>) dst(%dma_wait3A_21 : memref<625x8xf32, #tpu.memory_space<hbm>>)
      tpu.yield
    }) : () -> ()
    return
  }
}

module attributes {stable_mosaic.version = 14 : i64} {
  func.func @_msg_body(%arg0: i32, %arg1: memref<4000x16xf32, #tpu.memory_space<vmem>>, %arg2: memref<4000x128xf32, #tpu.memory_space<vmem>>, %arg3: memref<16x128xf32, #tpu.memory_space<vmem>>, %arg4: memref<1x128xf32, #tpu.memory_space<vmem>>, %arg5: memref<128x1024xbf16, #tpu.memory_space<vmem>>, %arg6: memref<128x8xbf16, #tpu.memory_space<vmem>>, %arg7: memref<1024x8xbf16, #tpu.memory_space<vmem>>, %arg8: memref<4000x8xf32, #tpu.memory_space<vmem>>) attributes {dimension_semantics = [#tpu.dimension_semantics<arbitrary>], iteration_bounds = array<i64: 20>, scalar_prefetch = 0 : i64, scratch_operands = 0 : i64, tpu.core_type = #tpu.core_type<tc>, window_params = [{transform_indices = @transform_0, window_bounds = array<i64: 4000, 16>}, {transform_indices = @transform_1, window_bounds = array<i64: 4000, 128>}, {pipeline_mode = #tpu.pipeline_mode<synchronous>, transform_indices = @transform_2, window_bounds = array<i64: 16, 128>}, {pipeline_mode = #tpu.pipeline_mode<synchronous>, transform_indices = @transform_3, window_bounds = array<i64: 1, 128>}, {pipeline_mode = #tpu.pipeline_mode<synchronous>, transform_indices = @transform_4, window_bounds = array<i64: 128, 1024>}, {pipeline_mode = #tpu.pipeline_mode<synchronous>, transform_indices = @transform_5, window_bounds = array<i64: 128, 8>}, {pipeline_mode = #tpu.pipeline_mode<synchronous>, transform_indices = @transform_6, window_bounds = array<i64: 1024, 8>}, {transform_indices = @transform_7, window_bounds = array<i64: 4000, 8>}]} {
    %get3A = arith.constant 0 : index
    %get3A_0 = arith.constant 0 : index
    %get3A_1 = vector.load %arg2[%get3A, %get3A_0] : memref<4000x128xf32, #tpu.memory_space<vmem>>, vector<4000x128xf32>
    %convert_element_type3A = arith.truncf %get3A_1 : vector<4000x128xf32> to vector<4000x128xbf16>
    %get3A_2 = arith.constant 0 : index
    %get3A_3 = arith.constant 0 : index
    %get3A_4 = vector.load %arg1[%get3A_2, %get3A_3] : memref<4000x16xf32, #tpu.memory_space<vmem>>, vector<4000x16xf32>
    %get3A_5 = arith.constant 0 : index
    %get3A_6 = arith.constant 0 : index
    %get3A_7 = vector.load %arg3[%get3A_5, %get3A_6] : memref<16x128xf32, #tpu.memory_space<vmem>>, vector<16x128xf32>
    %dot_general3A = arith.constant dense<0.000000e+00> : vector<4000x128xf32>
    %dot_general3A_8 = tpu.matmul %get3A_4, %get3A_7, %dot_general3A {dimension_numbers = #tpu.dot_dimension_numbers<[1], [0], [0], [1], [0, 0, 1, 1], [], []>, transpose_lhs_hint = false} : vector<4000x16xf32>, vector<16x128xf32>, vector<4000x128xf32> -> vector<4000x128xf32>
    %get3A_9 = arith.constant 0 : index
    %get3A_10 = arith.constant 0 : index
    %get3A_11 = vector.load %arg4[%get3A_9, %get3A_10] : memref<1x128xf32, #tpu.memory_space<vmem>>, vector<1x128xf32>
    %add3A = vector.broadcast %get3A_11 : vector<1x128xf32> to vector<4000x128xf32>
    %add3A_12 = arith.addf %dot_general3A_8, %add3A : vector<4000x128xf32>
    %max3A = arith.constant 0.000000e+00 : f32
    %max3A_13 = vector.broadcast %max3A : f32 to vector<4000x128xf32>
    %max3A_14 = arith.maximumf %add3A_12, %max3A_13 : vector<4000x128xf32>
    %convert_element_type3A_15 = arith.truncf %max3A_14 : vector<4000x128xf32> to vector<4000x128xbf16>
    %get3A_16 = arith.constant 0 : index
    %get3A_17 = arith.constant 0 : index
    %get3A_18 = vector.load %arg5[%get3A_16, %get3A_17] : memref<128x1024xbf16, #tpu.memory_space<vmem>>, vector<128x1024xbf16>
    %dot_general3A_19 = arith.constant dense<0.000000e+00> : vector<4000x1024xf32>
    %dot_general3A_20 = tpu.matmul %convert_element_type3A, %get3A_18, %dot_general3A_19 {dimension_numbers = #tpu.dot_dimension_numbers<[1], [0], [0], [1], [0, 0, 1, 1], [], []>, transpose_lhs_hint = false} : vector<4000x128xbf16>, vector<128x1024xbf16>, vector<4000x1024xf32> -> vector<4000x1024xf32>
    %convert_element_type3A_21 = arith.truncf %dot_general3A_20 : vector<4000x1024xf32> to vector<4000x1024xbf16>
    %concatenate3A = tpu.concatenate %convert_element_type3A_15, %convert_element_type3A_15, %convert_element_type3A_15, %convert_element_type3A_15, %convert_element_type3A_15, %convert_element_type3A_15, %convert_element_type3A_15, %convert_element_type3A_15 in 1 : vector<4000x128xbf16>, vector<4000x128xbf16>, vector<4000x128xbf16>, vector<4000x128xbf16>, vector<4000x128xbf16>, vector<4000x128xbf16>, vector<4000x128xbf16>, vector<4000x128xbf16> -> vector<4000x1024xbf16>
    %mul3A = arith.mulf %convert_element_type3A_21, %concatenate3A : vector<4000x1024xbf16>
    %get3A_22 = arith.constant 0 : index
    %get3A_23 = arith.constant 0 : index
    %get3A_24 = vector.load %arg7[%get3A_22, %get3A_23] : memref<1024x8xbf16, #tpu.memory_space<vmem>>, vector<1024x8xbf16>
    %dot_general3A_25 = arith.constant dense<0.000000e+00> : vector<4000x8xf32>
    %dot_general3A_26 = tpu.matmul %mul3A, %get3A_24, %dot_general3A_25 {dimension_numbers = #tpu.dot_dimension_numbers<[1], [0], [0], [1], [0, 0, 1, 1], [], []>, transpose_lhs_hint = false} : vector<4000x1024xbf16>, vector<1024x8xbf16>, vector<4000x8xf32> -> vector<4000x8xf32>
    %get3A_27 = arith.constant 0 : index
    %get3A_28 = arith.constant 0 : index
    %get3A_29 = vector.load %arg6[%get3A_27, %get3A_28] : memref<128x8xbf16, #tpu.memory_space<vmem>>, vector<128x8xbf16>
    %dot_general3A_30 = arith.constant dense<0.000000e+00> : vector<4000x8xf32>
    %dot_general3A_31 = tpu.matmul %convert_element_type3A, %get3A_29, %dot_general3A_30 {dimension_numbers = #tpu.dot_dimension_numbers<[1], [0], [0], [1], [0, 0, 1, 1], [], []>, transpose_lhs_hint = false} : vector<4000x128xbf16>, vector<128x8xbf16>, vector<4000x8xf32> -> vector<4000x8xf32>
    %add3A_32 = arith.addf %dot_general3A_26, %dot_general3A_31 : vector<4000x8xf32>
    %swap3A = arith.constant 0 : index
    %swap3A_33 = arith.constant 0 : index
    %swap3A_34 = vector.load %arg8[%swap3A, %swap3A_33] : memref<4000x8xf32, #tpu.memory_space<vmem>>, vector<4000x8xf32>
    tpu.vector_store %arg8[%swap3A, %swap3A_33], %add3A_32 {strides = array<i32>} : memref<4000x8xf32, #tpu.memory_space<vmem>>, vector<4000x8xf32>,
    return
  }
  func.func @transform_0(%arg0: i32) -> (i32, i32) {
    %add3A = arith.constant 20 : i32
    %add3A_0 = arith.addi %arg0, %add3A : i32
    %c0_i32 = arith.constant 0 : i32
    %c0_i32_1 = arith.constant 0 : i32
    return %add3A_0, %c0_i32 : i32, i32
  }
  func.func @transform_1(%arg0: i32) -> (i32, i32) {
    %c0_i32 = arith.constant 0 : i32
    %c0_i32_0 = arith.constant 0 : i32
    return %arg0, %c0_i32 : i32, i32
  }
  func.func @transform_2(%arg0: i32) -> (i32, i32) {
    %c0_i32 = arith.constant 0 : i32
    %c0_i32_0 = arith.constant 0 : i32
    %c0_i32_1 = arith.constant 0 : i32
    return %c0_i32, %c0_i32_0 : i32, i32
  }
  func.func @transform_3(%arg0: i32) -> (i32, i32) {
    %c0_i32 = arith.constant 0 : i32
    %c0_i32_0 = arith.constant 0 : i32
    %c0_i32_1 = arith.constant 0 : i32
    return %c0_i32, %c0_i32_0 : i32, i32
  }
  func.func @transform_4(%arg0: i32) -> (i32, i32) {
    %c0_i32 = arith.constant 0 : i32
    %c0_i32_0 = arith.constant 0 : i32
    %c0_i32_1 = arith.constant 0 : i32
    return %c0_i32, %c0_i32_0 : i32, i32
  }
  func.func @transform_5(%arg0: i32) -> (i32, i32) {
    %c0_i32 = arith.constant 0 : i32
    %c0_i32_0 = arith.constant 0 : i32
    %c0_i32_1 = arith.constant 0 : i32
    return %c0_i32, %c0_i32_0 : i32, i32
  }
  func.func @transform_6(%arg0: i32) -> (i32, i32) {
    %c0_i32 = arith.constant 0 : i32
    %c0_i32_0 = arith.constant 0 : i32
    %c0_i32_1 = arith.constant 0 : i32
    return %c0_i32, %c0_i32_0 : i32, i32
  }
  func.func @transform_7(%arg0: i32) -> (i32, i32) {
    %c0_i32 = arith.constant 0 : i32
    %c0_i32_0 = arith.constant 0 : i32
    return %arg0, %c0_i32 : i32, i32
  }
}

module attributes {stable_mosaic.version = 14 : i64} {
  func.func @_msg_body(%arg0: i32, %arg1: memref<4000x16xf32, #tpu.memory_space<vmem>>, %arg2: memref<4000x128xf32, #tpu.memory_space<vmem>>, %arg3: memref<16x128xf32, #tpu.memory_space<vmem>>, %arg4: memref<1x128xf32, #tpu.memory_space<vmem>>, %arg5: memref<128x1024xbf16, #tpu.memory_space<vmem>>, %arg6: memref<128x8xbf16, #tpu.memory_space<vmem>>, %arg7: memref<1024x8xbf16, #tpu.memory_space<vmem>>, %arg8: memref<4000x8xf32, #tpu.memory_space<vmem>>) attributes {dimension_semantics = [#tpu.dimension_semantics<arbitrary>], iteration_bounds = array<i64: 20>, scalar_prefetch = 0 : i64, scratch_operands = 0 : i64, tpu.core_type = #tpu.core_type<tc>, window_params = [{transform_indices = @transform_0, window_bounds = array<i64: 4000, 16>}, {transform_indices = @transform_1, window_bounds = array<i64: 4000, 128>}, {pipeline_mode = #tpu.pipeline_mode<synchronous>, transform_indices = @transform_2, window_bounds = array<i64: 16, 128>}, {pipeline_mode = #tpu.pipeline_mode<synchronous>, transform_indices = @transform_3, window_bounds = array<i64: 1, 128>}, {pipeline_mode = #tpu.pipeline_mode<synchronous>, transform_indices = @transform_4, window_bounds = array<i64: 128, 1024>}, {pipeline_mode = #tpu.pipeline_mode<synchronous>, transform_indices = @transform_5, window_bounds = array<i64: 128, 8>}, {pipeline_mode = #tpu.pipeline_mode<synchronous>, transform_indices = @transform_6, window_bounds = array<i64: 1024, 8>}, {transform_indices = @transform_7, window_bounds = array<i64: 4000, 8>}]} {
    %get3A = arith.constant 0 : index
    %get3A_0 = arith.constant 0 : index
    %get3A_1 = vector.load %arg2[%get3A, %get3A_0] : memref<4000x128xf32, #tpu.memory_space<vmem>>, vector<4000x128xf32>
    %convert_element_type3A = arith.truncf %get3A_1 : vector<4000x128xf32> to vector<4000x128xbf16>
    %get3A_2 = arith.constant 0 : index
    %get3A_3 = arith.constant 0 : index
    %get3A_4 = vector.load %arg1[%get3A_2, %get3A_3] : memref<4000x16xf32, #tpu.memory_space<vmem>>, vector<4000x16xf32>
    %get3A_5 = arith.constant 0 : index
    %get3A_6 = arith.constant 0 : index
    %get3A_7 = vector.load %arg3[%get3A_5, %get3A_6] : memref<16x128xf32, #tpu.memory_space<vmem>>, vector<16x128xf32>
    %dot_general3A = arith.constant dense<0.000000e+00> : vector<4000x128xf32>
    %dot_general3A_8 = tpu.matmul %get3A_4, %get3A_7, %dot_general3A {dimension_numbers = #tpu.dot_dimension_numbers<[1], [0], [0], [1], [0, 0, 1, 1], [], []>, transpose_lhs_hint = false} : vector<4000x16xf32>, vector<16x128xf32>, vector<4000x128xf32> -> vector<4000x128xf32>
    %get3A_9 = arith.constant 0 : index
    %get3A_10 = arith.constant 0 : index
    %get3A_11 = vector.load %arg4[%get3A_9, %get3A_10] : memref<1x128xf32, #tpu.memory_space<vmem>>, vector<1x128xf32>
    %add3A = vector.broadcast %get3A_11 : vector<1x128xf32> to vector<4000x128xf32>
    %add3A_12 = arith.addf %dot_general3A_8, %add3A : vector<4000x128xf32>
    %max3A = arith.constant 0.000000e+00 : f32
    %max3A_13 = vector.broadcast %max3A : f32 to vector<4000x128xf32>
    %max3A_14 = arith.maximumf %add3A_12, %max3A_13 : vector<4000x128xf32>
    %convert_element_type3A_15 = arith.truncf %max3A_14 : vector<4000x128xf32> to vector<4000x128xbf16>
    %get3A_16 = arith.constant 0 : index
    %get3A_17 = arith.constant 0 : index
    %get3A_18 = vector.load %arg5[%get3A_16, %get3A_17] : memref<128x1024xbf16, #tpu.memory_space<vmem>>, vector<128x1024xbf16>
    %dot_general3A_19 = arith.constant dense<0.000000e+00> : vector<4000x1024xf32>
    %dot_general3A_20 = tpu.matmul %convert_element_type3A, %get3A_18, %dot_general3A_19 {dimension_numbers = #tpu.dot_dimension_numbers<[1], [0], [0], [1], [0, 0, 1, 1], [], []>, transpose_lhs_hint = false} : vector<4000x128xbf16>, vector<128x1024xbf16>, vector<4000x1024xf32> -> vector<4000x1024xf32>
    %convert_element_type3A_21 = arith.truncf %dot_general3A_20 : vector<4000x1024xf32> to vector<4000x1024xbf16>
    %concatenate3A = tpu.concatenate %convert_element_type3A_15, %convert_element_type3A_15, %convert_element_type3A_15, %convert_element_type3A_15, %convert_element_type3A_15, %convert_element_type3A_15, %convert_element_type3A_15, %convert_element_type3A_15 in 1 : vector<4000x128xbf16>, vector<4000x128xbf16>, vector<4000x128xbf16>, vector<4000x128xbf16>, vector<4000x128xbf16>, vector<4000x128xbf16>, vector<4000x128xbf16>, vector<4000x128xbf16> -> vector<4000x1024xbf16>
    %mul3A = arith.mulf %convert_element_type3A_21, %concatenate3A : vector<4000x1024xbf16>
    %get3A_22 = arith.constant 0 : index
    %get3A_23 = arith.constant 0 : index
    %get3A_24 = vector.load %arg7[%get3A_22, %get3A_23] : memref<1024x8xbf16, #tpu.memory_space<vmem>>, vector<1024x8xbf16>
    %dot_general3A_25 = arith.constant dense<0.000000e+00> : vector<4000x8xf32>
    %dot_general3A_26 = tpu.matmul %mul3A, %get3A_24, %dot_general3A_25 {dimension_numbers = #tpu.dot_dimension_numbers<[1], [0], [0], [1], [0, 0, 1, 1], [], []>, transpose_lhs_hint = false} : vector<4000x1024xbf16>, vector<1024x8xbf16>, vector<4000x8xf32> -> vector<4000x8xf32>
    %get3A_27 = arith.constant 0 : index
    %get3A_28 = arith.constant 0 : index
    %get3A_29 = vector.load %arg6[%get3A_27, %get3A_28] : memref<128x8xbf16, #tpu.memory_space<vmem>>, vector<128x8xbf16>
    %dot_general3A_30 = arith.constant dense<0.000000e+00> : vector<4000x8xf32>
    %dot_general3A_31 = tpu.matmul %convert_element_type3A, %get3A_29, %dot_general3A_30 {dimension_numbers = #tpu.dot_dimension_numbers<[1], [0], [0], [1], [0, 0, 1, 1], [], []>, transpose_lhs_hint = false} : vector<4000x128xbf16>, vector<128x8xbf16>, vector<4000x8xf32> -> vector<4000x8xf32>
    %add3A_32 = arith.addf %dot_general3A_26, %dot_general3A_31 : vector<4000x8xf32>
    %swap3A = arith.constant 0 : index
    %swap3A_33 = arith.constant 0 : index
    %swap3A_34 = vector.load %arg8[%swap3A, %swap3A_33] : memref<4000x8xf32, #tpu.memory_space<vmem>>, vector<4000x8xf32>
    tpu.vector_store %arg8[%swap3A, %swap3A_33], %add3A_32 {strides = array<i32>} : memref<4000x8xf32, #tpu.memory_space<vmem>>, vector<4000x8xf32>,
    return
  }
  func.func @transform_0(%arg0: i32) -> (i32, i32) {
    %add3A = arith.constant 0 : i32
    %add3A_0 = arith.addi %arg0, %add3A : i32
    %c0_i32 = arith.constant 0 : i32
    %c0_i32_1 = arith.constant 0 : i32
    return %add3A_0, %c0_i32 : i32, i32
  }
  func.func @transform_1(%arg0: i32) -> (i32, i32) {
    %c0_i32 = arith.constant 0 : i32
    %c0_i32_0 = arith.constant 0 : i32
    return %arg0, %c0_i32 : i32, i32
  }
  func.func @transform_2(%arg0: i32) -> (i32, i32) {
    %c0_i32 = arith.constant 0 : i32
    %c0_i32_0 = arith.constant 0 : i32
    %c0_i32_1 = arith.constant 0 : i32
    return %c0_i32, %c0_i32_0 : i32, i32
  }
  func.func @transform_3(%arg0: i32) -> (i32, i32) {
    %c0_i32 = arith.constant 0 : i32
    %c0_i32_0 = arith.constant 0 : i32
    %c0_i32_1 = arith.constant 0 : i32
    return %c0_i32, %c0_i32_0 : i32, i32
  }
  func.func @transform_4(%arg0: i32) -> (i32, i32) {
    %c0_i32 = arith.constant 0 : i32
    %c0_i32_0 = arith.constant 0 : i32
    %c0_i32_1 = arith.constant 0 : i32
    return %c0_i32, %c0_i32_0 : i32, i32
  }
  func.func @transform_5(%arg0: i32) -> (i32, i32) {
    %c0_i32 = arith.constant 0 : i32
    %c0_i32_0 = arith.constant 0 : i32
    %c0_i32_1 = arith.constant 0 : i32
    return %c0_i32, %c0_i32_0 : i32, i32
  }
  func.func @transform_6(%arg0: i32) -> (i32, i32) {
    %c0_i32 = arith.constant 0 : i32
    %c0_i32_0 = arith.constant 0 : i32
    %c0_i32_1 = arith.constant 0 : i32
    return %c0_i32, %c0_i32_0 : i32, i32
  }
  func.func @transform_7(%arg0: i32) -> (i32, i32) {
    %c0_i32 = arith.constant 0 : i32
    %c0_i32_0 = arith.constant 0 : i32
    return %arg0, %c0_i32 : i32, i32
  }
}

module attributes {stable_mosaic.version = 14 : i64} {
  func.func @_comb_body(%arg0: memref<20000x8xf32, #tpu.memory_space<vmem>>, %arg1: memref<20000x8xf32, #tpu.memory_space<vmem>>, %arg2: memref<10000x128xf32, #tpu.memory_space<vmem>>, %arg3: memref<128x8xf32, #tpu.memory_space<vmem>>, %arg4: memref<10000x8xf32, #tpu.memory_space<vmem>>) attributes {dimension_semantics = [], scalar_prefetch = 0 : i64, scratch_operands = 0 : i64, tpu.core_type = #tpu.core_type<tc>} {
    %get3A = arith.constant 0 : index
    %get3A_0 = arith.constant 0 : index
    %get3A_1 = vector.load %arg0[%get3A, %get3A_0] : memref<20000x8xf32, #tpu.memory_space<vmem>>, vector<10000x8xf32>
    %get3A_2 = arith.constant 10000 : index
    %get3A_3 = arith.constant 0 : index
    %get3A_4 = vector.load %arg0[%get3A_2, %get3A_3] : memref<20000x8xf32, #tpu.memory_space<vmem>>, vector<10000x8xf32>
    %add3A = arith.addf %get3A_1, %get3A_4 : vector<10000x8xf32>
    %get3A_5 = arith.constant 0 : index
    %get3A_6 = arith.constant 0 : index
    %get3A_7 = vector.load %arg1[%get3A_5, %get3A_6] : memref<20000x8xf32, #tpu.memory_space<vmem>>, vector<10000x8xf32>
    %add3A_8 = arith.addf %add3A, %get3A_7 : vector<10000x8xf32>
    %get3A_9 = arith.constant 10000 : index
    %get3A_10 = arith.constant 0 : index
    %get3A_11 = vector.load %arg1[%get3A_9, %get3A_10] : memref<20000x8xf32, #tpu.memory_space<vmem>>, vector<10000x8xf32>
    %add3A_12 = arith.addf %add3A_8, %get3A_11 : vector<10000x8xf32>
    %get3A_13 = arith.constant 0 : index
    %get3A_14 = arith.constant 0 : index
    %get3A_15 = vector.load %arg2[%get3A_13, %get3A_14] : memref<10000x128xf32, #tpu.memory_space<vmem>>, vector<10000x128xf32>
    %get3A_16 = arith.constant 0 : index
    %get3A_17 = arith.constant 0 : index
    %get3A_18 = vector.load %arg3[%get3A_16, %get3A_17] : memref<128x8xf32, #tpu.memory_space<vmem>>, vector<128x8xf32>
    %dot_general3A = arith.constant dense<0.000000e+00> : vector<10000x8xf32>
    %dot_general3A_19 = tpu.matmul %get3A_15, %get3A_18, %dot_general3A {dimension_numbers = #tpu.dot_dimension_numbers<[1], [0], [0], [1], [0, 0, 1, 1], [], []>, transpose_lhs_hint = false} : vector<10000x128xf32>, vector<128x8xf32>, vector<10000x8xf32> -> vector<10000x8xf32>
    %add3A_20 = arith.addf %add3A_12, %dot_general3A_19 : vector<10000x8xf32>
    %swap3A = arith.constant 0 : index
    %swap3A_21 = arith.constant 0 : index
    %swap3A_22 = vector.load %arg4[%swap3A, %swap3A_21] : memref<10000x8xf32, #tpu.memory_space<vmem>>, vector<10000x8xf32>
    tpu.vector_store %arg4[%swap3A, %swap3A_21], %add3A_20 {strides = array<i32>} : memref<10000x8xf32, #tpu.memory_space<vmem>>, vector<10000x8xf32>,
    return
  }
}

</mosaic_0001>

<sc_bundles>
// kernel: kernel.12.cloned.1.call-start
scs
__scs_entry_jumppad:
0x0: {  	(pc) =	sbr.rel $0x88, $3  }
0x1: {  	(tag) =	ssettag $0x0;
	lr =	simm.s32 $0x1  }
0x2: {  	[smem:$0x3F99] =	sst lr;
	_ =	strace $0xD0000000  }
0x3: {  	_ = 	snop  }
0x4: {  	_ = 	snop  }
0x5: {  	_ = 	snop  }
0x6: {  	_ = 	snop  }
0x7: {  	_ = 	snop  }
__scs_overlays_trampoline_lowered:
0x8: {  	[smem:$0x3FA8] =	sst s0  }
0x9: {  	[smem:$0x3FA9] =	sst s1  }
0xa: {  	[smem:$0x3FAA] =	sst s2  }
0xb: {  	[smem:$0x3FAB] =	sst s3  }
0xc: {  	[smem:$0x3FAC] =	sst s4  }
0xd: {  	[smem:$0x3FAD] =	sst s5  }
0xe: {  	[smem:$0x3FAE] =	sst s6  }
0xf: {  	[smem:$0x3FAF] =	sst s7  }
0x10: {  	[smem:$0x3FB0] =	sst s8  }
0x11: {  	[smem:$0x3FB1] =	sst s9;
	s0 =	simm.s32 @!p0 $0x0  }
0x12: {  	s1 =	sld [smem:$0x3F97];
	s0 =	simm.s32 @p0 $0x1  }
0x13: {  	[smem:$0x3FB2] =	sst s0;
	s0 =	simm.s32 @!p1 $0x0  }
0x14: {  	s2 =	sld [smem:$0x3F96];
	s0 =	simm.s32 @p1 $0x1  }
0x15: {  	[smem:$0x3FB3] =	sst s0;
	s0 =	simm.s32 @!p2 $0x0  }
0x16: {  	s3 =	sld [smem:$0x3FDB];
	s0 =	simm.s32 @p2 $0x1  }
0x17: {  	s4 =	simm.s32 $0x1BF5;
	[smem:$0x3FB5] =	sst s0  }
0x18: {  	s0 =	sld [smem:$0x3F98];
	_ =	swait.ge [sflag:s4], $0x0  }
0x19: {  	s7 =	sld [smem:$0x3F99]  }
0x1a: {  	s8 =	sadd.s32 $0xFFFFE003, lr  }
0x1b: {  	s9 =	sadd.s32 $0xFFFFFEF7, lr;
	s5 =	simm.s32 $0xFFFFFFFF;
	p2 =	slt.u32 s8, $0xFFFFF086  }
0x1c: {  	p1 =	slt.u32 s9, $0xF7A;
	s5 =	simm.s32 @!p2 $0x0  }
0x1d: {  	s5 =	simm.s32 @p1 $0x1;
	p0 =	seq.s32 s7, s2  }
0x1e: {  	s7 =	smul.u32 @!p0 $0xF7A, s2;
	p2 =	seq.s32 @!p0 s5, $0x0  }
0x1f: {  	s9 =	smul.u32 $0xF7A, s1;
	s8 =	simm.s32 @!p0 $0x1BF5;
	p2 =	por !p2, p0  }
0x20: {  	[sflag:s8] =	ssyncset.s32 @!p0 $0xFFFFF086;
	s6 =	sadd.s32 @!p0 s3, s7;
	s7 =	simm.s32 @!p0 $0x108  }
0x21: {  	s3 =	sadd.s32 s3, s9;
	s6 =	sadd.s32 @!p0 $0x88, s6;
	s7 =	simm.s32 @p2 $0x1082  }
0x22: {  	[simem:s7], [sflag:s8] =	dma.local @!p0 [hbm:s6], $0xF7A  }
0x23: {  	s9 =	sor.u32 $0xD0000000, s2;
	s6 =	simm.s32 $0x108;
	_ =	swait.ge @!p0 [sflag:s8], $0x0  }
0x24: {  	s3 =	sadd.s32 $0x88, s3;
	s6 =	simm.s32 @!p1 $0x1082;
	[sflag:s4] =	ssyncset.s32 $0xFFFFF086  }
0x25: {  	[simem:s6], [sflag:s4] =	dma.local [hbm:s3], $0xF7A  }
0x26: {  	[smem:$0x3F99] =	sst s1;
	(tag) =	ssettag s2;
	_ =	strace s9  }
0x27: {  	s1 =	sld [smem:$0x3FA9]  }
0x28: {  	s2 =	sld [smem:$0x3FAA]  }
0x29: {  	s4 =	sld [smem:$0x3FAC]  }
0x2a: {  	p0 =	seq.s32 s5, $0x0;
	s5 =	sld [smem:$0x3FAD]  }
0x2b: {  	s6 =	sld [smem:$0x3FAE]  }
0x2c: {  	s7 =	sld [smem:$0x3FAF]  }
0x2d: {  	s3 =	simm.s32 $0x108;
	s8 =	sld [smem:$0x3FB0]  }
0x2e: {  	s3 =	simm.s32 @!p0 $0x1082;
	s9 =	sld [smem:$0x3FB1]  }
0x2f: {  	lr =	sadd.s32 s0, s3;
	s0 =	sld [smem:$0x3FA8]  }
0x30: {  	s3 =	sld [smem:$0x3FAB]  }
0x31: {  	[smem:$0x3FB4] =	sst s10  }
0x32: {  	s10 =	sld [smem:$0x3FB2];
	_ =	sdelay $0x3  }
0x33: {  	p0 =	seq.s32 s10, $0x1;
	s10 =	sld [smem:$0x3FB4];
	_ =	sdelay $0x3  }
0x34: {  	[smem:$0x3FB4] =	sst s10  }
0x35: {  	s10 =	sld [smem:$0x3FB3];
	_ =	sdelay $0x3  }
0x36: {  	p1 =	seq.s32 s10, $0x1;
	s10 =	sld [smem:$0x3FB4];
	_ =	sdelay $0x3  }
0x37: {  	[smem:$0x3FB4] =	sst s10  }
0x38: {  	s10 =	sld [smem:$0x3FB5]  }
0x39: {  	_ = 	snop;
	(pc) =	sbr.ind lr, $3  }
0x3a: {  	_ = 	snop  }
0x3b: {  	_ = 	snop  }
0x3c: {  	p2 =	seq.s32 s10, $0x1;
	s10 =	sld [smem:$0x3FB4]  }
0x3d: {  	_ =	shalt  }
0x3e: {  	_ =	shalt  }
0x3f: {  	_ =	shalt  }
0x40: {  	_ =	shalt  }
0x41: {  	_ =	shalt  }
0x42: {  	_ =	shalt  }
0x43: {  	_ =	shalt  }
0x44: {  	_ =	shalt  }
0x45: {  	_ =	shalt  }
0x46: {  	_ =	shalt  }
0x47: {  	_ =	shalt  }
0x48: {  	_ =	shalt  }
0x49: {  	_ =	shalt  }
0x4a: {  	_ =	shalt  }
0x4b: {  	_ =	shalt  }
0x4c: {  	_ =	shalt  }
0x4d: {  	_ =	shalt  }
0x4e: {  	_ =	shalt  }
0x4f: {  	_ =	shalt  }
0x50: {  	_ =	shalt  }
0x51: {  	_ =	shalt  }
0x52: {  	_ =	shalt  }
0x53: {  	_ =	shalt  }
0x54: {  	_ =	shalt  }
0x55: {  	_ =	shalt  }
0x56: {  	_ =	shalt  }
0x57: {  	_ =	shalt  }
0x58: {  	_ =	shalt  }
0x59: {  	_ =	shalt  }
0x5a: {  	_ =	shalt  }
0x5b: {  	_ =	shalt  }
0x5c: {  	_ =	shalt  }
0x5d: {  	_ =	shalt  }
0x5e: {  	_ =	shalt  }
0x5f: {  	_ =	shalt  }
0x60: {  	_ =	shalt  }
0x61: {  	_ =	shalt  }
0x62: {  	_ =	shalt  }
0x63: {  	_ =	shalt  }
0x64: {  	_ =	shalt  }
0x65: {  	_ =	shalt  }
0x66: {  	_ =	shalt  }
0x67: {  	_ =	shalt  }
0x68: {  	_ =	shalt  }
0x69: {  	_ =	shalt  }
0x6a: {  	_ =	shalt  }
0x6b: {  	_ =	shalt  }
0x6c: {  	_ =	shalt  }
0x6d: {  	_ =	shalt  }
0x6e: {  	_ =	shalt  }
0x6f: {  	_ =	shalt  }
0x70: {  	_ =	shalt  }
0x71: {  	_ =	shalt  }
0x72: {  	_ =	shalt  }
0x73: {  	_ =	shalt  }
0x74: {  	_ =	shalt  }
0x75: {  	_ =	shalt  }
0x76: {  	_ =	shalt  }
0x77: {  	_ =	shalt  }
0x78: {  	_ =	shalt  }
0x79: {  	_ =	shalt  }
0x7a: {  	_ =	shalt  }
0x7b: {  	_ =	shalt  }
0x7c: {  	_ =	shalt  }
0x7d: {  	_ =	shalt  }
0x7e: {  	_ =	shalt  }
0x7f: {  	_ =	shalt  }
0x80: {  	_ =	shalt  }
0x81: {  	_ =	shalt  }
0x82: {  	_ =	shalt  }
0x83: {  	_ =	shalt  }
0x84: {  	_ =	shalt  }
0x85: {  	_ =	shalt  }
0x86: {  	_ =	shalt  }
0x87: {  	_ =	shalt  }
.Lfunc_end0:
.L_simem_size_0:
called_computation.1_lowered:
.L_overlay_start_0:
0x88: {  	s2 =	sld [smem:$0x3FD9]  }
0x89: {  	s3 =	sld [smem:$0x3FFE];
	_ =	sdelay $0x1  }
0x8a: {  	s1 =	srdreg.scid  }
0x8b: {  	s0 =	sand.u32 $0x1, s1  }
0x8c: {  	s17 =	sshll.u32 s0, $0xA;
	s2 =	sadd.s32 s3, s2  }
0x8d: {  	s2 =	sadd.s32 s2, s17  }
0x8e: {  	[smem:$0x3FC0] =	sst s2  }
0x8f: {  	_ = 	snop  }
0x90: {  	s2 =	sld [smem:$0x3FC9];
	(tm) =	ssettm $0x1  }
0x91: {  	s18 =	sld [smem:$0x3FFB];
	_ =	sdelay $0x3  }
0x92: {  	_ =	strace s18  }
0x93: {  	s3 =	sld [smem:$0x3FFC];
	_ =	sdelay $0x3  }
0x94: {  	_ =	strace s3  }
0x95: {  	s3 =	sld [smem:$0x3FFD];
	_ =	sdelay $0x3  }
0x96: {  	_ =	strace s3  }
0x97: {  	_ =	strace $0x8FFFFFFF  }
0x98: {  	s19 =	sld [smem:$0x3FDB];
	_ =	sdelay $0x1  }
0x99: {  	s4 =	simm.s32 $_scs_section_size  }
0x9a: {  	s5 =	simm.s32 $_size__tile_overlayer_lowered;
	s6 =	simm.s32 $_tile_overlayer_lowered  }
0x9b: {  	s22 =	simm.s32 $0x1BFF;
	s21 =	sshll.u32 s6, $0x1;
	s3 =	sadd.s32 s4, s19  }
0x9c: {  	s7 =	simm.s32 $0x0;
	s20 =	sshll.u32 s5, $0x1;
	s5 =	sadd.s32 s21, s3  }
0x9d: {  	[timem:s7], [sflag:s22] =	dma.local [hbm:s5], s20  }
0x9e: {  	_ =	swait.ge [sflag:s22], s20  }
0x9f: {  	s4 =	ssub.s32 $0x0, s20;
	[sflag:s22] =	ssyncset.done $0x0  }
0xa0: {  	[sflag:s22] =	ssyncadd.s32 s4;
	_ =	sdelay $0x1  }
0xa1: {  	s23 =	simm.s32 $0x1B8B  }
0xa2: {  	_ =	swait.ge [sflag:s23], $0x1  }
0xa3: {  	[sflag:s23] =	ssyncset.done $0x0  }
0xa4: {  	s25 =	simm.s32 $0x1B8E;
	s24 =	sld [smem:$0x3FFE];
	[sflag:s23] =	ssyncadd.s32 $0xFFFFFFFF  }
0xa5: {  	s26 =	simm.s32 $execute0_lowered;
	[smem:$0x3FD2] =	sst s25  }
0xa6: {  	s5 =	sshll.u32 s26, $0x1;
	_ =	strace $0x80000046;
	[dreg:$0x1] =	wrdreg $0xFFFFFFFF  }
0xa7: {  	s28 =	simm.s32 $_size_execute0_lowered;
	s3 =	sadd.s32 s3, s5;
	[dreg:$0x0] =	wrdreg $0x0  }
0xa8: {  	s5 =	sshll.u32 s28, $0x1;
	[dreg:$0x2] =	wrdreg s3  }
0xa9: {  	[dreg:$0x3] =	wrdreg s5  }
0xaa: {  	[dreg:$0x4] =	wrdreg $0xC0  }
0xab: {  	_ =	task [dreg:s7], $0x5FFFF  }
0xac: {  	[dreg:$0x1] =	wrdreg $0xFFFFFFFF  }
0xad: {  	[dreg:$0x0] =	wrdreg $0x60  }
0xae: {  	[dreg:$0x2] =	wrdreg s2  }
0xaf: {  	[dreg:$0x3] =	wrdreg s24  }
0xb0: {  	[dreg:$0x4] =	wrdreg $0xA  }
0xb1: {  	_ =	task.clear_ibuf [dreg:s7], $0x5FFFF;
	_ =	strace $0x90000046  }
0xb2: {  	s29 =	simm.s32 $0xA;
	_ =	strace $0x80000048  }
0xb3: {  	_ =	swait.ge [sflag:s29], $0x1  }
0xb4: {  	[sflag:s29] =	ssyncadd.s32 $0xFFFFFFFF  }
0xb5: {  	_ =	strace $0x90000048  }
0xb6: {  	_ =	sfence  }
0xb7: {  	s30 =	sld [smem:$0x0];
	_ =	sdelay $0x2  }
0xb8: {  	s31 =	sshll.u32 s1, $0xD;
	s1 =	sshrl.u32 s1, $0x2  }
0xb9: {  	s3 =	sand.u32 $0x4000, s31;
	s1 =	sadd.s32 s1, s30  }
0xba: {  	s0 =	sor.u32 s3, s0;
	s1 =	sshll.u32 s1, $0x11  }
0xbb: {  	s0 =	sor.u32 s1, s0  }
0xbc: {  	s0 =	sadd.s32 $0x8F2B, s0  }
0xbd: {  	[sflag:s0] =	ssyncadd.remote.s32 $0x1  }
0xbe: {  	_ =	sfence.sel $0xFFFF  }
0xbf: {  	[dreg:$0x0] =	wrdreg $0xFFFFFFFF;
	(pc) =	sbr.abs _section_cstart, $3  }
0xc0: {  	[dreg:$0x1] =	wrdreg $0xFFFFFFFF  }
0xc1: {  	_ =	task.clear_ibuf [dreg:s7], $0x2FFFF;
	_ =	strace $0x9FFFFFFF  }
0xc2: {  	(tm) =	ssettm $0x7FFFFFFF  }
0xc3: {  	_ =	shalt  }
tec
execute0_lowered:
.L_overlay_start_1:
0x0: {  	(tag) =	ssettag $0x1  }
0x1: {  	s1 =	srdreg.scid;
	s2 =	rddreg [dreg:$0x0]  }
0x2: {  	s0 =	stileid.u32;
	s5 =	rddreg [dreg:$0x1];
	s3 =	simm.s32 $0x0  }
0x3: {  	s10 =	simm.s32 $0x4A00;
	s11 =	simm.s32 $0x8A00;
	s12 =	simm.s32 $0xCA00  }
0x4: {  	s13 =	simm.s32 $0x1;
	s14 =	simm.s32 $0x2;
	s4 =	sand.u32 $0x1, s1  }
0x5: {  	s30 =	sshll.u32 s0, $0x1;
	s7 =	smul.u32 $0x14000, s0;
	[smem:$0x7FF] =	sst s3  }
0x6: {  	s1 =	sor.u32 s4, s30;
	s8 =	ssub.s32 $0x2, s4;
	s4 =	smul.u32 $0xA000, s4  }
0x7: {  	s15 =	simm.s32 $0x0;
	s6 =	smul.u32 $0x140, s1;
	s1 =	rddreg [dreg:$0x2]  }
0x8: {  	_ =	strace $0x80000047;
	s7 =	sadd.s32 s7, s5;
	s9 =	sshrl.u32 s8, $0x1  }
0x9: {  	s31 =	ssub.s32 s8, s9;
	s7 =	sadd.s32 s4, s7;
	s8 =	simm.s32 $0x80  }
0xa: {  	s9 =	simm.s32 $0xA00;
	s5 =	sadd.s32 s6, s5;
	s6 =	sadd.s32 $0x8A00, s7  }
0xb: {  	s7 =	simm.s32 $0x3;
	s4 =	sadd.s32 $0x2200, s5;
	s5 =	smax.u32 s31, $0x1  }
.LBB2_1:
0xc: {  	[tilespmem:s3], [sflag:$0x3] =	stream.linear.gather [hbm4b:s4+s3], $0xA00, $0x38;
	[tilespmem:$0x10A00] =	vst v63  }
0xd: {  	_ =	swait.ge [sflag:s7], $0xA00  }
0xe: {  	[sflag:s7] =	ssyncset.done $0x0  }
0xf: {  	s16 =	simm.s32 $0x0;
	[sflag:s7] =	ssyncadd.s32 $0xFFFFF600  }
0x10: {  	[tilespmem:s9], [sflag:$0x1] =	stream.indirect.gather [hbm4b:s2+s8], $0x80, s16, s8, $0xb8;
	[tilespmem:$0x10A00] =	vst v63  }
0x11: {  	s25 =	simm.s32 $0x80  }
0x12: {  	[tilespmem:s10], [sflag:$0x1] =	stream.indirect.gather [hbm4b:s2+s8], $0x80, s25, s8, $0xb8;
	[tilespmem:$0x10A00] =	vst v63  }
0x13: {  	s26 =	simm.s32 $0x100  }
0x14: {  	[tilespmem:s11], [sflag:$0x1] =	stream.indirect.gather [hbm4b:s2+s8], $0x80, s26, s8, $0xb8;
	[tilespmem:$0x10A00] =	vst v63  }
0x15: {  	s28 =	simm.s32 $0x180  }
0x16: {  	[tilespmem:s12], [sflag:$0x1] =	stream.indirect.gather [hbm4b:s2+s8], $0x80, s28, s8, $0xb8;
	[tilespmem:$0x10A00] =	vst v63  }
0x17: {  	_ =	swait.ge [sflag:s13], $0x4000  }
0x18: {  	[sflag:s13] =	ssyncset.done $0x0  }
0x19: {  	s29 =	sadd.s32 $0xFFFFE800, s6;
	[sflag:s13] =	ssyncadd.s32 $0xFFFFC000  }
0x1a: {  	[hbm4b:s29+s3] =	stream.linear.scatter [tilespmem:s9], [sflag:$0x2], $0x4000, $0x38;
	[tilespmem:$0x10A00] =	vst v63  }
0x1b: {  	_ =	swait.ge [sflag:s13], $0x4000  }
0x1c: {  	[sflag:s13] =	ssyncset.done $0x0  }
0x1d: {  	s30 =	sadd.s32 $0xFFFFF000, s6;
	[sflag:s13] =	ssyncadd.s32 $0xFFFFC000  }
0x1e: {  	[hbm4b:s30+s3] =	stream.linear.scatter [tilespmem:s10], [sflag:$0x2], $0x4000, $0x38;
	[tilespmem:$0x10A00] =	vst v63  }
0x1f: {  	_ =	swait.ge [sflag:s13], $0x4000  }
0x20: {  	[sflag:s13] =	ssyncset.done $0x0  }
0x21: {  	s31 =	sadd.s32 $0xFFFFF800, s6;
	[sflag:s13] =	ssyncadd.s32 $0xFFFFC000  }
0x22: {  	[hbm4b:s31+s3] =	stream.linear.scatter [tilespmem:s11], [sflag:$0x2], $0x4000, $0x38;
	[tilespmem:$0x10A00] =	vst v63  }
0x23: {  	_ =	swait.ge [sflag:s13], $0x4000  }
0x24: {  	[sflag:s13] =	ssyncset.done $0x0  }
0x25: {  	[sflag:s13] =	ssyncadd.s32 $0xFFFFC000  }
0x26: {  	[hbm4b:s6+s3] =	stream.linear.scatter [tilespmem:s12], [sflag:$0x2], $0x4000, $0x38;
	[tilespmem:$0x10A00] =	vst v63  }
0x27: {  	_ =	swait.ge [sflag:s14], $0x4000  }
0x28: {  	[sflag:s14] =	ssyncset.done $0x0  }
0x29: {  	[sflag:s14] =	ssyncadd.s32 $0xFFFFC000  }
0x2a: {  	_ =	swait.ge [sflag:s14], $0x4000  }
0x2b: {  	[sflag:s14] =	ssyncset.done $0x0  }
0x2c: {  	[sflag:s14] =	ssyncadd.s32 $0xFFFFC000  }
0x2d: {  	_ =	swait.ge [sflag:s14], $0x4000  }
0x2e: {  	[sflag:s14] =	ssyncset.done $0x0  }
0x2f: {  	[sflag:s14] =	ssyncadd.s32 $0xFFFFC000  }
0x30: {  	s17 =	simm.s32 $0x800;
	_ =	swait.ge [sflag:s14], $0x4000  }
0x31: {  	s19 =	simm.s32 $0x1000;
	s16 =	sadd.s32 $0x2000, s6;
	[sflag:s14] =	ssyncset.done $0x0  }
.LBB2_2:
0x32: {  	s20 =	sshra.s32 s17, $0x2  }
0x33: {  	[sflag:s14] =	ssyncadd.s32 $0xFFFFC000;
	s17 =	smov.u32 s19;
	s18 =	sadd.s32 $0x800, s19  }
0x34: {  	[tilespmem:s9], [sflag:$0x1] =	stream.indirect.gather [hbm4b:s2+s8], $0x80, s20, s8, $0xb8;
	[tilespmem:$0x10A00] =	vst v63  }
0x35: {  	p0 =	sne.s32 s19, $0x2000;
	s19 =	sadd.s32 $0x80, s20  }
0x36: {  	[tilespmem:s10], [sflag:$0x1] =	stream.indirect.gather [hbm4b:s2+s8], $0x80, s19, s8, $0xb8;
	[tilespmem:$0x10A00] =	vst v63  }
0x37: {  	s19 =	sadd.s32 $0x100, s20  }
0x38: {  	[tilespmem:s11], [sflag:$0x1] =	stream.indirect.gather [hbm4b:s2+s8], $0x80, s19, s8, $0xb8;
	[tilespmem:$0x10A00] =	vst v63  }
0x39: {  	s19 =	sadd.s32 $0x180, s20  }
0x3a: {  	[tilespmem:s12], [sflag:$0x1] =	stream.indirect.gather [hbm4b:s2+s8], $0x80, s19, s8, $0xb8;
	[tilespmem:$0x10A00] =	vst v63  }
0x3b: {  	_ =	swait.ge [sflag:s13], $0x4000  }
0x3c: {  	[sflag:s13] =	ssyncset.done $0x0  }
0x3d: {  	s19 =	sadd.s32 $0xFFFFE800, s16;
	[sflag:s13] =	ssyncadd.s32 $0xFFFFC000  }
0x3e: {  	[hbm4b:s19+s3] =	stream.linear.scatter [tilespmem:s9], [sflag:$0x2], $0x4000, $0x38;
	[tilespmem:$0x10A00] =	vst v63  }
0x3f: {  	_ =	swait.ge [sflag:s13], $0x4000  }
0x40: {  	[sflag:s13] =	ssyncset.done $0x0  }
0x41: {  	s19 =	sadd.s32 $0xFFFFF000, s16;
	[sflag:s13] =	ssyncadd.s32 $0xFFFFC000  }
0x42: {  	[hbm4b:s19+s3] =	stream.linear.scatter [tilespmem:s10], [sflag:$0x2], $0x4000, $0x38;
	[tilespmem:$0x10A00] =	vst v63  }
0x43: {  	_ =	swait.ge [sflag:s13], $0x4000  }
0x44: {  	[sflag:s13] =	ssyncset.done $0x0  }
0x45: {  	s19 =	sadd.s32 $0xFFFFF800, s16;
	[sflag:s13] =	ssyncadd.s32 $0xFFFFC000  }
0x46: {  	[hbm4b:s19+s3] =	stream.linear.scatter [tilespmem:s11], [sflag:$0x2], $0x4000, $0x38;
	[tilespmem:$0x10A00] =	vst v63  }
0x47: {  	_ =	swait.ge [sflag:s13], $0x4000  }
0x48: {  	[sflag:s13] =	ssyncset.done $0x0  }
0x49: {  	[sflag:s13] =	ssyncadd.s32 $0xFFFFC000  }
0x4a: {  	[hbm4b:s16+s3] =	stream.linear.scatter [tilespmem:s12], [sflag:$0x2], $0x4000, $0x38;
	[tilespmem:$0x10A00] =	vst v63  }
0x4b: {  	_ =	swait.ge [sflag:s14], $0x4000  }
0x4c: {  	[sflag:s14] =	ssyncset.done $0x0  }
0x4d: {  	[sflag:s14] =	ssyncadd.s32 $0xFFFFC000  }
0x4e: {  	_ =	swait.ge [sflag:s14], $0x4000  }
0x4f: {  	[sflag:s14] =	ssyncset.done $0x0  }
0x50: {  	[sflag:s14] =	ssyncadd.s32 $0xFFFFC000  }
.Ltmp0:
0x51: {  	_ =	swait.ge [sflag:s14], $0x4000;
	(pc) =	sbr.rel @p0 .LBB2_2-.Ltmp0, $4  }
0x52: {  	[sflag:s14] =	ssyncset.done $0x0  }
0x53: {  	[sflag:s14] =	ssyncadd.s32 $0xFFFFC000  }
0x54: {  	_ =	swait.ge [sflag:s14], $0x4000  }
0x55: {  	s19 =	smov.u32 s18;
	s16 =	sadd.s32 $0x2000, s16;
	[sflag:s14] =	ssyncset.done $0x0  }
0x56: {  	s17 =	sshra.s32 s17, $0x2;
	[sflag:s14] =	ssyncadd.s32 $0xFFFFC000  }
0x57: {  	[tilespmem:s9], [sflag:$0x1] =	stream.indirect.gather [hbm4b:s2+s8], $0x80, s17, s8, $0xb8;
	[tilespmem:$0x10A00] =	vst v63  }
0x58: {  	s18 =	sadd.s32 $0x80, s17  }
0x59: {  	[tilespmem:s10], [sflag:$0x1] =	stream.indirect.gather [hbm4b:s2+s8], $0x80, s18, s8, $0xb8;
	[tilespmem:$0x10A00] =	vst v63  }
0x5a: {  	s28 =	sadd.s32 $0x100, s17  }
0x5b: {  	[tilespmem:s11], [sflag:$0x1] =	stream.indirect.gather [hbm4b:s2+s8], $0x80, s28, s8, $0xb8;
	[tilespmem:$0x10A00] =	vst v63  }
0x5c: {  	s17 =	sadd.s32 $0x180, s17  }
0x5d: {  	[tilespmem:s12], [sflag:$0x1] =	stream.indirect.gather [hbm4b:s2+s8], $0x80, s17, s8, $0xb8;
	[tilespmem:$0x10A00] =	vst v63  }
0x5e: {  	_ =	swait.ge [sflag:s13], $0x4000  }
0x5f: {  	[sflag:s13] =	ssyncset.done $0x0  }
0x60: {  	s29 =	sadd.s32 $0xFFFFE800, s16;
	[sflag:s13] =	ssyncadd.s32 $0xFFFFC000  }
0x61: {  	[hbm4b:s29+s3] =	stream.linear.scatter [tilespmem:s9], [sflag:$0x2], $0x4000, $0x38;
	[tilespmem:$0x10A00] =	vst v63  }
0x62: {  	_ =	swait.ge [sflag:s13], $0x4000  }
0x63: {  	[sflag:s13] =	ssyncset.done $0x0  }
0x64: {  	s30 =	sadd.s32 $0xFFFFF000, s16;
	[sflag:s13] =	ssyncadd.s32 $0xFFFFC000  }
0x65: {  	[hbm4b:s30+s3] =	stream.linear.scatter [tilespmem:s10], [sflag:$0x2], $0x4000, $0x38;
	[tilespmem:$0x10A00] =	vst v63  }
0x66: {  	_ =	swait.ge [sflag:s13], $0x4000  }
0x67: {  	[sflag:s13] =	ssyncset.done $0x0  }
0x68: {  	s31 =	sadd.s32 $0xFFFFF800, s16;
	[sflag:s13] =	ssyncadd.s32 $0xFFFFC000  }
0x69: {  	[hbm4b:s31+s3] =	stream.linear.scatter [tilespmem:s11], [sflag:$0x2], $0x4000, $0x38;
	[tilespmem:$0x10A00] =	vst v63  }
0x6a: {  	_ =	swait.ge [sflag:s13], $0x4000  }
0x6b: {  	[sflag:s13] =	ssyncset.done $0x0  }
0x6c: {  	[sflag:s13] =	ssyncadd.s32 $0xFFFFC000  }
0x6d: {  	[hbm4b:s16+s3] =	stream.linear.scatter [tilespmem:s12], [sflag:$0x2], $0x4000, $0x38;
	[tilespmem:$0x10A00] =	vst v63  }
0x6e: {  	_ =	swait.ge [sflag:s14], $0x4000  }
0x6f: {  	[sflag:s14] =	ssyncset.done $0x0  }
0x70: {  	[sflag:s14] =	ssyncadd.s32 $0xFFFFC000  }
0x71: {  	_ =	swait.ge [sflag:s14], $0x4000  }
0x72: {  	[sflag:s14] =	ssyncset.done $0x0  }
0x73: {  	s15 =	sadd.s32 $0x1, s15;
	[sflag:s14] =	ssyncadd.s32 $0xFFFFC000  }
0x74: {  	p0 =	sne.s32 s15, s5;
	_ =	swait.ge [sflag:s14], $0x4000  }
.Ltmp1:
0x75: {  	[sflag:s14] =	ssyncset.done $0x0;
	(pc) =	sbr.rel @p0 .LBB2_1-.Ltmp1, $4  }
0x76: {  	[sflag:s14] =	ssyncadd.s32 $0xFFFFC000  }
0x77: {  	_ =	swait.ge [sflag:s14], $0x4000  }
0x78: {  	[sflag:s14] =	ssyncset.done $0x0  }
0x79: {  	[sflag:s14] =	ssyncadd.s32 $0xFFFFC000  }
0x7a: {  	_ =	sfence.sel $0x180000  }
0x7b: {  	[bflag:$0x0] =	sbarrier.arrive $0xFFFF  }
0x7c: {  	p0 =	sne.s32 s0, $0x0;
	_ =	strace $0x90000047  }
0x7d: {  	s0 =	sadd.s32 @!p0 $0x100000, s1;
	[bflag:$0x2] =	sbarrier.arrive $0xFFFF  }
0x7e: {  	[sflag:s0] =	ssyncadd.tile.s32 @!p0 $0x1;
	_ =	shalt  }
.Lfunc_end2:
_tile_overlayer_lowered:
.L_overlay_start_2:
0x7f: {  	(tag) =	ssettag $0x2  }
0x80: {  	s0 =	rddreg [dreg:$0x0];
	s2 =	stileid.u32  }
0x81: {  	s1 =	rddreg [dreg:$0x1];
	p0 =	sne.s32 s2, $0x0  }
0x82: {  	s3 =	rddreg [dreg:$0x2];
	[bflag:$0x3] =	sbarrier.arrive $0xFFFF;
	s2 =	simm.s32 @!p0 $0x1C03  }
0x83: {  	[timem:s3], [sflag:s2] =	dma.local @!p0 [hbm:s0], s1  }
0x84: {  	s0 =	simm.s32 @!p0 $0x3  }
0x85: {  	_ =	swait.ge @!p0 [sflag:s0], s1  }
0x86: {  	s1 =	ssub.s32 @!p0 $0x0, s1;
	[sflag:s0] =	ssyncset.done @!p0 $0x0  }
0x87: {  	[sflag:s0] =	ssyncadd.s32 @!p0 s1  }
0x88: {  	[bflag:$0x3] =	sbarrier.arrive $0xFFFF  }
0x89: {  	_ =	shalt  }

// kernel: kernel.15.cloned.1.call-start
scs
__scs_entry_jumppad:
0x0: {  	(pc) =	sbr.rel $0x88, $3  }
0x1: {  	(tag) =	ssettag $0x0;
	lr =	simm.s32 $0x1  }
0x2: {  	[smem:$0x3F99] =	sst lr;
	_ =	strace $0xD0000000  }
0x3: {  	_ = 	snop  }
0x4: {  	_ = 	snop  }
0x5: {  	_ = 	snop  }
0x6: {  	_ = 	snop  }
0x7: {  	_ = 	snop  }
__scs_overlays_trampoline_lowered:
0x8: {  	[smem:$0x3FA8] =	sst s0  }
0x9: {  	[smem:$0x3FA9] =	sst s1  }
0xa: {  	[smem:$0x3FAA] =	sst s2  }
0xb: {  	[smem:$0x3FAB] =	sst s3  }
0xc: {  	[smem:$0x3FAC] =	sst s4  }
0xd: {  	[smem:$0x3FAD] =	sst s5  }
0xe: {  	[smem:$0x3FAE] =	sst s6  }
0xf: {  	[smem:$0x3FAF] =	sst s7  }
0x10: {  	[smem:$0x3FB0] =	sst s8  }
0x11: {  	[smem:$0x3FB1] =	sst s9;
	s0 =	simm.s32 @!p0 $0x0  }
0x12: {  	s1 =	sld [smem:$0x3F97];
	s0 =	simm.s32 @p0 $0x1  }
0x13: {  	[smem:$0x3FB2] =	sst s0;
	s0 =	simm.s32 @!p1 $0x0  }
0x14: {  	s2 =	sld [smem:$0x3F96];
	s0 =	simm.s32 @p1 $0x1  }
0x15: {  	[smem:$0x3FB3] =	sst s0;
	s0 =	simm.s32 @!p2 $0x0  }
0x16: {  	s3 =	sld [smem:$0x3FDB];
	s0 =	simm.s32 @p2 $0x1  }
0x17: {  	s4 =	simm.s32 $0x1BF5;
	[smem:$0x3FB5] =	sst s0  }
0x18: {  	s0 =	sld [smem:$0x3F98];
	_ =	swait.ge [sflag:s4], $0x0  }
0x19: {  	s7 =	sld [smem:$0x3F99]  }
0x1a: {  	s8 =	sadd.s32 $0xFFFFE003, lr  }
0x1b: {  	s9 =	sadd.s32 $0xFFFFFEF7, lr;
	s5 =	simm.s32 $0xFFFFFFFF;
	p2 =	slt.u32 s8, $0xFFFFF086  }
0x1c: {  	p1 =	slt.u32 s9, $0xF7A;
	s5 =	simm.s32 @!p2 $0x0  }
0x1d: {  	s5 =	simm.s32 @p1 $0x1;
	p0 =	seq.s32 s7, s2  }
0x1e: {  	s7 =	smul.u32 @!p0 $0xF7A, s2;
	p2 =	seq.s32 @!p0 s5, $0x0  }
0x1f: {  	s9 =	smul.u32 $0xF7A, s1;
	s8 =	simm.s32 @!p0 $0x1BF5;
	p2 =	por !p2, p0  }
0x20: {  	[sflag:s8] =	ssyncset.s32 @!p0 $0xFFFFF086;
	s6 =	sadd.s32 @!p0 s3, s7;
	s7 =	simm.s32 @!p0 $0x108  }
0x21: {  	s3 =	sadd.s32 s3, s9;
	s6 =	sadd.s32 @!p0 $0x88, s6;
	s7 =	simm.s32 @p2 $0x1082  }
0x22: {  	[simem:s7], [sflag:s8] =	dma.local @!p0 [hbm:s6], $0xF7A  }
0x23: {  	s9 =	sor.u32 $0xD0000000, s2;
	s6 =	simm.s32 $0x108;
	_ =	swait.ge @!p0 [sflag:s8], $0x0  }
0x24: {  	s3 =	sadd.s32 $0x88, s3;
	s6 =	simm.s32 @!p1 $0x1082;
	[sflag:s4] =	ssyncset.s32 $0xFFFFF086  }
0x25: {  	[simem:s6], [sflag:s4] =	dma.local [hbm:s3], $0xF7A  }
0x26: {  	[smem:$0x3F99] =	sst s1;
	(tag) =	ssettag s2;
	_ =	strace s9  }
0x27: {  	s1 =	sld [smem:$0x3FA9]  }
0x28: {  	s2 =	sld [smem:$0x3FAA]  }
0x29: {  	s4 =	sld [smem:$0x3FAC]  }
0x2a: {  	p0 =	seq.s32 s5, $0x0;
	s5 =	sld [smem:$0x3FAD]  }
0x2b: {  	s6 =	sld [smem:$0x3FAE]  }
0x2c: {  	s7 =	sld [smem:$0x3FAF]  }
0x2d: {  	s3 =	simm.s32 $0x108;
	s8 =	sld [smem:$0x3FB0]  }
0x2e: {  	s3 =	simm.s32 @!p0 $0x1082;
	s9 =	sld [smem:$0x3FB1]  }
0x2f: {  	lr =	sadd.s32 s0, s3;
	s0 =	sld [smem:$0x3FA8]  }
0x30: {  	s3 =	sld [smem:$0x3FAB]  }
0x31: {  	[smem:$0x3FB4] =	sst s10  }
0x32: {  	s10 =	sld [smem:$0x3FB2];
	_ =	sdelay $0x3  }
0x33: {  	p0 =	seq.s32 s10, $0x1;
	s10 =	sld [smem:$0x3FB4];
	_ =	sdelay $0x3  }
0x34: {  	[smem:$0x3FB4] =	sst s10  }
0x35: {  	s10 =	sld [smem:$0x3FB3];
	_ =	sdelay $0x3  }
0x36: {  	p1 =	seq.s32 s10, $0x1;
	s10 =	sld [smem:$0x3FB4];
	_ =	sdelay $0x3  }
0x37: {  	[smem:$0x3FB4] =	sst s10  }
0x38: {  	s10 =	sld [smem:$0x3FB5]  }
0x39: {  	_ = 	snop;
	(pc) =	sbr.ind lr, $3  }
0x3a: {  	_ = 	snop  }
0x3b: {  	_ = 	snop  }
0x3c: {  	p2 =	seq.s32 s10, $0x1;
	s10 =	sld [smem:$0x3FB4]  }
0x3d: {  	_ =	shalt  }
0x3e: {  	_ =	shalt  }
0x3f: {  	_ =	shalt  }
0x40: {  	_ =	shalt  }
0x41: {  	_ =	shalt  }
0x42: {  	_ =	shalt  }
0x43: {  	_ =	shalt  }
0x44: {  	_ =	shalt  }
0x45: {  	_ =	shalt  }
0x46: {  	_ =	shalt  }
0x47: {  	_ =	shalt  }
0x48: {  	_ =	shalt  }
0x49: {  	_ =	shalt  }
0x4a: {  	_ =	shalt  }
0x4b: {  	_ =	shalt  }
0x4c: {  	_ =	shalt  }
0x4d: {  	_ =	shalt  }
0x4e: {  	_ =	shalt  }
0x4f: {  	_ =	shalt  }
0x50: {  	_ =	shalt  }
0x51: {  	_ =	shalt  }
0x52: {  	_ =	shalt  }
0x53: {  	_ =	shalt  }
0x54: {  	_ =	shalt  }
0x55: {  	_ =	shalt  }
0x56: {  	_ =	shalt  }
0x57: {  	_ =	shalt  }
0x58: {  	_ =	shalt  }
0x59: {  	_ =	shalt  }
0x5a: {  	_ =	shalt  }
0x5b: {  	_ =	shalt  }
0x5c: {  	_ =	shalt  }
0x5d: {  	_ =	shalt  }
0x5e: {  	_ =	shalt  }
0x5f: {  	_ =	shalt  }
0x60: {  	_ =	shalt  }
0x61: {  	_ =	shalt  }
0x62: {  	_ =	shalt  }
0x63: {  	_ =	shalt  }
0x64: {  	_ =	shalt  }
0x65: {  	_ =	shalt  }
0x66: {  	_ =	shalt  }
0x67: {  	_ =	shalt  }
0x68: {  	_ =	shalt  }
0x69: {  	_ =	shalt  }
0x6a: {  	_ =	shalt  }
0x6b: {  	_ =	shalt  }
0x6c: {  	_ =	shalt  }
0x6d: {  	_ =	shalt  }
0x6e: {  	_ =	shalt  }
0x6f: {  	_ =	shalt  }
0x70: {  	_ =	shalt  }
0x71: {  	_ =	shalt  }
0x72: {  	_ =	shalt  }
0x73: {  	_ =	shalt  }
0x74: {  	_ =	shalt  }
0x75: {  	_ =	shalt  }
0x76: {  	_ =	shalt  }
0x77: {  	_ =	shalt  }
0x78: {  	_ =	shalt  }
0x79: {  	_ =	shalt  }
0x7a: {  	_ =	shalt  }
0x7b: {  	_ =	shalt  }
0x7c: {  	_ =	shalt  }
0x7d: {  	_ =	shalt  }
0x7e: {  	_ =	shalt  }
0x7f: {  	_ =	shalt  }
0x80: {  	_ =	shalt  }
0x81: {  	_ =	shalt  }
0x82: {  	_ =	shalt  }
0x83: {  	_ =	shalt  }
0x84: {  	_ =	shalt  }
0x85: {  	_ =	shalt  }
0x86: {  	_ =	shalt  }
0x87: {  	_ =	shalt  }
.Lfunc_end0:
.L_simem_size_0:
called_computation.2_lowered:
.L_overlay_start_0:
0x88: {  	s2 =	sld [smem:$0x3FD9]  }
0x89: {  	s3 =	sld [smem:$0x3FFE];
	_ =	sdelay $0x1  }
0x8a: {  	s1 =	srdreg.scid  }
0x8b: {  	s0 =	sand.u32 $0x1, s1  }
0x8c: {  	s17 =	sshll.u32 s0, $0xA;
	s2 =	sadd.s32 s3, s2  }
0x8d: {  	s2 =	sadd.s32 s2, s17  }
0x8e: {  	[smem:$0x3FC0] =	sst s2  }
0x8f: {  	_ = 	snop  }
0x90: {  	s18 =	sld [smem:$0x3FD0];
	(tm) =	ssettm $0x1  }
0x91: {  	s19 =	sld [smem:$0x3FFB];
	_ =	sdelay $0x3  }
0x92: {  	_ =	strace s19  }
0x93: {  	s2 =	sld [smem:$0x3FFC];
	_ =	sdelay $0x3  }
0x94: {  	_ =	strace s2  }
0x95: {  	s2 =	sld [smem:$0x3FFD];
	_ =	sdelay $0x3  }
0x96: {  	_ =	strace s2  }
0x97: {  	_ =	strace $0x8FFFFFFF  }
0x98: {  	s20 =	sld [smem:$0x3FDB];
	_ =	sdelay $0x1  }
0x99: {  	s4 =	simm.s32 $_scs_section_size  }
0x9a: {  	s5 =	simm.s32 $_size__tile_overlayer_lowered;
	s6 =	simm.s32 $_tile_overlayer_lowered  }
0x9b: {  	s7 =	simm.s32 $0x1BFF;
	s21 =	sshll.u32 s6, $0x1;
	s4 =	sadd.s32 s4, s20  }
0x9c: {  	s22 =	simm.s32 $0x0;
	s5 =	sshll.u32 s5, $0x1;
	s6 =	sadd.s32 s21, s4  }
0x9d: {  	[timem:s22], [sflag:s7] =	dma.local [hbm:s6], s5  }
0x9e: {  	_ =	swait.ge [sflag:s7], s5  }
0x9f: {  	s5 =	ssub.s32 $0x0, s5;
	[sflag:s7] =	ssyncset.done $0x0  }
0xa0: {  	[sflag:s7] =	ssyncadd.s32 s5;
	_ =	sdelay $0x1  }
0xa1: {  	s23 =	simm.s32 $0x1B8B  }
0xa2: {  	_ =	swait.ge [sflag:s23], $0x1  }
0xa3: {  	[sflag:s23] =	ssyncset.done $0x0  }
0xa4: {  	[sflag:s23] =	ssyncadd.s32 $0xFFFFFFFF  }
0xa5: {  	s5 =	sld [smem:$0x0]  }
0xa6: {  	s6 =	sand.u32 $0xFFFFFFFE, s1  }
0xa7: {  	p0 =	sne.s32 s1, s6  }
0xa8: {  	s6 =	sshll.u32 @p0 s6, $0xE  }
0xa9: {  	s6 =	sadd.s32 @p0 $0x11B8D, s6;
	s7 =	sshll.u32 @p0 s5, $0x11  }
0xaa: {  	s6 =	sor.u32 @p0 s7, s6  }
0xab: {  	[sflag:s6] =	ssyncadd.remote.s32 @p0 $0x1;
	_ =	sdelay $0x1  }
0xac: {  	s6 =	simm.s32 @p0 $0x1B8D  }
0xad: {  	_ =	swait.eq @p0 [sflag:s6], $0x1  }
0xae: {  	[sflag:s6] =	ssyncadd.s32 @p0 $0xFFFFFFFF  }
0xaf: {  	s7 =	sshll.u32 @!p0 s1, $0xE  }
0xb0: {  	s7 =	sor.u32 @!p0 $0x4000, s7;
	s6 =	simm.s32 @!p0 $0x1B8D  }
0xb1: {  	s5 =	sshll.u32 @!p0 s5, $0x11;
	s7 =	sadd.s32 @!p0 $0x11B8D, s7;
	_ =	swait.eq @!p0 [sflag:s6], $0x1  }
0xb2: {  	s5 =	sor.u32 @!p0 s5, s7;
	[sflag:s6] =	ssyncadd.s32 @!p0 $0xFFFFFFFF  }
0xb3: {  	s25 =	simm.s32 $0x1B8E;
	s24 =	sld [smem:$0x3FFE];
	[sflag:s5] =	ssyncadd.remote.s32 @!p0 $0x1  }
0xb4: {  	s26 =	simm.s32 $execute0_lowered;
	[smem:$0x3FD2] =	sst s25  }
0xb5: {  	s6 =	sshll.u32 s26, $0x1;
	_ =	strace $0x8000004F;
	[dreg:$0x1] =	wrdreg $0xFFFFFFFF  }
0xb6: {  	s28 =	simm.s32 $_size_execute0_lowered;
	s4 =	sadd.s32 s4, s6;
	[dreg:$0x0] =	wrdreg $0x0  }
0xb7: {  	s6 =	sshll.u32 s28, $0x1;
	[dreg:$0x2] =	wrdreg s4  }
0xb8: {  	[dreg:$0x3] =	wrdreg s6  }
0xb9: {  	[dreg:$0x4] =	wrdreg $0xC0  }
0xba: {  	_ =	task [dreg:s22], $0x5FFFF  }
0xbb: {  	[dreg:$0x1] =	wrdreg $0xFFFFFFFF  }
0xbc: {  	[dreg:$0x0] =	wrdreg $0x60  }
0xbd: {  	[dreg:$0x2] =	wrdreg s24  }
0xbe: {  	[dreg:$0x3] =	wrdreg s18  }
0xbf: {  	[dreg:$0x4] =	wrdreg $0x32000  }
0xc0: {  	[dreg:$0x5] =	wrdreg $0x9  }
0xc1: {  	_ =	task.clear_ibuf [dreg:s22], $0x6FFFF;
	_ =	strace $0x9000004F  }
0xc2: {  	s29 =	simm.s32 $0x9;
	_ =	strace $0x80000051  }
0xc3: {  	_ =	swait.ge [sflag:s29], $0x1  }
0xc4: {  	[sflag:s29] =	ssyncadd.s32 $0xFFFFFFFF  }
0xc5: {  	_ =	strace $0x90000051  }
0xc6: {  	_ =	sfence  }
0xc7: {  	s30 =	sld [smem:$0x0];
	_ =	sdelay $0x2  }
0xc8: {  	s31 =	sshll.u32 s1, $0xD;
	s1 =	sshrl.u32 s1, $0x2  }
0xc9: {  	s4 =	sand.u32 $0x4000, s31;
	s1 =	sadd.s32 s1, s30  }
0xca: {  	s0 =	sor.u32 s4, s0;
	s1 =	sshll.u32 s1, $0x11  }
0xcb: {  	s0 =	sor.u32 s1, s0  }
0xcc: {  	s0 =	sadd.s32 $0x8F2B, s0  }
0xcd: {  	[sflag:s0] =	ssyncadd.remote.s32 $0x1  }
0xce: {  	_ =	sfence.sel $0xFFFF  }
0xcf: {  	[dreg:$0x0] =	wrdreg $0xFFFFFFFF;
	(pc) =	sbr.abs _section_cstart, $3  }
0xd0: {  	[dreg:$0x1] =	wrdreg $0xFFFFFFFF  }
0xd1: {  	_ =	task.clear_ibuf [dreg:s22], $0x2FFFF;
	_ =	strace $0x9FFFFFFF  }
0xd2: {  	(tm) =	ssettm $0x7FFFFFFF  }
0xd3: {  	_ =	shalt  }
tec
execute0_lowered:
.L_overlay_start_1:
0x0: {  	(tag) =	ssettag $0x1  }
0x1: {  	s3 =	rddreg [dreg:$0x0]  }
0x2: {  	s0 =	srdreg.scid;
	s4 =	rddreg [dreg:$0x1]  }
0x3: {  	s11 =	stileid.u32;
	s2 =	rddreg [dreg:$0x2];
	s6 =	simm.s32 $0x0  }
0x4: {  	s22 =	simm.s32 $0x100;
	s23 =	simm.s32 $0x180;
	s15 =	simm.s32 $0x1200  }
0x5: {  	s24 =	simm.s32 $0x200;
	s14 =	simm.s32 $0x1600;
	s25 =	simm.s32 $0x280  }
0x6: {  	s13 =	simm.s32 $0x1A00;
	s26 =	simm.s32 $0x300;
	s12 =	simm.s32 $0x1E00  }
0x7: {  	s31 =	simm.s32 $0x380;
	s30 =	simm.s32 $0x400;
	s29 =	simm.s32 $0x480  }
0x8: {  	s28 =	simm.s32 $0x500;
	p0 =	por $0x0, $0x0;
	s0 =	sand.u32 $0x1, s0  }
0x9: {  	s1 =	sshll.u32 s11, $0x1;
	s7 =	smul.u32 $0x271, s11;
	[smem:$0x7FF] =	sst s6  }
0xa: {  	s8 =	smul.u32 $0x1390, s11;
	_ =	strace $0x80000050;
	[dreg:$0xa] =	wrdreg s22  }
0xb: {  	s17 =	sshll.u32 s11, $0x6;
	s18 =	smul.u32 $0x4E20, s11;
	[dreg:$0xb] =	wrdreg s23  }
0xc: {  	s11 =	simm.s32 $0x2200;
	s1 =	sor.u32 s0, s1;
	[dreg:$0xc] =	wrdreg s24  }
0xd: {  	s16 =	ssub.s32 $0x2, s0;
	s0 =	smul.u32 $0x2710, s0;
	[dreg:$0xd] =	wrdreg s25  }
0xe: {  	[dreg:$0xe] =	wrdreg s26;
	s26 =	simm.s32 $0x580;
	s25 =	simm.s32 $0x600  }
0xf: {  	s23 =	simm.s32 $0x680;
	s24 =	simm.s32 $0x700;
	s5 =	smul.u32 $0xA00, s1  }
0x10: {  	s22 =	simm.s32 $0x780;
	s1 =	smul.u32 $0x140, s1;
	s9 =	sshrl.u32 s8, $0x3  }
0x11: {  	s10 =	sshrl.u32 s16, $0x1;
	s8 =	sadd.s32 s8, s2;
	s4 =	sadd.s32 s4, s9  }
0x12: {  	s21 =	sshrl.u32 s8, $0x3;
	s9 =	simm.s32 $0x2A00;
	s8 =	simm.s32 $0x2E00  }
0x13: {  	s5 =	sadd.s32 s5, s3;
	s1 =	sadd.s32 s1, s3;
	[dreg:$0x4] =	wrdreg s4  }
0x14: {  	s3 =	sadd.s32 s7, s3;
	s7 =	ssub.s32 s16, s10;
	[dreg:$0x9] =	wrdreg s21  }
0x15: {  	s4 =	simm.s32 $0x1;
	s16 =	simm.s32 $0xE00;
	s10 =	simm.s32 $0x2600  }
0x16: {  	s21 =	simm.s32 $0x800;
	s1 =	sadd.s32 $0x4FAA00, s1;
	s0 =	sadd.s32 s0, s3  }
0x17: {  	[dreg:$0x5] =	wrdreg s1;
	s1 =	sshrl.u32 s18, $0x2;
	s18 =	smax.u32 s7, $0x1  }
0x18: {  	s3 =	sor.u32 $0x1C01, s17;
	s19 =	sadd.s32 $0x20200, s5;
	p1 =	sne.s32 s18, $0x1  }
.Ltmp0:
0x19: {  	s20 =	sadd.s32 $0x20700, s5;
	[dreg:$0x7] =	wrdreg s19;
	(pc) =	sbr.rel @!p1 .LBB2_3-.Ltmp0, $4  }
0x1a: {  	s17 =	simm.s32 $0xA00;
	s0 =	sadd.s32 $0x2200, s0;
	[dreg:$0x8] =	wrdreg s20  }
0x1b: {  	s5 =	simm.s32 $0x80;
	s20 =	simm.s32 $0x880;
	[dreg:$0x6] =	wrdreg s0  }
0x1c: {  	s19 =	simm.s32 $0x900;
	s1 =	sadd.s32 s1, s2;
	s0 =	rddreg [dreg:$0x4]  }
0x1d: {  	s7 =	sshrl.u32 s1, $0x3;
	s1 =	sadd.s32 $0xFFFFFFFF, s18;
	s18 =	simm.s32 $0x980  }
0x1e: {  	[dreg:$0xf] =	wrdreg s1  }
0x1f: {  	s1 =	rddreg [dreg:$0x9]  }
0x20: {  	[spmem:s1], [sflag:s3] =	dma.local [hbm:s0], $0x272  }
0x21: {  	_ =	swait.ge [sflag:s4], $0x272  }
0x22: {  	[sflag:s4] =	ssyncset.done $0x0  }
0x23: {  	s1 =	rddreg [dreg:$0x5];
	[sflag:s4] =	ssyncadd.s32 $0xFFFFFD8E  }
0x24: {  	[tilespmem:s6], [sflag:$0x1] =	stream.linear.gather [hbm4b:s1+s6], $0xA00, $0x38;
	[tilespmem:$0x4590] =	vst v63  }
0x25: {  	_ =	swait.ge [sflag:s4], $0xA00  }
0x26: {  	[sflag:s4] =	ssyncset.done $0x0  }
0x27: {  	[sflag:s4] =	ssyncadd.s32 $0xFFFFF600  }
0x28: {  	[bflag:$0x0] =	sbarrier.arrive $0xFFFF  }
0x29: {  	s1 =	rddreg [dreg:$0x7]  }
0x2a: {  	[tilespmem:s17], [sflag:$0x1] =	stream.linear.gather [hbm4b:s1+s6], $0x2800, $0x38;
	[tilespmem:$0x4590] =	vst v63  }
0x2b: {  	_ =	swait.ge [sflag:s4], $0x2800  }
0x2c: {  	[sflag:s4] =	ssyncset.done $0x0  }
0x2d: {  	[sflag:s4] =	ssyncadd.s32 $0xFFFFD800  }
0x2e: {  	[spmem:s2] =	stream.indirect.scatter.add.f32 [tilespmem:s17], [sflag:$0x1], $0x8, s6, s5, $0xb8;
	[tilespmem:$0x4590] =	vst v63  }
0x2f: {  	_ =	swait.ge [sflag:s4], $0x400  }
0x30: {  	[sflag:s4] =	ssyncset.done $0x0  }
0x31: {  	[sflag:s4] =	ssyncadd.s32 $0xFFFFFC00  }
0x32: {  	[spmem:s2] =	stream.indirect.scatter.add.f32 [tilespmem:s16], [sflag:$0x1], $0x8, s5, s5, $0xb8;
	[tilespmem:$0x4590] =	vst v63  }
0x33: {  	_ =	swait.ge [sflag:s4], $0x400  }
0x34: {  	[sflag:s4] =	ssyncset.done $0x0  }
0x35: {  	s1 =	rddreg [dreg:$0xa];
	[sflag:s4] =	ssyncadd.s32 $0xFFFFFC00  }
0x36: {  	[spmem:s2] =	stream.indirect.scatter.add.f32 [tilespmem:s15], [sflag:$0x1], $0x8, s1, s5, $0xb8;
	[tilespmem:$0x4590] =	vst v63  }
0x37: {  	_ =	swait.ge [sflag:s4], $0x400  }
0x38: {  	[sflag:s4] =	ssyncset.done $0x0  }
0x39: {  	s1 =	rddreg [dreg:$0xb];
	[sflag:s4] =	ssyncadd.s32 $0xFFFFFC00  }
0x3a: {  	[spmem:s2] =	stream.indirect.scatter.add.f32 [tilespmem:s14], [sflag:$0x1], $0x8, s1, s5, $0xb8;
	[tilespmem:$0x4590] =	vst v63  }
0x3b: {  	_ =	swait.ge [sflag:s4], $0x400  }
0x3c: {  	[sflag:s4] =	ssyncset.done $0x0  }
0x3d: {  	s1 =	rddreg [dreg:$0xc];
	[sflag:s4] =	ssyncadd.s32 $0xFFFFFC00  }
0x3e: {  	[spmem:s2] =	stream.indirect.scatter.add.f32 [tilespmem:s13], [sflag:$0x1], $0x8, s1, s5, $0xb8;
	[tilespmem:$0x4590] =	vst v63  }
0x3f: {  	_ =	swait.ge [sflag:s4], $0x400  }
0x40: {  	[sflag:s4] =	ssyncset.done $0x0  }
0x41: {  	s1 =	rddreg [dreg:$0xd];
	[sflag:s4] =	ssyncadd.s32 $0xFFFFFC00  }
0x42: {  	[spmem:s2] =	stream.indirect.scatter.add.f32 [tilespmem:s12], [sflag:$0x1], $0x8, s1, s5, $0xb8;
	[tilespmem:$0x4590] =	vst v63  }
0x43: {  	_ =	swait.ge [sflag:s4], $0x400  }
0x44: {  	[sflag:s4] =	ssyncset.done $0x0  }
0x45: {  	s1 =	rddreg [dreg:$0xe];
	[sflag:s4] =	ssyncadd.s32 $0xFFFFFC00  }
0x46: {  	[spmem:s2] =	stream.indirect.scatter.add.f32 [tilespmem:s11], [sflag:$0x1], $0x8, s1, s5, $0xb8;
	[tilespmem:$0x4590] =	vst v63  }
0x47: {  	_ =	swait.ge [sflag:s4], $0x400  }
0x48: {  	[sflag:s4] =	ssyncset.done $0x0  }
0x49: {  	[sflag:s4] =	ssyncadd.s32 $0xFFFFFC00  }
0x4a: {  	[spmem:s2] =	stream.indirect.scatter.add.f32 [tilespmem:s10], [sflag:$0x1], $0x8, s31, s5, $0xb8;
	[tilespmem:$0x4590] =	vst v63  }
0x4b: {  	_ =	swait.ge [sflag:s4], $0x400  }
0x4c: {  	[sflag:s4] =	ssyncset.done $0x0  }
0x4d: {  	[sflag:s4] =	ssyncadd.s32 $0xFFFFFC00  }
0x4e: {  	[spmem:s2] =	stream.indirect.scatter.add.f32 [tilespmem:s9], [sflag:$0x1], $0x8, s30, s5, $0xb8;
	[tilespmem:$0x4590] =	vst v63  }
0x4f: {  	_ =	swait.ge [sflag:s4], $0x400  }
0x50: {  	[sflag:s4] =	ssyncset.done $0x0  }
0x51: {  	[sflag:s4] =	ssyncadd.s32 $0xFFFFFC00  }
0x52: {  	[spmem:s2] =	stream.indirect.scatter.add.f32 [tilespmem:s8], [sflag:$0x1], $0x8, s29, s5, $0xb8;
	[tilespmem:$0x4590] =	vst v63  }
0x53: {  	_ =	swait.ge [sflag:s4], $0x400  }
0x54: {  	[sflag:s4] =	ssyncset.done $0x0  }
0x55: {  	s1 =	rddreg [dreg:$0x8];
	[sflag:s4] =	ssyncadd.s32 $0xFFFFFC00  }
0x56: {  	[tilespmem:s17], [sflag:$0x1] =	stream.linear.gather [hbm4b:s1+s6], $0x2800, $0x38;
	[tilespmem:$0x4590] =	vst v63  }
0x57: {  	_ =	swait.ge [sflag:s4], $0x2800  }
0x58: {  	[sflag:s4] =	ssyncset.done $0x0  }
0x59: {  	[sflag:s4] =	ssyncadd.s32 $0xFFFFD800  }
0x5a: {  	[spmem:s2] =	stream.indirect.scatter.add.f32 [tilespmem:s17], [sflag:$0x1], $0x8, s28, s5, $0xb8;
	[tilespmem:$0x4590] =	vst v63  }
0x5b: {  	_ =	swait.ge [sflag:s4], $0x400  }
0x5c: {  	[sflag:s4] =	ssyncset.done $0x0  }
0x5d: {  	[sflag:s4] =	ssyncadd.s32 $0xFFFFFC00  }
0x5e: {  	[spmem:s2] =	stream.indirect.scatter.add.f32 [tilespmem:s16], [sflag:$0x1], $0x8, s26, s5, $0xb8;
	[tilespmem:$0x4590] =	vst v63  }
0x5f: {  	_ =	swait.ge [sflag:s4], $0x400  }
0x60: {  	[sflag:s4] =	ssyncset.done $0x0  }
0x61: {  	[sflag:s4] =	ssyncadd.s32 $0xFFFFFC00  }
0x62: {  	[spmem:s2] =	stream.indirect.scatter.add.f32 [tilespmem:s15], [sflag:$0x1], $0x8, s25, s5, $0xb8;
	[tilespmem:$0x4590] =	vst v63  }
0x63: {  	_ =	swait.ge [sflag:s4], $0x400  }
0x64: {  	[sflag:s4] =	ssyncset.done $0x0  }
0x65: {  	[sflag:s4] =	ssyncadd.s32 $0xFFFFFC00  }
0x66: {  	[spmem:s2] =	stream.indirect.scatter.add.f32 [tilespmem:s14], [sflag:$0x1], $0x8, s23, s5, $0xb8;
	[tilespmem:$0x4590] =	vst v63  }
0x67: {  	_ =	swait.ge [sflag:s4], $0x400  }
0x68: {  	[sflag:s4] =	ssyncset.done $0x0  }
0x69: {  	[sflag:s4] =	ssyncadd.s32 $0xFFFFFC00  }
0x6a: {  	[spmem:s2] =	stream.indirect.scatter.add.f32 [tilespmem:s13], [sflag:$0x1], $0x8, s24, s5, $0xb8;
	[tilespmem:$0x4590] =	vst v63  }
0x6b: {  	_ =	swait.ge [sflag:s4], $0x400  }
0x6c: {  	[sflag:s4] =	ssyncset.done $0x0  }
0x6d: {  	[sflag:s4] =	ssyncadd.s32 $0xFFFFFC00  }
0x6e: {  	[spmem:s2] =	stream.indirect.scatter.add.f32 [tilespmem:s12], [sflag:$0x1], $0x8, s22, s5, $0xb8;
	[tilespmem:$0x4590] =	vst v63  }
0x6f: {  	_ =	swait.ge [sflag:s4], $0x400  }
0x70: {  	[sflag:s4] =	ssyncset.done $0x0  }
0x71: {  	[sflag:s4] =	ssyncadd.s32 $0xFFFFFC00  }
0x72: {  	[spmem:s2] =	stream.indirect.scatter.add.f32 [tilespmem:s11], [sflag:$0x1], $0x8, s21, s5, $0xb8;
	[tilespmem:$0x4590] =	vst v63  }
0x73: {  	_ =	swait.ge [sflag:s4], $0x400  }
0x74: {  	[sflag:s4] =	ssyncset.done $0x0  }
0x75: {  	[sflag:s4] =	ssyncadd.s32 $0xFFFFFC00  }
0x76: {  	[spmem:s2] =	stream.indirect.scatter.add.f32 [tilespmem:s10], [sflag:$0x1], $0x8, s20, s5, $0xb8;
	[tilespmem:$0x4590] =	vst v63  }
0x77: {  	_ =	swait.ge [sflag:s4], $0x400  }
0x78: {  	[sflag:s4] =	ssyncset.done $0x0  }
0x79: {  	[sflag:s4] =	ssyncadd.s32 $0xFFFFFC00  }
0x7a: {  	[spmem:s2] =	stream.indirect.scatter.add.f32 [tilespmem:s9], [sflag:$0x1], $0x8, s19, s5, $0xb8;
	[tilespmem:$0x4590] =	vst v63  }
0x7b: {  	_ =	swait.ge [sflag:s4], $0x400  }
0x7c: {  	[sflag:s4] =	ssyncset.done $0x0  }
0x7d: {  	[sflag:s4] =	ssyncadd.s32 $0xFFFFFC00  }
0x7e: {  	[spmem:s2] =	stream.indirect.scatter.add.f32 [tilespmem:s8], [sflag:$0x1], $0x8, s18, s5, $0xb8;
	[tilespmem:$0x4590] =	vst v63  }
0x7f: {  	_ =	swait.ge [sflag:s4], $0x400  }
0x80: {  	[sflag:s4] =	ssyncset.done $0x0  }
0x81: {  	[sflag:s4] =	ssyncadd.s32 $0xFFFFFC00  }
0x82: {  	[bflag:$0x0] =	sbarrier.arrive $0xFFFF  }
0x83: {  	s1 =	rddreg [dreg:$0x6]  }
0x84: {  	[hbm:s1], [sflag:s3] =	dma.local [spmem:s7], $0x271  }
0x85: {  	s0 =	rddreg [dreg:$0xf]  }
0x86: {  	p1 =	sne.s32 s0, $0x1  }
.Ltmp1:
0x87: {  	_ = 	snop;
	(pc) =	sbr.rel @!p1 .LBB2_3-.Ltmp1, $3  }
0x88: {  	_ =	sdelay $0x1  }
0x89: {  	p0 =	por $0x1, $0x1;
	_ =	swait.ge [sflag:s4], $0x271  }
0x8a: {  	s1 =	sadd.s32 $0xFFFFFFFF, s0;
	s0 =	rddreg [dreg:$0x4];
	[sflag:s4] =	ssyncset.done $0x0  }
.LBB2_2:
0x8b: {  	s18 =	rddreg [dreg:$0x9];
	[sflag:s4] =	ssyncadd.s32 $0xFFFFFD8F  }
0x8c: {  	[spmem:s18], [sflag:s3] =	dma.local [hbm:s0], $0x272  }
0x8d: {  	_ =	swait.ge [sflag:s4], $0x272  }
0x8e: {  	[sflag:s4] =	ssyncset.done $0x0  }
0x8f: {  	s0 =	rddreg [dreg:$0x5];
	[sflag:s4] =	ssyncadd.s32 $0xFFFFFD8E  }
0x90: {  	[tilespmem:s6], [sflag:$0x1] =	stream.linear.gather [hbm4b:s0+s6], $0xA00, $0x38;
	[tilespmem:$0x4590] =	vst v63  }
0x91: {  	_ =	swait.ge [sflag:s4], $0xA00  }
0x92: {  	[sflag:s4] =	ssyncset.done $0x0  }
0x93: {  	[sflag:s4] =	ssyncadd.s32 $0xFFFFF600  }
0x94: {  	[bflag:$0x0] =	sbarrier.arrive $0xFFFF  }
0x95: {  	s0 =	rddreg [dreg:$0x7]  }
0x96: {  	[tilespmem:s17], [sflag:$0x1] =	stream.linear.gather [hbm4b:s0+s6], $0x2800, $0x38;
	[tilespmem:$0x4590] =	vst v63  }
0x97: {  	_ =	swait.ge [sflag:s4], $0x2800  }
0x98: {  	[sflag:s4] =	ssyncset.done $0x0  }
0x99: {  	[sflag:s4] =	ssyncadd.s32 $0xFFFFD800  }
0x9a: {  	[spmem:s2] =	stream.indirect.scatter.add.f32 [tilespmem:s17], [sflag:$0x1], $0x8, s6, s5, $0xb8;
	[tilespmem:$0x4590] =	vst v63  }
0x9b: {  	_ =	swait.ge [sflag:s4], $0x400  }
0x9c: {  	[sflag:s4] =	ssyncset.done $0x0  }
0x9d: {  	[sflag:s4] =	ssyncadd.s32 $0xFFFFFC00  }
0x9e: {  	[spmem:s2] =	stream.indirect.scatter.add.f32 [tilespmem:s16], [sflag:$0x1], $0x8, s5, s5, $0xb8;
	[tilespmem:$0x4590] =	vst v63  }
0x9f: {  	_ =	swait.ge [sflag:s4], $0x400  }
0xa0: {  	[sflag:s4] =	ssyncset.done $0x0  }
0xa1: {  	s0 =	rddreg [dreg:$0xa];
	[sflag:s4] =	ssyncadd.s32 $0xFFFFFC00  }
0xa2: {  	[spmem:s2] =	stream.indirect.scatter.add.f32 [tilespmem:s15], [sflag:$0x1], $0x8, s0, s5, $0xb8;
	[tilespmem:$0x4590] =	vst v63  }
0xa3: {  	_ =	swait.ge [sflag:s4], $0x400  }
0xa4: {  	[sflag:s4] =	ssyncset.done $0x0  }
0xa5: {  	s0 =	rddreg [dreg:$0xb];
	[sflag:s4] =	ssyncadd.s32 $0xFFFFFC00  }
0xa6: {  	[spmem:s2] =	stream.indirect.scatter.add.f32 [tilespmem:s14], [sflag:$0x1], $0x8, s0, s5, $0xb8;
	[tilespmem:$0x4590] =	vst v63  }
0xa7: {  	_ =	swait.ge [sflag:s4], $0x400  }
0xa8: {  	[sflag:s4] =	ssyncset.done $0x0  }
0xa9: {  	s0 =	rddreg [dreg:$0xc];
	[sflag:s4] =	ssyncadd.s32 $0xFFFFFC00  }
0xaa: {  	[spmem:s2] =	stream.indirect.scatter.add.f32 [tilespmem:s13], [sflag:$0x1], $0x8, s0, s5, $0xb8;
	[tilespmem:$0x4590] =	vst v63  }
0xab: {  	_ =	swait.ge [sflag:s4], $0x400  }
0xac: {  	[sflag:s4] =	ssyncset.done $0x0  }
0xad: {  	s0 =	rddreg [dreg:$0xd];
	[sflag:s4] =	ssyncadd.s32 $0xFFFFFC00  }
0xae: {  	[spmem:s2] =	stream.indirect.scatter.add.f32 [tilespmem:s12], [sflag:$0x1], $0x8, s0, s5, $0xb8;
	[tilespmem:$0x4590] =	vst v63  }
0xaf: {  	_ =	swait.ge [sflag:s4], $0x400  }
0xb0: {  	[sflag:s4] =	ssyncset.done $0x0  }
0xb1: {  	s0 =	rddreg [dreg:$0xe];
	[sflag:s4] =	ssyncadd.s32 $0xFFFFFC00  }
0xb2: {  	[spmem:s2] =	stream.indirect.scatter.add.f32 [tilespmem:s11], [sflag:$0x1], $0x8, s0, s5, $0xb8;
	[tilespmem:$0x4590] =	vst v63  }
0xb3: {  	_ =	swait.ge [sflag:s4], $0x400  }
0xb4: {  	[sflag:s4] =	ssyncset.done $0x0  }
0xb5: {  	[sflag:s4] =	ssyncadd.s32 $0xFFFFFC00  }
0xb6: {  	[spmem:s2] =	stream.indirect.scatter.add.f32 [tilespmem:s10], [sflag:$0x1], $0x8, s31, s5, $0xb8;
	[tilespmem:$0x4590] =	vst v63  }
0xb7: {  	_ =	swait.ge [sflag:s4], $0x400  }
0xb8: {  	[sflag:s4] =	ssyncset.done $0x0  }
0xb9: {  	[sflag:s4] =	ssyncadd.s32 $0xFFFFFC00  }
0xba: {  	[spmem:s2] =	stream.indirect.scatter.add.f32 [tilespmem:s9], [sflag:$0x1], $0x8, s30, s5, $0xb8;
	[tilespmem:$0x4590] =	vst v63  }
0xbb: {  	_ =	swait.ge [sflag:s4], $0x400  }
0xbc: {  	[sflag:s4] =	ssyncset.done $0x0  }
0xbd: {  	[sflag:s4] =	ssyncadd.s32 $0xFFFFFC00  }
0xbe: {  	[spmem:s2] =	stream.indirect.scatter.add.f32 [tilespmem:s8], [sflag:$0x1], $0x8, s29, s5, $0xb8;
	[tilespmem:$0x4590] =	vst v63  }
0xbf: {  	_ =	swait.ge [sflag:s4], $0x400  }
0xc0: {  	[sflag:s4] =	ssyncset.done $0x0  }
0xc1: {  	s0 =	rddreg [dreg:$0x8];
	[sflag:s4] =	ssyncadd.s32 $0xFFFFFC00  }
0xc2: {  	[tilespmem:s17], [sflag:$0x1] =	stream.linear.gather [hbm4b:s0+s6], $0x2800, $0x38;
	[tilespmem:$0x4590] =	vst v63  }
0xc3: {  	_ =	swait.ge [sflag:s4], $0x2800  }
0xc4: {  	[sflag:s4] =	ssyncset.done $0x0  }
0xc5: {  	[sflag:s4] =	ssyncadd.s32 $0xFFFFD800  }
0xc6: {  	[spmem:s2] =	stream.indirect.scatter.add.f32 [tilespmem:s17], [sflag:$0x1], $0x8, s28, s5, $0xb8;
	[tilespmem:$0x4590] =	vst v63  }
0xc7: {  	_ =	swait.ge [sflag:s4], $0x400  }
0xc8: {  	[sflag:s4] =	ssyncset.done $0x0  }
0xc9: {  	[sflag:s4] =	ssyncadd.s32 $0xFFFFFC00  }
0xca: {  	[spmem:s2] =	stream.indirect.scatter.add.f32 [tilespmem:s16], [sflag:$0x1], $0x8, s26, s5, $0xb8;
	[tilespmem:$0x4590] =	vst v63  }
0xcb: {  	_ =	swait.ge [sflag:s4], $0x400  }
0xcc: {  	[sflag:s4] =	ssyncset.done $0x0  }
0xcd: {  	[sflag:s4] =	ssyncadd.s32 $0xFFFFFC00  }
0xce: {  	[spmem:s2] =	stream.indirect.scatter.add.f32 [tilespmem:s15], [sflag:$0x1], $0x8, s25, s5, $0xb8;
	[tilespmem:$0x4590] =	vst v63  }
0xcf: {  	_ =	swait.ge [sflag:s4], $0x400  }
0xd0: {  	[sflag:s4] =	ssyncset.done $0x0  }
0xd1: {  	[sflag:s4] =	ssyncadd.s32 $0xFFFFFC00  }
0xd2: {  	[spmem:s2] =	stream.indirect.scatter.add.f32 [tilespmem:s14], [sflag:$0x1], $0x8, s23, s5, $0xb8;
	[tilespmem:$0x4590] =	vst v63  }
0xd3: {  	_ =	swait.ge [sflag:s4], $0x400  }
0xd4: {  	[sflag:s4] =	ssyncset.done $0x0  }
0xd5: {  	[sflag:s4] =	ssyncadd.s32 $0xFFFFFC00  }
0xd6: {  	[spmem:s2] =	stream.indirect.scatter.add.f32 [tilespmem:s13], [sflag:$0x1], $0x8, s24, s5, $0xb8;
	[tilespmem:$0x4590] =	vst v63  }
0xd7: {  	_ =	swait.ge [sflag:s4], $0x400  }
0xd8: {  	[sflag:s4] =	ssyncset.done $0x0  }
0xd9: {  	[sflag:s4] =	ssyncadd.s32 $0xFFFFFC00  }
0xda: {  	[spmem:s2] =	stream.indirect.scatter.add.f32 [tilespmem:s12], [sflag:$0x1], $0x8, s22, s5, $0xb8;
	[tilespmem:$0x4590] =	vst v63  }
0xdb: {  	_ =	swait.ge [sflag:s4], $0x400  }
0xdc: {  	[sflag:s4] =	ssyncset.done $0x0  }
0xdd: {  	[sflag:s4] =	ssyncadd.s32 $0xFFFFFC00  }
0xde: {  	[spmem:s2] =	stream.indirect.scatter.add.f32 [tilespmem:s11], [sflag:$0x1], $0x8, s21, s5, $0xb8;
	[tilespmem:$0x4590] =	vst v63  }
0xdf: {  	_ =	swait.ge [sflag:s4], $0x400  }
0xe0: {  	[sflag:s4] =	ssyncset.done $0x0  }
0xe1: {  	[sflag:s4] =	ssyncadd.s32 $0xFFFFFC00  }
0xe2: {  	[spmem:s2] =	stream.indirect.scatter.add.f32 [tilespmem:s10], [sflag:$0x1], $0x8, s20, s5, $0xb8;
	[tilespmem:$0x4590] =	vst v63  }
0xe3: {  	_ =	swait.ge [sflag:s4], $0x400  }
0xe4: {  	[sflag:s4] =	ssyncset.done $0x0  }
0xe5: {  	[sflag:s4] =	ssyncadd.s32 $0xFFFFFC00  }
0xe6: {  	[spmem:s2] =	stream.indirect.scatter.add.f32 [tilespmem:s9], [sflag:$0x1], $0x8, s19, s5, $0xb8;
	[tilespmem:$0x4590] =	vst v63  }
0xe7: {  	_ =	swait.ge [sflag:s4], $0x400  }
0xe8: {  	[sflag:s4] =	ssyncset.done $0x0  }
0xe9: {  	s18 =	simm.s32 $0x980;
	[sflag:s4] =	ssyncadd.s32 $0xFFFFFC00  }
0xea: {  	[spmem:s2] =	stream.indirect.scatter.add.f32 [tilespmem:s8], [sflag:$0x1], $0x8, s18, s5, $0xb8;
	[tilespmem:$0x4590] =	vst v63  }
0xeb: {  	_ =	swait.ge [sflag:s4], $0x400  }
0xec: {  	[sflag:s4] =	ssyncset.done $0x0  }
0xed: {  	p1 =	sne.s32 s1, $0x1;
	[sflag:s4] =	ssyncadd.s32 $0xFFFFFC00  }
.Ltmp2:
0xee: {  	[bflag:$0x0] =	sbarrier.arrive $0xFFFF;
	(pc) =	sbr.rel @p1 .LBB2_2-.Ltmp2, $4  }
0xef: {  	s0 =	rddreg [dreg:$0x6]  }
0xf0: {  	[hbm:s0], [sflag:s3] =	dma.local [spmem:s7], $0x271  }
0xf1: {  	_ =	swait.ge [sflag:s4], $0x271  }
0xf2: {  	s1 =	sadd.s32 $0xFFFFFFFF, s1;
	s0 =	rddreg [dreg:$0x4];
	[sflag:s4] =	ssyncset.done $0x0  }
.LBB2_3:
0xf3: {  	s1 =	rddreg [dreg:$0x9];
	[sflag:s4] =	ssyncadd.s32 @p0 $0xFFFFFD8F  }
0xf4: {  	[spmem:s1], [sflag:s3] =	dma.local [hbm:s0], $0x272  }
0xf5: {  	_ =	swait.ge [sflag:s4], $0x272  }
0xf6: {  	[sflag:s4] =	ssyncset.done $0x0  }
0xf7: {  	s1 =	rddreg [dreg:$0x5];
	[sflag:s4] =	ssyncadd.s32 $0xFFFFFD8E  }
0xf8: {  	[tilespmem:s6], [sflag:$0x1] =	stream.linear.gather [hbm4b:s1+s6], $0xA00, $0x38;
	[tilespmem:$0x4590] =	vst v63  }
0xf9: {  	_ =	swait.ge [sflag:s4], $0xA00  }
0xfa: {  	[sflag:s4] =	ssyncset.done $0x0  }
0xfb: {  	[sflag:s4] =	ssyncadd.s32 $0xFFFFF600  }
0xfc: {  	[bflag:$0x0] =	sbarrier.arrive $0xFFFF  }
0xfd: {  	s1 =	rddreg [dreg:$0x7]  }
0xfe: {  	[tilespmem:s17], [sflag:$0x1] =	stream.linear.gather [hbm4b:s1+s6], $0x2800, $0x38;
	[tilespmem:$0x4590] =	vst v63  }
0xff: {  	_ =	swait.ge [sflag:s4], $0x2800  }
0x100: {  	[sflag:s4] =	ssyncset.done $0x0  }
0x101: {  	[sflag:s4] =	ssyncadd.s32 $0xFFFFD800  }
0x102: {  	[spmem:s2] =	stream.indirect.scatter.add.f32 [tilespmem:s17], [sflag:$0x1], $0x8, s6, s5, $0xb8;
	[tilespmem:$0x4590] =	vst v63  }
0x103: {  	_ =	swait.ge [sflag:s4], $0x400  }
0x104: {  	[sflag:s4] =	ssyncset.done $0x0  }
0x105: {  	[sflag:s4] =	ssyncadd.s32 $0xFFFFFC00  }
0x106: {  	[spmem:s2] =	stream.indirect.scatter.add.f32 [tilespmem:s16], [sflag:$0x1], $0x8, s5, s5, $0xb8;
	[tilespmem:$0x4590] =	vst v63  }
0x107: {  	_ =	swait.ge [sflag:s4], $0x400  }
0x108: {  	[sflag:s4] =	ssyncset.done $0x0  }
0x109: {  	s1 =	rddreg [dreg:$0xa];
	[sflag:s4] =	ssyncadd.s32 $0xFFFFFC00  }
0x10a: {  	[spmem:s2] =	stream.indirect.scatter.add.f32 [tilespmem:s15], [sflag:$0x1], $0x8, s1, s5, $0xb8;
	[tilespmem:$0x4590] =	vst v63  }
0x10b: {  	_ =	swait.ge [sflag:s4], $0x400  }
0x10c: {  	[sflag:s4] =	ssyncset.done $0x0  }
0x10d: {  	s1 =	rddreg [dreg:$0xb];
	[sflag:s4] =	ssyncadd.s32 $0xFFFFFC00  }
0x10e: {  	[spmem:s2] =	stream.indirect.scatter.add.f32 [tilespmem:s14], [sflag:$0x1], $0x8, s1, s5, $0xb8;
	[tilespmem:$0x4590] =	vst v63  }
0x10f: {  	_ =	swait.ge [sflag:s4], $0x400  }
0x110: {  	[sflag:s4] =	ssyncset.done $0x0  }
0x111: {  	s1 =	rddreg [dreg:$0xc];
	[sflag:s4] =	ssyncadd.s32 $0xFFFFFC00  }
0x112: {  	[spmem:s2] =	stream.indirect.scatter.add.f32 [tilespmem:s13], [sflag:$0x1], $0x8, s1, s5, $0xb8;
	[tilespmem:$0x4590] =	vst v63  }
0x113: {  	_ =	swait.ge [sflag:s4], $0x400  }
0x114: {  	[sflag:s4] =	ssyncset.done $0x0  }
0x115: {  	s1 =	rddreg [dreg:$0xd];
	[sflag:s4] =	ssyncadd.s32 $0xFFFFFC00  }
0x116: {  	[spmem:s2] =	stream.indirect.scatter.add.f32 [tilespmem:s12], [sflag:$0x1], $0x8, s1, s5, $0xb8;
	[tilespmem:$0x4590] =	vst v63  }
0x117: {  	_ =	swait.ge [sflag:s4], $0x400  }
0x118: {  	[sflag:s4] =	ssyncset.done $0x0  }
0x119: {  	s1 =	rddreg [dreg:$0xe];
	[sflag:s4] =	ssyncadd.s32 $0xFFFFFC00  }
0x11a: {  	[spmem:s2] =	stream.indirect.scatter.add.f32 [tilespmem:s11], [sflag:$0x1], $0x8, s1, s5, $0xb8;
	[tilespmem:$0x4590] =	vst v63  }
0x11b: {  	_ =	swait.ge [sflag:s4], $0x400  }
0x11c: {  	[sflag:s4] =	ssyncset.done $0x0  }
0x11d: {  	[sflag:s4] =	ssyncadd.s32 $0xFFFFFC00  }
0x11e: {  	[spmem:s2] =	stream.indirect.scatter.add.f32 [tilespmem:s10], [sflag:$0x1], $0x8, s31, s5, $0xb8;
	[tilespmem:$0x4590] =	vst v63  }
0x11f: {  	_ =	swait.ge [sflag:s4], $0x400  }
0x120: {  	[sflag:s4] =	ssyncset.done $0x0  }
0x121: {  	[sflag:s4] =	ssyncadd.s32 $0xFFFFFC00  }
0x122: {  	[spmem:s2] =	stream.indirect.scatter.add.f32 [tilespmem:s9], [sflag:$0x1], $0x8, s30, s5, $0xb8;
	[tilespmem:$0x4590] =	vst v63  }
0x123: {  	_ =	swait.ge [sflag:s4], $0x400  }
0x124: {  	[sflag:s4] =	ssyncset.done $0x0  }
0x125: {  	[sflag:s4] =	ssyncadd.s32 $0xFFFFFC00  }
0x126: {  	[spmem:s2] =	stream.indirect.scatter.add.f32 [tilespmem:s8], [sflag:$0x1], $0x8, s29, s5, $0xb8;
	[tilespmem:$0x4590] =	vst v63  }
0x127: {  	_ =	swait.ge [sflag:s4], $0x400  }
0x128: {  	[sflag:s4] =	ssyncset.done $0x0  }
0x129: {  	s29 =	rddreg [dreg:$0x8];
	[sflag:s4] =	ssyncadd.s32 $0xFFFFFC00  }
0x12a: {  	[tilespmem:s17], [sflag:$0x1] =	stream.linear.gather [hbm4b:s29+s6], $0x2800, $0x38;
	[tilespmem:$0x4590] =	vst v63  }
0x12b: {  	_ =	swait.ge [sflag:s4], $0x2800  }
0x12c: {  	[sflag:s4] =	ssyncset.done $0x0  }
0x12d: {  	[sflag:s4] =	ssyncadd.s32 $0xFFFFD800  }
0x12e: {  	[spmem:s2] =	stream.indirect.scatter.add.f32 [tilespmem:s17], [sflag:$0x1], $0x8, s28, s5, $0xb8;
	[tilespmem:$0x4590] =	vst v63  }
0x12f: {  	_ =	swait.ge [sflag:s4], $0x400  }
0x130: {  	[sflag:s4] =	ssyncset.done $0x0  }
0x131: {  	[sflag:s4] =	ssyncadd.s32 $0xFFFFFC00  }
0x132: {  	[spmem:s2] =	stream.indirect.scatter.add.f32 [tilespmem:s16], [sflag:$0x1], $0x8, s26, s5, $0xb8;
	[tilespmem:$0x4590] =	vst v63  }
0x133: {  	_ =	swait.ge [sflag:s4], $0x400  }
0x134: {  	[sflag:s4] =	ssyncset.done $0x0  }
0x135: {  	[sflag:s4] =	ssyncadd.s32 $0xFFFFFC00  }
0x136: {  	[spmem:s2] =	stream.indirect.scatter.add.f32 [tilespmem:s15], [sflag:$0x1], $0x8, s25, s5, $0xb8;
	[tilespmem:$0x4590] =	vst v63  }
0x137: {  	_ =	swait.ge [sflag:s4], $0x400  }
0x138: {  	[sflag:s4] =	ssyncset.done $0x0  }
0x139: {  	[sflag:s4] =	ssyncadd.s32 $0xFFFFFC00  }
0x13a: {  	[spmem:s2] =	stream.indirect.scatter.add.f32 [tilespmem:s14], [sflag:$0x1], $0x8, s23, s5, $0xb8;
	[tilespmem:$0x4590] =	vst v63  }
0x13b: {  	_ =	swait.ge [sflag:s4], $0x400  }
0x13c: {  	[sflag:s4] =	ssyncset.done $0x0  }
0x13d: {  	[sflag:s4] =	ssyncadd.s32 $0xFFFFFC00  }
0x13e: {  	[spmem:s2] =	stream.indirect.scatter.add.f32 [tilespmem:s13], [sflag:$0x1], $0x8, s24, s5, $0xb8;
	[tilespmem:$0x4590] =	vst v63  }
0x13f: {  	_ =	swait.ge [sflag:s4], $0x400  }
0x140: {  	[sflag:s4] =	ssyncset.done $0x0  }
0x141: {  	[sflag:s4] =	ssyncadd.s32 $0xFFFFFC00  }
0x142: {  	[spmem:s2] =	stream.indirect.scatter.add.f32 [tilespmem:s12], [sflag:$0x1], $0x8, s22, s5, $0xb8;
	[tilespmem:$0x4590] =	vst v63  }
0x143: {  	_ =	swait.ge [sflag:s4], $0x400  }
0x144: {  	[sflag:s4] =	ssyncset.done $0x0  }
0x145: {  	[sflag:s4] =	ssyncadd.s32 $0xFFFFFC00  }
0x146: {  	[spmem:s2] =	stream.indirect.scatter.add.f32 [tilespmem:s11], [sflag:$0x1], $0x8, s21, s5, $0xb8;
	[tilespmem:$0x4590] =	vst v63  }
0x147: {  	_ =	swait.ge [sflag:s4], $0x400  }
0x148: {  	[sflag:s4] =	ssyncset.done $0x0  }
0x149: {  	[sflag:s4] =	ssyncadd.s32 $0xFFFFFC00  }
0x14a: {  	[spmem:s2] =	stream.indirect.scatter.add.f32 [tilespmem:s10], [sflag:$0x1], $0x8, s20, s5, $0xb8;
	[tilespmem:$0x4590] =	vst v63  }
0x14b: {  	_ =	swait.ge [sflag:s4], $0x400  }
0x14c: {  	[sflag:s4] =	ssyncset.done $0x0  }
0x14d: {  	[sflag:s4] =	ssyncadd.s32 $0xFFFFFC00  }
0x14e: {  	[spmem:s2] =	stream.indirect.scatter.add.f32 [tilespmem:s9], [sflag:$0x1], $0x8, s19, s5, $0xb8;
	[tilespmem:$0x4590] =	vst v63  }
0x14f: {  	_ =	swait.ge [sflag:s4], $0x400  }
0x150: {  	[sflag:s4] =	ssyncset.done $0x0  }
0x151: {  	[sflag:s4] =	ssyncadd.s32 $0xFFFFFC00  }
0x152: {  	[spmem:s2] =	stream.indirect.scatter.add.f32 [tilespmem:s8], [sflag:$0x1], $0x8, s18, s5, $0xb8;
	[tilespmem:$0x4590] =	vst v63  }
0x153: {  	_ =	swait.ge [sflag:s4], $0x400  }
0x154: {  	[sflag:s4] =	ssyncset.done $0x0  }
0x155: {  	[sflag:s4] =	ssyncadd.s32 $0xFFFFFC00  }
0x156: {  	[bflag:$0x0] =	sbarrier.arrive $0xFFFF  }
0x157: {  	s30 =	rddreg [dreg:$0x6]  }
0x158: {  	[hbm:s30], [sflag:s3] =	dma.local [spmem:s7], $0x271  }
0x159: {  	_ =	swait.ge [sflag:s4], $0x271  }
0x15a: {  	[sflag:s4] =	ssyncset.done $0x0  }
0x15b: {  	[sflag:s4] =	ssyncadd.s32 $0xFFFFFD8F  }
0x15c: {  	_ =	sfence.sel $0x180000  }
0x15d: {  	[bflag:$0x0] =	sbarrier.arrive $0xFFFF  }
0x15e: {  	_ =	strace $0x90000050  }
0x15f: {  	s31 =	stileid.u32;
	[bflag:$0x2] =	sbarrier.arrive $0xFFFF  }
0x160: {  	p0 =	sne.s32 s31, $0x0;
	s0 =	rddreg [dreg:$0x3]  }
0x161: {  	s0 =	sadd.s32 @!p0 $0x100000, s0  }
0x162: {  	[sflag:s0] =	ssyncadd.tile.s32 @!p0 $0x1;
	_ =	shalt  }
.Lfunc_end2:
_tile_overlayer_lowered:
.L_overlay_start_2:
0x163: {  	(tag) =	ssettag $0x2  }
0x164: {  	s0 =	rddreg [dreg:$0x0];
	s2 =	stileid.u32  }
0x165: {  	s1 =	rddreg [dreg:$0x1];
	p0 =	sne.s32 s2, $0x0  }
0x166: {  	s3 =	rddreg [dreg:$0x2];
	[bflag:$0x3] =	sbarrier.arrive $0xFFFF;
	s2 =	simm.s32 @!p0 $0x1C01  }
0x167: {  	[timem:s3], [sflag:s2] =	dma.local @!p0 [hbm:s0], s1  }
0x168: {  	s0 =	simm.s32 @!p0 $0x1  }
0x169: {  	_ =	swait.ge @!p0 [sflag:s0], s1  }
0x16a: {  	s1 =	ssub.s32 @!p0 $0x0, s1;
	[sflag:s0] =	ssyncset.done @!p0 $0x0  }
0x16b: {  	[sflag:s0] =	ssyncadd.s32 @!p0 s1  }
0x16c: {  	[bflag:$0x3] =	sbarrier.arrive $0xFFFF  }
0x16d: {  	_ =	shalt  }

// kernel: kernel.18.cloned.1.call-start
scs
__scs_entry_jumppad:
0x0: {  	(pc) =	sbr.rel $0x88, $3  }
0x1: {  	(tag) =	ssettag $0x0;
	lr =	simm.s32 $0x1  }
0x2: {  	[smem:$0x3F99] =	sst lr;
	_ =	strace $0xD0000000  }
0x3: {  	_ = 	snop  }
0x4: {  	_ = 	snop  }
0x5: {  	_ = 	snop  }
0x6: {  	_ = 	snop  }
0x7: {  	_ = 	snop  }
__scs_overlays_trampoline_lowered:
0x8: {  	[smem:$0x3FA8] =	sst s0  }
0x9: {  	[smem:$0x3FA9] =	sst s1  }
0xa: {  	[smem:$0x3FAA] =	sst s2  }
0xb: {  	[smem:$0x3FAB] =	sst s3  }
0xc: {  	[smem:$0x3FAC] =	sst s4  }
0xd: {  	[smem:$0x3FAD] =	sst s5  }
0xe: {  	[smem:$0x3FAE] =	sst s6  }
0xf: {  	[smem:$0x3FAF] =	sst s7  }
0x10: {  	[smem:$0x3FB0] =	sst s8  }
0x11: {  	[smem:$0x3FB1] =	sst s9;
	s0 =	simm.s32 @!p0 $0x0  }
0x12: {  	s1 =	sld [smem:$0x3F97];
	s0 =	simm.s32 @p0 $0x1  }
0x13: {  	[smem:$0x3FB2] =	sst s0;
	s0 =	simm.s32 @!p1 $0x0  }
0x14: {  	s2 =	sld [smem:$0x3F96];
	s0 =	simm.s32 @p1 $0x1  }
0x15: {  	[smem:$0x3FB3] =	sst s0;
	s0 =	simm.s32 @!p2 $0x0  }
0x16: {  	s3 =	sld [smem:$0x3FDB];
	s0 =	simm.s32 @p2 $0x1  }
0x17: {  	s4 =	simm.s32 $0x1BF5;
	[smem:$0x3FB5] =	sst s0  }
0x18: {  	s0 =	sld [smem:$0x3F98];
	_ =	swait.ge [sflag:s4], $0x0  }
0x19: {  	s7 =	sld [smem:$0x3F99]  }
0x1a: {  	s8 =	sadd.s32 $0xFFFFE003, lr  }
0x1b: {  	s9 =	sadd.s32 $0xFFFFFEF7, lr;
	s5 =	simm.s32 $0xFFFFFFFF;
	p2 =	slt.u32 s8, $0xFFFFF086  }
0x1c: {  	p1 =	slt.u32 s9, $0xF7A;
	s5 =	simm.s32 @!p2 $0x0  }
0x1d: {  	s5 =	simm.s32 @p1 $0x1;
	p0 =	seq.s32 s7, s2  }
0x1e: {  	s7 =	smul.u32 @!p0 $0xF7A, s2;
	p2 =	seq.s32 @!p0 s5, $0x0  }
0x1f: {  	s9 =	smul.u32 $0xF7A, s1;
	s8 =	simm.s32 @!p0 $0x1BF5;
	p2 =	por !p2, p0  }
0x20: {  	[sflag:s8] =	ssyncset.s32 @!p0 $0xFFFFF086;
	s6 =	sadd.s32 @!p0 s3, s7;
	s7 =	simm.s32 @!p0 $0x108  }
0x21: {  	s3 =	sadd.s32 s3, s9;
	s6 =	sadd.s32 @!p0 $0x88, s6;
	s7 =	simm.s32 @p2 $0x1082  }
0x22: {  	[simem:s7], [sflag:s8] =	dma.local @!p0 [hbm:s6], $0xF7A  }
0x23: {  	s9 =	sor.u32 $0xD0000000, s2;
	s6 =	simm.s32 $0x108;
	_ =	swait.ge @!p0 [sflag:s8], $0x0  }
0x24: {  	s3 =	sadd.s32 $0x88, s3;
	s6 =	simm.s32 @!p1 $0x1082;
	[sflag:s4] =	ssyncset.s32 $0xFFFFF086  }
0x25: {  	[simem:s6], [sflag:s4] =	dma.local [hbm:s3], $0xF7A  }
0x26: {  	[smem:$0x3F99] =	sst s1;
	(tag) =	ssettag s2;
	_ =	strace s9  }
0x27: {  	s1 =	sld [smem:$0x3FA9]  }
0x28: {  	s2 =	sld [smem:$0x3FAA]  }
0x29: {  	s4 =	sld [smem:$0x3FAC]  }
0x2a: {  	p0 =	seq.s32 s5, $0x0;
	s5 =	sld [smem:$0x3FAD]  }
0x2b: {  	s6 =	sld [smem:$0x3FAE]  }
0x2c: {  	s7 =	sld [smem:$0x3FAF]  }
0x2d: {  	s3 =	simm.s32 $0x108;
	s8 =	sld [smem:$0x3FB0]  }
0x2e: {  	s3 =	simm.s32 @!p0 $0x1082;
	s9 =	sld [smem:$0x3FB1]  }
0x2f: {  	lr =	sadd.s32 s0, s3;
	s0 =	sld [smem:$0x3FA8]  }
0x30: {  	s3 =	sld [smem:$0x3FAB]  }
0x31: {  	[smem:$0x3FB4] =	sst s10  }
0x32: {  	s10 =	sld [smem:$0x3FB2];
	_ =	sdelay $0x3  }
0x33: {  	p0 =	seq.s32 s10, $0x1;
	s10 =	sld [smem:$0x3FB4];
	_ =	sdelay $0x3  }
0x34: {  	[smem:$0x3FB4] =	sst s10  }
0x35: {  	s10 =	sld [smem:$0x3FB3];
	_ =	sdelay $0x3  }
0x36: {  	p1 =	seq.s32 s10, $0x1;
	s10 =	sld [smem:$0x3FB4];
	_ =	sdelay $0x3  }
0x37: {  	[smem:$0x3FB4] =	sst s10  }
0x38: {  	s10 =	sld [smem:$0x3FB5]  }
0x39: {  	_ = 	snop;
	(pc) =	sbr.ind lr, $3  }
0x3a: {  	_ = 	snop  }
0x3b: {  	_ = 	snop  }
0x3c: {  	p2 =	seq.s32 s10, $0x1;
	s10 =	sld [smem:$0x3FB4]  }
0x3d: {  	_ =	shalt  }
0x3e: {  	_ =	shalt  }
0x3f: {  	_ =	shalt  }
0x40: {  	_ =	shalt  }
0x41: {  	_ =	shalt  }
0x42: {  	_ =	shalt  }
0x43: {  	_ =	shalt  }
0x44: {  	_ =	shalt  }
0x45: {  	_ =	shalt  }
0x46: {  	_ =	shalt  }
0x47: {  	_ =	shalt  }
0x48: {  	_ =	shalt  }
0x49: {  	_ =	shalt  }
0x4a: {  	_ =	shalt  }
0x4b: {  	_ =	shalt  }
0x4c: {  	_ =	shalt  }
0x4d: {  	_ =	shalt  }
0x4e: {  	_ =	shalt  }
0x4f: {  	_ =	shalt  }
0x50: {  	_ =	shalt  }
0x51: {  	_ =	shalt  }
0x52: {  	_ =	shalt  }
0x53: {  	_ =	shalt  }
0x54: {  	_ =	shalt  }
0x55: {  	_ =	shalt  }
0x56: {  	_ =	shalt  }
0x57: {  	_ =	shalt  }
0x58: {  	_ =	shalt  }
0x59: {  	_ =	shalt  }
0x5a: {  	_ =	shalt  }
0x5b: {  	_ =	shalt  }
0x5c: {  	_ =	shalt  }
0x5d: {  	_ =	shalt  }
0x5e: {  	_ =	shalt  }
0x5f: {  	_ =	shalt  }
0x60: {  	_ =	shalt  }
0x61: {  	_ =	shalt  }
0x62: {  	_ =	shalt  }
0x63: {  	_ =	shalt  }
0x64: {  	_ =	shalt  }
0x65: {  	_ =	shalt  }
0x66: {  	_ =	shalt  }
0x67: {  	_ =	shalt  }
0x68: {  	_ =	shalt  }
0x69: {  	_ =	shalt  }
0x6a: {  	_ =	shalt  }
0x6b: {  	_ =	shalt  }
0x6c: {  	_ =	shalt  }
0x6d: {  	_ =	shalt  }
0x6e: {  	_ =	shalt  }
0x6f: {  	_ =	shalt  }
0x70: {  	_ =	shalt  }
0x71: {  	_ =	shalt  }
0x72: {  	_ =	shalt  }
0x73: {  	_ =	shalt  }
0x74: {  	_ =	shalt  }
0x75: {  	_ =	shalt  }
0x76: {  	_ =	shalt  }
0x77: {  	_ =	shalt  }
0x78: {  	_ =	shalt  }
0x79: {  	_ =	shalt  }
0x7a: {  	_ =	shalt  }
0x7b: {  	_ =	shalt  }
0x7c: {  	_ =	shalt  }
0x7d: {  	_ =	shalt  }
0x7e: {  	_ =	shalt  }
0x7f: {  	_ =	shalt  }
0x80: {  	_ =	shalt  }
0x81: {  	_ =	shalt  }
0x82: {  	_ =	shalt  }
0x83: {  	_ =	shalt  }
0x84: {  	_ =	shalt  }
0x85: {  	_ =	shalt  }
0x86: {  	_ =	shalt  }
0x87: {  	_ =	shalt  }
.Lfunc_end0:
.L_simem_size_0:
called_computation.3_lowered:
.L_overlay_start_0:
0x88: {  	s2 =	sld [smem:$0x3FD9]  }
0x89: {  	s3 =	sld [smem:$0x3FFE];
	_ =	sdelay $0x1  }
0x8a: {  	s1 =	srdreg.scid  }
0x8b: {  	s0 =	sand.u32 $0x1, s1  }
0x8c: {  	s17 =	sshll.u32 s0, $0xA;
	s2 =	sadd.s32 s3, s2  }
0x8d: {  	s2 =	sadd.s32 s2, s17  }
0x8e: {  	[smem:$0x3FC0] =	sst s2  }
0x8f: {  	_ = 	snop  }
0x90: {  	s18 =	sld [smem:$0x3FD0];
	(tm) =	ssettm $0x1  }
0x91: {  	s19 =	sld [smem:$0x3FFB];
	_ =	sdelay $0x3  }
0x92: {  	_ =	strace s19  }
0x93: {  	s2 =	sld [smem:$0x3FFC];
	_ =	sdelay $0x3  }
0x94: {  	_ =	strace s2  }
0x95: {  	s2 =	sld [smem:$0x3FFD];
	_ =	sdelay $0x3  }
0x96: {  	_ =	strace s2  }
0x97: {  	_ =	strace $0x8FFFFFFF  }
0x98: {  	s20 =	sld [smem:$0x3FDB];
	_ =	sdelay $0x1  }
0x99: {  	s4 =	simm.s32 $_scs_section_size  }
0x9a: {  	s5 =	simm.s32 $_size__tile_overlayer_lowered;
	s6 =	simm.s32 $_tile_overlayer_lowered  }
0x9b: {  	s7 =	simm.s32 $0x1BFF;
	s21 =	sshll.u32 s6, $0x1;
	s4 =	sadd.s32 s4, s20  }
0x9c: {  	s22 =	simm.s32 $0x0;
	s5 =	sshll.u32 s5, $0x1;
	s6 =	sadd.s32 s21, s4  }
0x9d: {  	[timem:s22], [sflag:s7] =	dma.local [hbm:s6], s5  }
0x9e: {  	_ =	swait.ge [sflag:s7], s5  }
0x9f: {  	s5 =	ssub.s32 $0x0, s5;
	[sflag:s7] =	ssyncset.done $0x0  }
0xa0: {  	[sflag:s7] =	ssyncadd.s32 s5;
	_ =	sdelay $0x1  }
0xa1: {  	s23 =	simm.s32 $0x1B8B  }
0xa2: {  	_ =	swait.ge [sflag:s23], $0x1  }
0xa3: {  	[sflag:s23] =	ssyncset.done $0x0  }
0xa4: {  	[sflag:s23] =	ssyncadd.s32 $0xFFFFFFFF  }
0xa5: {  	s5 =	sld [smem:$0x0]  }
0xa6: {  	s6 =	sand.u32 $0xFFFFFFFE, s1  }
0xa7: {  	p0 =	sne.s32 s1, s6  }
0xa8: {  	s6 =	sshll.u32 @p0 s6, $0xE  }
0xa9: {  	s6 =	sadd.s32 @p0 $0x11B8D, s6;
	s7 =	sshll.u32 @p0 s5, $0x11  }
0xaa: {  	s6 =	sor.u32 @p0 s7, s6  }
0xab: {  	[sflag:s6] =	ssyncadd.remote.s32 @p0 $0x1;
	_ =	sdelay $0x1  }
0xac: {  	s6 =	simm.s32 @p0 $0x1B8D  }
0xad: {  	_ =	swait.eq @p0 [sflag:s6], $0x1  }
0xae: {  	[sflag:s6] =	ssyncadd.s32 @p0 $0xFFFFFFFF  }
0xaf: {  	s7 =	sshll.u32 @!p0 s1, $0xE  }
0xb0: {  	s7 =	sor.u32 @!p0 $0x4000, s7;
	s6 =	simm.s32 @!p0 $0x1B8D  }
0xb1: {  	s5 =	sshll.u32 @!p0 s5, $0x11;
	s7 =	sadd.s32 @!p0 $0x11B8D, s7;
	_ =	swait.eq @!p0 [sflag:s6], $0x1  }
0xb2: {  	s5 =	sor.u32 @!p0 s5, s7;
	[sflag:s6] =	ssyncadd.s32 @!p0 $0xFFFFFFFF  }
0xb3: {  	s25 =	simm.s32 $0x1B8E;
	s24 =	sld [smem:$0x3FFE];
	[sflag:s5] =	ssyncadd.remote.s32 @!p0 $0x1  }
0xb4: {  	s26 =	simm.s32 $execute0_lowered;
	[smem:$0x3FD2] =	sst s25  }
0xb5: {  	s6 =	sshll.u32 s26, $0x1;
	_ =	strace $0x8000004C;
	[dreg:$0x1] =	wrdreg $0xFFFFFFFF  }
0xb6: {  	s28 =	simm.s32 $_size_execute0_lowered;
	s4 =	sadd.s32 s4, s6;
	[dreg:$0x0] =	wrdreg $0x0  }
0xb7: {  	s6 =	sshll.u32 s28, $0x1;
	[dreg:$0x2] =	wrdreg s4  }
0xb8: {  	[dreg:$0x3] =	wrdreg s6  }
0xb9: {  	[dreg:$0x4] =	wrdreg $0xC0  }
0xba: {  	_ =	task [dreg:s22], $0x5FFFF  }
0xbb: {  	[dreg:$0x1] =	wrdreg $0xFFFFFFFF  }
0xbc: {  	[dreg:$0x0] =	wrdreg $0x60  }
0xbd: {  	[dreg:$0x2] =	wrdreg s24  }
0xbe: {  	[dreg:$0x3] =	wrdreg s18  }
0xbf: {  	[dreg:$0x4] =	wrdreg $0x32000  }
0xc0: {  	[dreg:$0x5] =	wrdreg $0xA  }
0xc1: {  	_ =	task.clear_ibuf [dreg:s22], $0x6FFFF;
	_ =	strace $0x9000004C  }
0xc2: {  	s29 =	simm.s32 $0xA;
	_ =	strace $0x8000004E  }
0xc3: {  	_ =	swait.ge [sflag:s29], $0x1  }
0xc4: {  	[sflag:s29] =	ssyncadd.s32 $0xFFFFFFFF  }
0xc5: {  	_ =	strace $0x9000004E  }
0xc6: {  	_ =	sfence  }
0xc7: {  	s30 =	sld [smem:$0x0];
	_ =	sdelay $0x2  }
0xc8: {  	s31 =	sshll.u32 s1, $0xD;
	s1 =	sshrl.u32 s1, $0x2  }
0xc9: {  	s4 =	sand.u32 $0x4000, s31;
	s1 =	sadd.s32 s1, s30  }
0xca: {  	s0 =	sor.u32 s4, s0;
	s1 =	sshll.u32 s1, $0x11  }
0xcb: {  	s0 =	sor.u32 s1, s0  }
0xcc: {  	s0 =	sadd.s32 $0x8F2B, s0  }
0xcd: {  	[sflag:s0] =	ssyncadd.remote.s32 $0x1  }
0xce: {  	_ =	sfence.sel $0xFFFF  }
0xcf: {  	[dreg:$0x0] =	wrdreg $0xFFFFFFFF;
	(pc) =	sbr.abs _section_cstart, $3  }
0xd0: {  	[dreg:$0x1] =	wrdreg $0xFFFFFFFF  }
0xd1: {  	_ =	task.clear_ibuf [dreg:s22], $0x2FFFF;
	_ =	strace $0x9FFFFFFF  }
0xd2: {  	(tm) =	ssettm $0x7FFFFFFF  }
0xd3: {  	_ =	shalt  }
tec
execute0_lowered:
.L_overlay_start_1:
0x0: {  	(tag) =	ssettag $0x1  }
0x1: {  	s3 =	rddreg [dreg:$0x0]  }
0x2: {  	s0 =	srdreg.scid;
	s4 =	rddreg [dreg:$0x1]  }
0x3: {  	s11 =	stileid.u32;
	s2 =	rddreg [dreg:$0x2];
	s6 =	simm.s32 $0x0  }
0x4: {  	s22 =	simm.s32 $0x100;
	s23 =	simm.s32 $0x180;
	s15 =	simm.s32 $0x1200  }
0x5: {  	s24 =	simm.s32 $0x200;
	s14 =	simm.s32 $0x1600;
	s25 =	simm.s32 $0x280  }
0x6: {  	s13 =	simm.s32 $0x1A00;
	s26 =	simm.s32 $0x300;
	s12 =	simm.s32 $0x1E00  }
0x7: {  	s31 =	simm.s32 $0x380;
	s30 =	simm.s32 $0x400;
	s29 =	simm.s32 $0x480  }
0x8: {  	s28 =	simm.s32 $0x500;
	p0 =	por $0x0, $0x0;
	s0 =	sand.u32 $0x1, s0  }
0x9: {  	s1 =	sshll.u32 s11, $0x1;
	s7 =	smul.u32 $0x271, s11;
	[smem:$0x7FF] =	sst s6  }
0xa: {  	s8 =	smul.u32 $0x1390, s11;
	_ =	strace $0x8000004D;
	[dreg:$0xa] =	wrdreg s22  }
0xb: {  	s17 =	sshll.u32 s11, $0x6;
	s18 =	smul.u32 $0x4E20, s11;
	[dreg:$0xb] =	wrdreg s23  }
0xc: {  	s11 =	simm.s32 $0x2200;
	s1 =	sor.u32 s0, s1;
	[dreg:$0xc] =	wrdreg s24  }
0xd: {  	s16 =	ssub.s32 $0x2, s0;
	s0 =	smul.u32 $0x2710, s0;
	[dreg:$0xd] =	wrdreg s25  }
0xe: {  	[dreg:$0xe] =	wrdreg s26;
	s26 =	simm.s32 $0x580;
	s25 =	simm.s32 $0x600  }
0xf: {  	s23 =	simm.s32 $0x680;
	s24 =	simm.s32 $0x700;
	s5 =	smul.u32 $0xA00, s1  }
0x10: {  	s22 =	simm.s32 $0x780;
	s1 =	smul.u32 $0x140, s1;
	s9 =	sshrl.u32 s8, $0x3  }
0x11: {  	s10 =	sshrl.u32 s16, $0x1;
	s8 =	sadd.s32 s8, s2;
	s4 =	sadd.s32 s4, s9  }
0x12: {  	s21 =	sshrl.u32 s8, $0x3;
	s9 =	simm.s32 $0x2A00;
	s8 =	simm.s32 $0x2E00  }
0x13: {  	s5 =	sadd.s32 s5, s3;
	s1 =	sadd.s32 s1, s3;
	[dreg:$0x4] =	wrdreg s4  }
0x14: {  	s3 =	sadd.s32 s7, s3;
	s7 =	ssub.s32 s16, s10;
	[dreg:$0x9] =	wrdreg s21  }
0x15: {  	s4 =	simm.s32 $0x1;
	s16 =	simm.s32 $0xE00;
	s10 =	simm.s32 $0x2600  }
0x16: {  	s21 =	simm.s32 $0x800;
	s1 =	sadd.s32 $0x4F8200, s1;
	s0 =	sadd.s32 s0, s3  }
0x17: {  	[dreg:$0x5] =	wrdreg s1;
	s1 =	sshrl.u32 s18, $0x2;
	s18 =	smax.u32 s7, $0x1  }
0x18: {  	s3 =	sor.u32 $0x1C01, s17;
	s19 =	sadd.s32 $0x7200, s5;
	p1 =	sne.s32 s18, $0x1  }
.Ltmp0:
0x19: {  	s20 =	sadd.s32 $0x7700, s5;
	[dreg:$0x7] =	wrdreg s19;
	(pc) =	sbr.rel @!p1 .LBB2_3-.Ltmp0, $4  }
0x1a: {  	s17 =	simm.s32 $0xA00;
	s0 =	sadd.s32 $0x1B200, s0;
	[dreg:$0x8] =	wrdreg s20  }
0x1b: {  	s5 =	simm.s32 $0x80;
	s20 =	simm.s32 $0x880;
	[dreg:$0x6] =	wrdreg s0  }
0x1c: {  	s19 =	simm.s32 $0x900;
	s1 =	sadd.s32 s1, s2;
	s0 =	rddreg [dreg:$0x4]  }
0x1d: {  	s7 =	sshrl.u32 s1, $0x3;
	s1 =	sadd.s32 $0xFFFFFFFF, s18;
	s18 =	simm.s32 $0x980  }
0x1e: {  	[dreg:$0xf] =	wrdreg s1  }
0x1f: {  	s1 =	rddreg [dreg:$0x9]  }
0x20: {  	[spmem:s1], [sflag:s3] =	dma.local [hbm:s0], $0x272  }
0x21: {  	_ =	swait.ge [sflag:s4], $0x272  }
0x22: {  	[sflag:s4] =	ssyncset.done $0x0  }
0x23: {  	s1 =	rddreg [dreg:$0x5];
	[sflag:s4] =	ssyncadd.s32 $0xFFFFFD8E  }
0x24: {  	[tilespmem:s6], [sflag:$0x1] =	stream.linear.gather [hbm4b:s1+s6], $0xA00, $0x38;
	[tilespmem:$0x4590] =	vst v63  }
0x25: {  	_ =	swait.ge [sflag:s4], $0xA00  }
0x26: {  	[sflag:s4] =	ssyncset.done $0x0  }
0x27: {  	[sflag:s4] =	ssyncadd.s32 $0xFFFFF600  }
0x28: {  	[bflag:$0x0] =	sbarrier.arrive $0xFFFF  }
0x29: {  	s1 =	rddreg [dreg:$0x7]  }
0x2a: {  	[tilespmem:s17], [sflag:$0x1] =	stream.linear.gather [hbm4b:s1+s6], $0x2800, $0x38;
	[tilespmem:$0x4590] =	vst v63  }
0x2b: {  	_ =	swait.ge [sflag:s4], $0x2800  }
0x2c: {  	[sflag:s4] =	ssyncset.done $0x0  }
0x2d: {  	[sflag:s4] =	ssyncadd.s32 $0xFFFFD800  }
0x2e: {  	[spmem:s2] =	stream.indirect.scatter.add.f32 [tilespmem:s17], [sflag:$0x1], $0x8, s6, s5, $0xb8;
	[tilespmem:$0x4590] =	vst v63  }
0x2f: {  	_ =	swait.ge [sflag:s4], $0x400  }
0x30: {  	[sflag:s4] =	ssyncset.done $0x0  }
0x31: {  	[sflag:s4] =	ssyncadd.s32 $0xFFFFFC00  }
0x32: {  	[spmem:s2] =	stream.indirect.scatter.add.f32 [tilespmem:s16], [sflag:$0x1], $0x8, s5, s5, $0xb8;
	[tilespmem:$0x4590] =	vst v63  }
0x33: {  	_ =	swait.ge [sflag:s4], $0x400  }
0x34: {  	[sflag:s4] =	ssyncset.done $0x0  }
0x35: {  	s1 =	rddreg [dreg:$0xa];
	[sflag:s4] =	ssyncadd.s32 $0xFFFFFC00  }
0x36: {  	[spmem:s2] =	stream.indirect.scatter.add.f32 [tilespmem:s15], [sflag:$0x1], $0x8, s1, s5, $0xb8;
	[tilespmem:$0x4590] =	vst v63  }
0x37: {  	_ =	swait.ge [sflag:s4], $0x400  }
0x38: {  	[sflag:s4] =	ssyncset.done $0x0  }
0x39: {  	s1 =	rddreg [dreg:$0xb];
	[sflag:s4] =	ssyncadd.s32 $0xFFFFFC00  }
0x3a: {  	[spmem:s2] =	stream.indirect.scatter.add.f32 [tilespmem:s14], [sflag:$0x1], $0x8, s1, s5, $0xb8;
	[tilespmem:$0x4590] =	vst v63  }
0x3b: {  	_ =	swait.ge [sflag:s4], $0x400  }
0x3c: {  	[sflag:s4] =	ssyncset.done $0x0  }
0x3d: {  	s1 =	rddreg [dreg:$0xc];
	[sflag:s4] =	ssyncadd.s32 $0xFFFFFC00  }
0x3e: {  	[spmem:s2] =	stream.indirect.scatter.add.f32 [tilespmem:s13], [sflag:$0x1], $0x8, s1, s5, $0xb8;
	[tilespmem:$0x4590] =	vst v63  }
0x3f: {  	_ =	swait.ge [sflag:s4], $0x400  }
0x40: {  	[sflag:s4] =	ssyncset.done $0x0  }
0x41: {  	s1 =	rddreg [dreg:$0xd];
	[sflag:s4] =	ssyncadd.s32 $0xFFFFFC00  }
0x42: {  	[spmem:s2] =	stream.indirect.scatter.add.f32 [tilespmem:s12], [sflag:$0x1], $0x8, s1, s5, $0xb8;
	[tilespmem:$0x4590] =	vst v63  }
0x43: {  	_ =	swait.ge [sflag:s4], $0x400  }
0x44: {  	[sflag:s4] =	ssyncset.done $0x0  }
0x45: {  	s1 =	rddreg [dreg:$0xe];
	[sflag:s4] =	ssyncadd.s32 $0xFFFFFC00  }
0x46: {  	[spmem:s2] =	stream.indirect.scatter.add.f32 [tilespmem:s11], [sflag:$0x1], $0x8, s1, s5, $0xb8;
	[tilespmem:$0x4590] =	vst v63  }
0x47: {  	_ =	swait.ge [sflag:s4], $0x400  }
0x48: {  	[sflag:s4] =	ssyncset.done $0x0  }
0x49: {  	[sflag:s4] =	ssyncadd.s32 $0xFFFFFC00  }
0x4a: {  	[spmem:s2] =	stream.indirect.scatter.add.f32 [tilespmem:s10], [sflag:$0x1], $0x8, s31, s5, $0xb8;
	[tilespmem:$0x4590] =	vst v63  }
0x4b: {  	_ =	swait.ge [sflag:s4], $0x400  }
0x4c: {  	[sflag:s4] =	ssyncset.done $0x0  }
0x4d: {  	[sflag:s4] =	ssyncadd.s32 $0xFFFFFC00  }
0x4e: {  	[spmem:s2] =	stream.indirect.scatter.add.f32 [tilespmem:s9], [sflag:$0x1], $0x8, s30, s5, $0xb8;
	[tilespmem:$0x4590] =	vst v63  }
0x4f: {  	_ =	swait.ge [sflag:s4], $0x400  }
0x50: {  	[sflag:s4] =	ssyncset.done $0x0  }
0x51: {  	[sflag:s4] =	ssyncadd.s32 $0xFFFFFC00  }
0x52: {  	[spmem:s2] =	stream.indirect.scatter.add.f32 [tilespmem:s8], [sflag:$0x1], $0x8, s29, s5, $0xb8;
	[tilespmem:$0x4590] =	vst v63  }
0x53: {  	_ =	swait.ge [sflag:s4], $0x400  }
0x54: {  	[sflag:s4] =	ssyncset.done $0x0  }
0x55: {  	s1 =	rddreg [dreg:$0x8];
	[sflag:s4] =	ssyncadd.s32 $0xFFFFFC00  }
0x56: {  	[tilespmem:s17], [sflag:$0x1] =	stream.linear.gather [hbm4b:s1+s6], $0x2800, $0x38;
	[tilespmem:$0x4590] =	vst v63  }
0x57: {  	_ =	swait.ge [sflag:s4], $0x2800  }
0x58: {  	[sflag:s4] =	ssyncset.done $0x0  }
0x59: {  	[sflag:s4] =	ssyncadd.s32 $0xFFFFD800  }
0x5a: {  	[spmem:s2] =	stream.indirect.scatter.add.f32 [tilespmem:s17], [sflag:$0x1], $0x8, s28, s5, $0xb8;
	[tilespmem:$0x4590] =	vst v63  }
0x5b: {  	_ =	swait.ge [sflag:s4], $0x400  }
0x5c: {  	[sflag:s4] =	ssyncset.done $0x0  }
0x5d: {  	[sflag:s4] =	ssyncadd.s32 $0xFFFFFC00  }
0x5e: {  	[spmem:s2] =	stream.indirect.scatter.add.f32 [tilespmem:s16], [sflag:$0x1], $0x8, s26, s5, $0xb8;
	[tilespmem:$0x4590] =	vst v63  }
0x5f: {  	_ =	swait.ge [sflag:s4], $0x400  }
0x60: {  	[sflag:s4] =	ssyncset.done $0x0  }
0x61: {  	[sflag:s4] =	ssyncadd.s32 $0xFFFFFC00  }
0x62: {  	[spmem:s2] =	stream.indirect.scatter.add.f32 [tilespmem:s15], [sflag:$0x1], $0x8, s25, s5, $0xb8;
	[tilespmem:$0x4590] =	vst v63  }
0x63: {  	_ =	swait.ge [sflag:s4], $0x400  }
0x64: {  	[sflag:s4] =	ssyncset.done $0x0  }
0x65: {  	[sflag:s4] =	ssyncadd.s32 $0xFFFFFC00  }
0x66: {  	[spmem:s2] =	stream.indirect.scatter.add.f32 [tilespmem:s14], [sflag:$0x1], $0x8, s23, s5, $0xb8;
	[tilespmem:$0x4590] =	vst v63  }
0x67: {  	_ =	swait.ge [sflag:s4], $0x400  }
0x68: {  	[sflag:s4] =	ssyncset.done $0x0  }
0x69: {  	[sflag:s4] =	ssyncadd.s32 $0xFFFFFC00  }
0x6a: {  	[spmem:s2] =	stream.indirect.scatter.add.f32 [tilespmem:s13], [sflag:$0x1], $0x8, s24, s5, $0xb8;
	[tilespmem:$0x4590] =	vst v63  }
0x6b: {  	_ =	swait.ge [sflag:s4], $0x400  }
0x6c: {  	[sflag:s4] =	ssyncset.done $0x0  }
0x6d: {  	[sflag:s4] =	ssyncadd.s32 $0xFFFFFC00  }
0x6e: {  	[spmem:s2] =	stream.indirect.scatter.add.f32 [tilespmem:s12], [sflag:$0x1], $0x8, s22, s5, $0xb8;
	[tilespmem:$0x4590] =	vst v63  }
0x6f: {  	_ =	swait.ge [sflag:s4], $0x400  }
0x70: {  	[sflag:s4] =	ssyncset.done $0x0  }
0x71: {  	[sflag:s4] =	ssyncadd.s32 $0xFFFFFC00  }
0x72: {  	[spmem:s2] =	stream.indirect.scatter.add.f32 [tilespmem:s11], [sflag:$0x1], $0x8, s21, s5, $0xb8;
	[tilespmem:$0x4590] =	vst v63  }
0x73: {  	_ =	swait.ge [sflag:s4], $0x400  }
0x74: {  	[sflag:s4] =	ssyncset.done $0x0  }
0x75: {  	[sflag:s4] =	ssyncadd.s32 $0xFFFFFC00  }
0x76: {  	[spmem:s2] =	stream.indirect.scatter.add.f32 [tilespmem:s10], [sflag:$0x1], $0x8, s20, s5, $0xb8;
	[tilespmem:$0x4590] =	vst v63  }
0x77: {  	_ =	swait.ge [sflag:s4], $0x400  }
0x78: {  	[sflag:s4] =	ssyncset.done $0x0  }
0x79: {  	[sflag:s4] =	ssyncadd.s32 $0xFFFFFC00  }
0x7a: {  	[spmem:s2] =	stream.indirect.scatter.add.f32 [tilespmem:s9], [sflag:$0x1], $0x8, s19, s5, $0xb8;
	[tilespmem:$0x4590] =	vst v63  }
0x7b: {  	_ =	swait.ge [sflag:s4], $0x400  }
0x7c: {  	[sflag:s4] =	ssyncset.done $0x0  }
0x7d: {  	[sflag:s4] =	ssyncadd.s32 $0xFFFFFC00  }
0x7e: {  	[spmem:s2] =	stream.indirect.scatter.add.f32 [tilespmem:s8], [sflag:$0x1], $0x8, s18, s5, $0xb8;
	[tilespmem:$0x4590] =	vst v63  }
0x7f: {  	_ =	swait.ge [sflag:s4], $0x400  }
0x80: {  	[sflag:s4] =	ssyncset.done $0x0  }
0x81: {  	[sflag:s4] =	ssyncadd.s32 $0xFFFFFC00  }
0x82: {  	[bflag:$0x0] =	sbarrier.arrive $0xFFFF  }
0x83: {  	s1 =	rddreg [dreg:$0x6]  }
0x84: {  	[hbm:s1], [sflag:s3] =	dma.local [spmem:s7], $0x271  }
0x85: {  	s0 =	rddreg [dreg:$0xf]  }
0x86: {  	p1 =	sne.s32 s0, $0x1  }
.Ltmp1:
0x87: {  	_ = 	snop;
	(pc) =	sbr.rel @!p1 .LBB2_3-.Ltmp1, $3  }
0x88: {  	_ =	sdelay $0x1  }
0x89: {  	p0 =	por $0x1, $0x1;
	_ =	swait.ge [sflag:s4], $0x271  }
0x8a: {  	s1 =	sadd.s32 $0xFFFFFFFF, s0;
	s0 =	rddreg [dreg:$0x4];
	[sflag:s4] =	ssyncset.done $0x0  }
.LBB2_2:
0x8b: {  	s18 =	rddreg [dreg:$0x9];
	[sflag:s4] =	ssyncadd.s32 $0xFFFFFD8F  }
0x8c: {  	[spmem:s18], [sflag:s3] =	dma.local [hbm:s0], $0x272  }
0x8d: {  	_ =	swait.ge [sflag:s4], $0x272  }
0x8e: {  	[sflag:s4] =	ssyncset.done $0x0  }
0x8f: {  	s0 =	rddreg [dreg:$0x5];
	[sflag:s4] =	ssyncadd.s32 $0xFFFFFD8E  }
0x90: {  	[tilespmem:s6], [sflag:$0x1] =	stream.linear.gather [hbm4b:s0+s6], $0xA00, $0x38;
	[tilespmem:$0x4590] =	vst v63  }
0x91: {  	_ =	swait.ge [sflag:s4], $0xA00  }
0x92: {  	[sflag:s4] =	ssyncset.done $0x0  }
0x93: {  	[sflag:s4] =	ssyncadd.s32 $0xFFFFF600  }
0x94: {  	[bflag:$0x0] =	sbarrier.arrive $0xFFFF  }
0x95: {  	s0 =	rddreg [dreg:$0x7]  }
0x96: {  	[tilespmem:s17], [sflag:$0x1] =	stream.linear.gather [hbm4b:s0+s6], $0x2800, $0x38;
	[tilespmem:$0x4590] =	vst v63  }
0x97: {  	_ =	swait.ge [sflag:s4], $0x2800  }
0x98: {  	[sflag:s4] =	ssyncset.done $0x0  }
0x99: {  	[sflag:s4] =	ssyncadd.s32 $0xFFFFD800  }
0x9a: {  	[spmem:s2] =	stream.indirect.scatter.add.f32 [tilespmem:s17], [sflag:$0x1], $0x8, s6, s5, $0xb8;
	[tilespmem:$0x4590] =	vst v63  }
0x9b: {  	_ =	swait.ge [sflag:s4], $0x400  }
0x9c: {  	[sflag:s4] =	ssyncset.done $0x0  }
0x9d: {  	[sflag:s4] =	ssyncadd.s32 $0xFFFFFC00  }
0x9e: {  	[spmem:s2] =	stream.indirect.scatter.add.f32 [tilespmem:s16], [sflag:$0x1], $0x8, s5, s5, $0xb8;
	[tilespmem:$0x4590] =	vst v63  }
0x9f: {  	_ =	swait.ge [sflag:s4], $0x400  }
0xa0: {  	[sflag:s4] =	ssyncset.done $0x0  }
0xa1: {  	s0 =	rddreg [dreg:$0xa];
	[sflag:s4] =	ssyncadd.s32 $0xFFFFFC00  }
0xa2: {  	[spmem:s2] =	stream.indirect.scatter.add.f32 [tilespmem:s15], [sflag:$0x1], $0x8, s0, s5, $0xb8;
	[tilespmem:$0x4590] =	vst v63  }
0xa3: {  	_ =	swait.ge [sflag:s4], $0x400  }
0xa4: {  	[sflag:s4] =	ssyncset.done $0x0  }
0xa5: {  	s0 =	rddreg [dreg:$0xb];
	[sflag:s4] =	ssyncadd.s32 $0xFFFFFC00  }
0xa6: {  	[spmem:s2] =	stream.indirect.scatter.add.f32 [tilespmem:s14], [sflag:$0x1], $0x8, s0, s5, $0xb8;
	[tilespmem:$0x4590] =	vst v63  }
0xa7: {  	_ =	swait.ge [sflag:s4], $0x400  }
0xa8: {  	[sflag:s4] =	ssyncset.done $0x0  }
0xa9: {  	s0 =	rddreg [dreg:$0xc];
	[sflag:s4] =	ssyncadd.s32 $0xFFFFFC00  }
0xaa: {  	[spmem:s2] =	stream.indirect.scatter.add.f32 [tilespmem:s13], [sflag:$0x1], $0x8, s0, s5, $0xb8;
	[tilespmem:$0x4590] =	vst v63  }
0xab: {  	_ =	swait.ge [sflag:s4], $0x400  }
0xac: {  	[sflag:s4] =	ssyncset.done $0x0  }
0xad: {  	s0 =	rddreg [dreg:$0xd];
	[sflag:s4] =	ssyncadd.s32 $0xFFFFFC00  }
0xae: {  	[spmem:s2] =	stream.indirect.scatter.add.f32 [tilespmem:s12], [sflag:$0x1], $0x8, s0, s5, $0xb8;
	[tilespmem:$0x4590] =	vst v63  }
0xaf: {  	_ =	swait.ge [sflag:s4], $0x400  }
0xb0: {  	[sflag:s4] =	ssyncset.done $0x0  }
0xb1: {  	s0 =	rddreg [dreg:$0xe];
	[sflag:s4] =	ssyncadd.s32 $0xFFFFFC00  }
0xb2: {  	[spmem:s2] =	stream.indirect.scatter.add.f32 [tilespmem:s11], [sflag:$0x1], $0x8, s0, s5, $0xb8;
	[tilespmem:$0x4590] =	vst v63  }
0xb3: {  	_ =	swait.ge [sflag:s4], $0x400  }
0xb4: {  	[sflag:s4] =	ssyncset.done $0x0  }
0xb5: {  	[sflag:s4] =	ssyncadd.s32 $0xFFFFFC00  }
0xb6: {  	[spmem:s2] =	stream.indirect.scatter.add.f32 [tilespmem:s10], [sflag:$0x1], $0x8, s31, s5, $0xb8;
	[tilespmem:$0x4590] =	vst v63  }
0xb7: {  	_ =	swait.ge [sflag:s4], $0x400  }
0xb8: {  	[sflag:s4] =	ssyncset.done $0x0  }
0xb9: {  	[sflag:s4] =	ssyncadd.s32 $0xFFFFFC00  }
0xba: {  	[spmem:s2] =	stream.indirect.scatter.add.f32 [tilespmem:s9], [sflag:$0x1], $0x8, s30, s5, $0xb8;
	[tilespmem:$0x4590] =	vst v63  }
0xbb: {  	_ =	swait.ge [sflag:s4], $0x400  }
0xbc: {  	[sflag:s4] =	ssyncset.done $0x0  }
0xbd: {  	[sflag:s4] =	ssyncadd.s32 $0xFFFFFC00  }
0xbe: {  	[spmem:s2] =	stream.indirect.scatter.add.f32 [tilespmem:s8], [sflag:$0x1], $0x8, s29, s5, $0xb8;
	[tilespmem:$0x4590] =	vst v63  }
0xbf: {  	_ =	swait.ge [sflag:s4], $0x400  }
0xc0: {  	[sflag:s4] =	ssyncset.done $0x0  }
0xc1: {  	s0 =	rddreg [dreg:$0x8];
	[sflag:s4] =	ssyncadd.s32 $0xFFFFFC00  }
0xc2: {  	[tilespmem:s17], [sflag:$0x1] =	stream.linear.gather [hbm4b:s0+s6], $0x2800, $0x38;
	[tilespmem:$0x4590] =	vst v63  }
0xc3: {  	_ =	swait.ge [sflag:s4], $0x2800  }
0xc4: {  	[sflag:s4] =	ssyncset.done $0x0  }
0xc5: {  	[sflag:s4] =	ssyncadd.s32 $0xFFFFD800  }
0xc6: {  	[spmem:s2] =	stream.indirect.scatter.add.f32 [tilespmem:s17], [sflag:$0x1], $0x8, s28, s5, $0xb8;
	[tilespmem:$0x4590] =	vst v63  }
0xc7: {  	_ =	swait.ge [sflag:s4], $0x400  }
0xc8: {  	[sflag:s4] =	ssyncset.done $0x0  }
0xc9: {  	[sflag:s4] =	ssyncadd.s32 $0xFFFFFC00  }
0xca: {  	[spmem:s2] =	stream.indirect.scatter.add.f32 [tilespmem:s16], [sflag:$0x1], $0x8, s26, s5, $0xb8;
	[tilespmem:$0x4590] =	vst v63  }
0xcb: {  	_ =	swait.ge [sflag:s4], $0x400  }
0xcc: {  	[sflag:s4] =	ssyncset.done $0x0  }
0xcd: {  	[sflag:s4] =	ssyncadd.s32 $0xFFFFFC00  }
0xce: {  	[spmem:s2] =	stream.indirect.scatter.add.f32 [tilespmem:s15], [sflag:$0x1], $0x8, s25, s5, $0xb8;
	[tilespmem:$0x4590] =	vst v63  }
0xcf: {  	_ =	swait.ge [sflag:s4], $0x400  }
0xd0: {  	[sflag:s4] =	ssyncset.done $0x0  }
0xd1: {  	[sflag:s4] =	ssyncadd.s32 $0xFFFFFC00  }
0xd2: {  	[spmem:s2] =	stream.indirect.scatter.add.f32 [tilespmem:s14], [sflag:$0x1], $0x8, s23, s5, $0xb8;
	[tilespmem:$0x4590] =	vst v63  }
0xd3: {  	_ =	swait.ge [sflag:s4], $0x400  }
0xd4: {  	[sflag:s4] =	ssyncset.done $0x0  }
0xd5: {  	[sflag:s4] =	ssyncadd.s32 $0xFFFFFC00  }
0xd6: {  	[spmem:s2] =	stream.indirect.scatter.add.f32 [tilespmem:s13], [sflag:$0x1], $0x8, s24, s5, $0xb8;
	[tilespmem:$0x4590] =	vst v63  }
0xd7: {  	_ =	swait.ge [sflag:s4], $0x400  }
0xd8: {  	[sflag:s4] =	ssyncset.done $0x0  }
0xd9: {  	[sflag:s4] =	ssyncadd.s32 $0xFFFFFC00  }
0xda: {  	[spmem:s2] =	stream.indirect.scatter.add.f32 [tilespmem:s12], [sflag:$0x1], $0x8, s22, s5, $0xb8;
	[tilespmem:$0x4590] =	vst v63  }
0xdb: {  	_ =	swait.ge [sflag:s4], $0x400  }
0xdc: {  	[sflag:s4] =	ssyncset.done $0x0  }
0xdd: {  	[sflag:s4] =	ssyncadd.s32 $0xFFFFFC00  }
0xde: {  	[spmem:s2] =	stream.indirect.scatter.add.f32 [tilespmem:s11], [sflag:$0x1], $0x8, s21, s5, $0xb8;
	[tilespmem:$0x4590] =	vst v63  }
0xdf: {  	_ =	swait.ge [sflag:s4], $0x400  }
0xe0: {  	[sflag:s4] =	ssyncset.done $0x0  }
0xe1: {  	[sflag:s4] =	ssyncadd.s32 $0xFFFFFC00  }
0xe2: {  	[spmem:s2] =	stream.indirect.scatter.add.f32 [tilespmem:s10], [sflag:$0x1], $0x8, s20, s5, $0xb8;
	[tilespmem:$0x4590] =	vst v63  }
0xe3: {  	_ =	swait.ge [sflag:s4], $0x400  }
0xe4: {  	[sflag:s4] =	ssyncset.done $0x0  }
0xe5: {  	[sflag:s4] =	ssyncadd.s32 $0xFFFFFC00  }
0xe6: {  	[spmem:s2] =	stream.indirect.scatter.add.f32 [tilespmem:s9], [sflag:$0x1], $0x8, s19, s5, $0xb8;
	[tilespmem:$0x4590] =	vst v63  }
0xe7: {  	_ =	swait.ge [sflag:s4], $0x400  }
0xe8: {  	[sflag:s4] =	ssyncset.done $0x0  }
0xe9: {  	s18 =	simm.s32 $0x980;
	[sflag:s4] =	ssyncadd.s32 $0xFFFFFC00  }
0xea: {  	[spmem:s2] =	stream.indirect.scatter.add.f32 [tilespmem:s8], [sflag:$0x1], $0x8, s18, s5, $0xb8;
	[tilespmem:$0x4590] =	vst v63  }
0xeb: {  	_ =	swait.ge [sflag:s4], $0x400  }
0xec: {  	[sflag:s4] =	ssyncset.done $0x0  }
0xed: {  	p1 =	sne.s32 s1, $0x1;
	[sflag:s4] =	ssyncadd.s32 $0xFFFFFC00  }
.Ltmp2:
0xee: {  	[bflag:$0x0] =	sbarrier.arrive $0xFFFF;
	(pc) =	sbr.rel @p1 .LBB2_2-.Ltmp2, $4  }
0xef: {  	s0 =	rddreg [dreg:$0x6]  }
0xf0: {  	[hbm:s0], [sflag:s3] =	dma.local [spmem:s7], $0x271  }
0xf1: {  	_ =	swait.ge [sflag:s4], $0x271  }
0xf2: {  	s1 =	sadd.s32 $0xFFFFFFFF, s1;
	s0 =	rddreg [dreg:$0x4];
	[sflag:s4] =	ssyncset.done $0x0  }
.LBB2_3:
0xf3: {  	s1 =	rddreg [dreg:$0x9];
	[sflag:s4] =	ssyncadd.s32 @p0 $0xFFFFFD8F  }
0xf4: {  	[spmem:s1], [sflag:s3] =	dma.local [hbm:s0], $0x272  }
0xf5: {  	_ =	swait.ge [sflag:s4], $0x272  }
0xf6: {  	[sflag:s4] =	ssyncset.done $0x0  }
0xf7: {  	s1 =	rddreg [dreg:$0x5];
	[sflag:s4] =	ssyncadd.s32 $0xFFFFFD8E  }
0xf8: {  	[tilespmem:s6], [sflag:$0x1] =	stream.linear.gather [hbm4b:s1+s6], $0xA00, $0x38;
	[tilespmem:$0x4590] =	vst v63  }
0xf9: {  	_ =	swait.ge [sflag:s4], $0xA00  }
0xfa: {  	[sflag:s4] =	ssyncset.done $0x0  }
0xfb: {  	[sflag:s4] =	ssyncadd.s32 $0xFFFFF600  }
0xfc: {  	[bflag:$0x0] =	sbarrier.arrive $0xFFFF  }
0xfd: {  	s1 =	rddreg [dreg:$0x7]  }
0xfe: {  	[tilespmem:s17], [sflag:$0x1] =	stream.linear.gather [hbm4b:s1+s6], $0x2800, $0x38;
	[tilespmem:$0x4590] =	vst v63  }
0xff: {  	_ =	swait.ge [sflag:s4], $0x2800  }
0x100: {  	[sflag:s4] =	ssyncset.done $0x0  }
0x101: {  	[sflag:s4] =	ssyncadd.s32 $0xFFFFD800  }
0x102: {  	[spmem:s2] =	stream.indirect.scatter.add.f32 [tilespmem:s17], [sflag:$0x1], $0x8, s6, s5, $0xb8;
	[tilespmem:$0x4590] =	vst v63  }
0x103: {  	_ =	swait.ge [sflag:s4], $0x400  }
0x104: {  	[sflag:s4] =	ssyncset.done $0x0  }
0x105: {  	[sflag:s4] =	ssyncadd.s32 $0xFFFFFC00  }
0x106: {  	[spmem:s2] =	stream.indirect.scatter.add.f32 [tilespmem:s16], [sflag:$0x1], $0x8, s5, s5, $0xb8;
	[tilespmem:$0x4590] =	vst v63  }
0x107: {  	_ =	swait.ge [sflag:s4], $0x400  }
0x108: {  	[sflag:s4] =	ssyncset.done $0x0  }
0x109: {  	s1 =	rddreg [dreg:$0xa];
	[sflag:s4] =	ssyncadd.s32 $0xFFFFFC00  }
0x10a: {  	[spmem:s2] =	stream.indirect.scatter.add.f32 [tilespmem:s15], [sflag:$0x1], $0x8, s1, s5, $0xb8;
	[tilespmem:$0x4590] =	vst v63  }
0x10b: {  	_ =	swait.ge [sflag:s4], $0x400  }
0x10c: {  	[sflag:s4] =	ssyncset.done $0x0  }
0x10d: {  	s1 =	rddreg [dreg:$0xb];
	[sflag:s4] =	ssyncadd.s32 $0xFFFFFC00  }
0x10e: {  	[spmem:s2] =	stream.indirect.scatter.add.f32 [tilespmem:s14], [sflag:$0x1], $0x8, s1, s5, $0xb8;
	[tilespmem:$0x4590] =	vst v63  }
0x10f: {  	_ =	swait.ge [sflag:s4], $0x400  }
0x110: {  	[sflag:s4] =	ssyncset.done $0x0  }
0x111: {  	s1 =	rddreg [dreg:$0xc];
	[sflag:s4] =	ssyncadd.s32 $0xFFFFFC00  }
0x112: {  	[spmem:s2] =	stream.indirect.scatter.add.f32 [tilespmem:s13], [sflag:$0x1], $0x8, s1, s5, $0xb8;
	[tilespmem:$0x4590] =	vst v63  }
0x113: {  	_ =	swait.ge [sflag:s4], $0x400  }
0x114: {  	[sflag:s4] =	ssyncset.done $0x0  }
0x115: {  	s1 =	rddreg [dreg:$0xd];
	[sflag:s4] =	ssyncadd.s32 $0xFFFFFC00  }
0x116: {  	[spmem:s2] =	stream.indirect.scatter.add.f32 [tilespmem:s12], [sflag:$0x1], $0x8, s1, s5, $0xb8;
	[tilespmem:$0x4590] =	vst v63  }
0x117: {  	_ =	swait.ge [sflag:s4], $0x400  }
0x118: {  	[sflag:s4] =	ssyncset.done $0x0  }
0x119: {  	s1 =	rddreg [dreg:$0xe];
	[sflag:s4] =	ssyncadd.s32 $0xFFFFFC00  }
0x11a: {  	[spmem:s2] =	stream.indirect.scatter.add.f32 [tilespmem:s11], [sflag:$0x1], $0x8, s1, s5, $0xb8;
	[tilespmem:$0x4590] =	vst v63  }
0x11b: {  	_ =	swait.ge [sflag:s4], $0x400  }
0x11c: {  	[sflag:s4] =	ssyncset.done $0x0  }
0x11d: {  	[sflag:s4] =	ssyncadd.s32 $0xFFFFFC00  }
0x11e: {  	[spmem:s2] =	stream.indirect.scatter.add.f32 [tilespmem:s10], [sflag:$0x1], $0x8, s31, s5, $0xb8;
	[tilespmem:$0x4590] =	vst v63  }
0x11f: {  	_ =	swait.ge [sflag:s4], $0x400  }
0x120: {  	[sflag:s4] =	ssyncset.done $0x0  }
0x121: {  	[sflag:s4] =	ssyncadd.s32 $0xFFFFFC00  }
0x122: {  	[spmem:s2] =	stream.indirect.scatter.add.f32 [tilespmem:s9], [sflag:$0x1], $0x8, s30, s5, $0xb8;
	[tilespmem:$0x4590] =	vst v63  }
0x123: {  	_ =	swait.ge [sflag:s4], $0x400  }
0x124: {  	[sflag:s4] =	ssyncset.done $0x0  }
0x125: {  	[sflag:s4] =	ssyncadd.s32 $0xFFFFFC00  }
0x126: {  	[spmem:s2] =	stream.indirect.scatter.add.f32 [tilespmem:s8], [sflag:$0x1], $0x8, s29, s5, $0xb8;
	[tilespmem:$0x4590] =	vst v63  }
0x127: {  	_ =	swait.ge [sflag:s4], $0x400  }
0x128: {  	[sflag:s4] =	ssyncset.done $0x0  }
0x129: {  	s29 =	rddreg [dreg:$0x8];
	[sflag:s4] =	ssyncadd.s32 $0xFFFFFC00  }
0x12a: {  	[tilespmem:s17], [sflag:$0x1] =	stream.linear.gather [hbm4b:s29+s6], $0x2800, $0x38;
	[tilespmem:$0x4590] =	vst v63  }
0x12b: {  	_ =	swait.ge [sflag:s4], $0x2800  }
0x12c: {  	[sflag:s4] =	ssyncset.done $0x0  }
0x12d: {  	[sflag:s4] =	ssyncadd.s32 $0xFFFFD800  }
0x12e: {  	[spmem:s2] =	stream.indirect.scatter.add.f32 [tilespmem:s17], [sflag:$0x1], $0x8, s28, s5, $0xb8;
	[tilespmem:$0x4590] =	vst v63  }
0x12f: {  	_ =	swait.ge [sflag:s4], $0x400  }
0x130: {  	[sflag:s4] =	ssyncset.done $0x0  }
0x131: {  	[sflag:s4] =	ssyncadd.s32 $0xFFFFFC00  }
0x132: {  	[spmem:s2] =	stream.indirect.scatter.add.f32 [tilespmem:s16], [sflag:$0x1], $0x8, s26, s5, $0xb8;
	[tilespmem:$0x4590] =	vst v63  }
0x133: {  	_ =	swait.ge [sflag:s4], $0x400  }
0x134: {  	[sflag:s4] =	ssyncset.done $0x0  }
0x135: {  	[sflag:s4] =	ssyncadd.s32 $0xFFFFFC00  }
0x136: {  	[spmem:s2] =	stream.indirect.scatter.add.f32 [tilespmem:s15], [sflag:$0x1], $0x8, s25, s5, $0xb8;
	[tilespmem:$0x4590] =	vst v63  }
0x137: {  	_ =	swait.ge [sflag:s4], $0x400  }
0x138: {  	[sflag:s4] =	ssyncset.done $0x0  }
0x139: {  	[sflag:s4] =	ssyncadd.s32 $0xFFFFFC00  }
0x13a: {  	[spmem:s2] =	stream.indirect.scatter.add.f32 [tilespmem:s14], [sflag:$0x1], $0x8, s23, s5, $0xb8;
	[tilespmem:$0x4590] =	vst v63  }
0x13b: {  	_ =	swait.ge [sflag:s4], $0x400  }
0x13c: {  	[sflag:s4] =	ssyncset.done $0x0  }
0x13d: {  	[sflag:s4] =	ssyncadd.s32 $0xFFFFFC00  }
0x13e: {  	[spmem:s2] =	stream.indirect.scatter.add.f32 [tilespmem:s13], [sflag:$0x1], $0x8, s24, s5, $0xb8;
	[tilespmem:$0x4590] =	vst v63  }
0x13f: {  	_ =	swait.ge [sflag:s4], $0x400  }
0x140: {  	[sflag:s4] =	ssyncset.done $0x0  }
0x141: {  	[sflag:s4] =	ssyncadd.s32 $0xFFFFFC00  }
0x142: {  	[spmem:s2] =	stream.indirect.scatter.add.f32 [tilespmem:s12], [sflag:$0x1], $0x8, s22, s5, $0xb8;
	[tilespmem:$0x4590] =	vst v63  }
0x143: {  	_ =	swait.ge [sflag:s4], $0x400  }
0x144: {  	[sflag:s4] =	ssyncset.done $0x0  }
0x145: {  	[sflag:s4] =	ssyncadd.s32 $0xFFFFFC00  }
0x146: {  	[spmem:s2] =	stream.indirect.scatter.add.f32 [tilespmem:s11], [sflag:$0x1], $0x8, s21, s5, $0xb8;
	[tilespmem:$0x4590] =	vst v63  }
0x147: {  	_ =	swait.ge [sflag:s4], $0x400  }
0x148: {  	[sflag:s4] =	ssyncset.done $0x0  }
0x149: {  	[sflag:s4] =	ssyncadd.s32 $0xFFFFFC00  }
0x14a: {  	[spmem:s2] =	stream.indirect.scatter.add.f32 [tilespmem:s10], [sflag:$0x1], $0x8, s20, s5, $0xb8;
	[tilespmem:$0x4590] =	vst v63  }
0x14b: {  	_ =	swait.ge [sflag:s4], $0x400  }
0x14c: {  	[sflag:s4] =	ssyncset.done $0x0  }
0x14d: {  	[sflag:s4] =	ssyncadd.s32 $0xFFFFFC00  }
0x14e: {  	[spmem:s2] =	stream.indirect.scatter.add.f32 [tilespmem:s9], [sflag:$0x1], $0x8, s19, s5, $0xb8;
	[tilespmem:$0x4590] =	vst v63  }
0x14f: {  	_ =	swait.ge [sflag:s4], $0x400  }
0x150: {  	[sflag:s4] =	ssyncset.done $0x0  }
0x151: {  	[sflag:s4] =	ssyncadd.s32 $0xFFFFFC00  }
0x152: {  	[spmem:s2] =	stream.indirect.scatter.add.f32 [tilespmem:s8], [sflag:$0x1], $0x8, s18, s5, $0xb8;
	[tilespmem:$0x4590] =	vst v63  }
0x153: {  	_ =	swait.ge [sflag:s4], $0x400  }
0x154: {  	[sflag:s4] =	ssyncset.done $0x0  }
0x155: {  	[sflag:s4] =	ssyncadd.s32 $0xFFFFFC00  }
0x156: {  	[bflag:$0x0] =	sbarrier.arrive $0xFFFF  }
0x157: {  	s30 =	rddreg [dreg:$0x6]  }
0x158: {  	[hbm:s30], [sflag:s3] =	dma.local [spmem:s7], $0x271  }
0x159: {  	_ =	swait.ge [sflag:s4], $0x271  }
0x15a: {  	[sflag:s4] =	ssyncset.done $0x0  }
0x15b: {  	[sflag:s4] =	ssyncadd.s32 $0xFFFFFD8F  }
0x15c: {  	_ =	sfence.sel $0x180000  }
0x15d: {  	[bflag:$0x0] =	sbarrier.arrive $0xFFFF  }
0x15e: {  	_ =	strace $0x9000004D  }
0x15f: {  	s31 =	stileid.u32;
	[bflag:$0x2] =	sbarrier.arrive $0xFFFF  }
0x160: {  	p0 =	sne.s32 s31, $0x0;
	s0 =	rddreg [dreg:$0x3]  }
0x161: {  	s0 =	sadd.s32 @!p0 $0x100000, s0  }
0x162: {  	[sflag:s0] =	ssyncadd.tile.s32 @!p0 $0x1;
	_ =	shalt  }
.Lfunc_end2:
_tile_overlayer_lowered:
.L_overlay_start_2:
0x163: {  	(tag) =	ssettag $0x2  }
0x164: {  	s0 =	rddreg [dreg:$0x0];
	s2 =	stileid.u32  }
0x165: {  	s1 =	rddreg [dreg:$0x1];
	p0 =	sne.s32 s2, $0x0  }
0x166: {  	s3 =	rddreg [dreg:$0x2];
	[bflag:$0x3] =	sbarrier.arrive $0xFFFF;
	s2 =	simm.s32 @!p0 $0x1C01  }
0x167: {  	[timem:s3], [sflag:s2] =	dma.local @!p0 [hbm:s0], s1  }
0x168: {  	s0 =	simm.s32 @!p0 $0x1  }
0x169: {  	_ =	swait.ge @!p0 [sflag:s0], s1  }
0x16a: {  	s1 =	ssub.s32 @!p0 $0x0, s1;
	[sflag:s0] =	ssyncset.done @!p0 $0x0  }
0x16b: {  	[sflag:s0] =	ssyncadd.s32 @!p0 s1  }
0x16c: {  	[bflag:$0x3] =	sbarrier.arrive $0xFFFF  }
0x16d: {  	_ =	shalt  }

// kernel: kernel.9.cloned.1.call-start
scs
__scs_entry_jumppad:
0x0: {  	(pc) =	sbr.rel $0x88, $3  }
0x1: {  	(tag) =	ssettag $0x0;
	lr =	simm.s32 $0x1  }
0x2: {  	[smem:$0x3F99] =	sst lr;
	_ =	strace $0xD0000000  }
0x3: {  	_ = 	snop  }
0x4: {  	_ = 	snop  }
0x5: {  	_ = 	snop  }
0x6: {  	_ = 	snop  }
0x7: {  	_ = 	snop  }
__scs_overlays_trampoline_lowered:
0x8: {  	[smem:$0x3FA8] =	sst s0  }
0x9: {  	[smem:$0x3FA9] =	sst s1  }
0xa: {  	[smem:$0x3FAA] =	sst s2  }
0xb: {  	[smem:$0x3FAB] =	sst s3  }
0xc: {  	[smem:$0x3FAC] =	sst s4  }
0xd: {  	[smem:$0x3FAD] =	sst s5  }
0xe: {  	[smem:$0x3FAE] =	sst s6  }
0xf: {  	[smem:$0x3FAF] =	sst s7  }
0x10: {  	[smem:$0x3FB0] =	sst s8  }
0x11: {  	[smem:$0x3FB1] =	sst s9;
	s0 =	simm.s32 @!p0 $0x0  }
0x12: {  	s1 =	sld [smem:$0x3F97];
	s0 =	simm.s32 @p0 $0x1  }
0x13: {  	[smem:$0x3FB2] =	sst s0;
	s0 =	simm.s32 @!p1 $0x0  }
0x14: {  	s2 =	sld [smem:$0x3F96];
	s0 =	simm.s32 @p1 $0x1  }
0x15: {  	[smem:$0x3FB3] =	sst s0;
	s0 =	simm.s32 @!p2 $0x0  }
0x16: {  	s3 =	sld [smem:$0x3FDB];
	s0 =	simm.s32 @p2 $0x1  }
0x17: {  	s4 =	simm.s32 $0x1BF5;
	[smem:$0x3FB5] =	sst s0  }
0x18: {  	s0 =	sld [smem:$0x3F98];
	_ =	swait.ge [sflag:s4], $0x0  }
0x19: {  	s7 =	sld [smem:$0x3F99]  }
0x1a: {  	s8 =	sadd.s32 $0xFFFFE003, lr  }
0x1b: {  	s9 =	sadd.s32 $0xFFFFFEF7, lr;
	s5 =	simm.s32 $0xFFFFFFFF;
	p2 =	slt.u32 s8, $0xFFFFF086  }
0x1c: {  	p1 =	slt.u32 s9, $0xF7A;
	s5 =	simm.s32 @!p2 $0x0  }
0x1d: {  	s5 =	simm.s32 @p1 $0x1;
	p0 =	seq.s32 s7, s2  }
0x1e: {  	s7 =	smul.u32 @!p0 $0xF7A, s2;
	p2 =	seq.s32 @!p0 s5, $0x0  }
0x1f: {  	s9 =	smul.u32 $0xF7A, s1;
	s8 =	simm.s32 @!p0 $0x1BF5;
	p2 =	por !p2, p0  }
0x20: {  	[sflag:s8] =	ssyncset.s32 @!p0 $0xFFFFF086;
	s6 =	sadd.s32 @!p0 s3, s7;
	s7 =	simm.s32 @!p0 $0x108  }
0x21: {  	s3 =	sadd.s32 s3, s9;
	s6 =	sadd.s32 @!p0 $0x88, s6;
	s7 =	simm.s32 @p2 $0x1082  }
0x22: {  	[simem:s7], [sflag:s8] =	dma.local @!p0 [hbm:s6], $0xF7A  }
0x23: {  	s9 =	sor.u32 $0xD0000000, s2;
	s6 =	simm.s32 $0x108;
	_ =	swait.ge @!p0 [sflag:s8], $0x0  }
0x24: {  	s3 =	sadd.s32 $0x88, s3;
	s6 =	simm.s32 @!p1 $0x1082;
	[sflag:s4] =	ssyncset.s32 $0xFFFFF086  }
0x25: {  	[simem:s6], [sflag:s4] =	dma.local [hbm:s3], $0xF7A  }
0x26: {  	[smem:$0x3F99] =	sst s1;
	(tag) =	ssettag s2;
	_ =	strace s9  }
0x27: {  	s1 =	sld [smem:$0x3FA9]  }
0x28: {  	s2 =	sld [smem:$0x3FAA]  }
0x29: {  	s4 =	sld [smem:$0x3FAC]  }
0x2a: {  	p0 =	seq.s32 s5, $0x0;
	s5 =	sld [smem:$0x3FAD]  }
0x2b: {  	s6 =	sld [smem:$0x3FAE]  }
0x2c: {  	s7 =	sld [smem:$0x3FAF]  }
0x2d: {  	s3 =	simm.s32 $0x108;
	s8 =	sld [smem:$0x3FB0]  }
0x2e: {  	s3 =	simm.s32 @!p0 $0x1082;
	s9 =	sld [smem:$0x3FB1]  }
0x2f: {  	lr =	sadd.s32 s0, s3;
	s0 =	sld [smem:$0x3FA8]  }
0x30: {  	s3 =	sld [smem:$0x3FAB]  }
0x31: {  	[smem:$0x3FB4] =	sst s10  }
0x32: {  	s10 =	sld [smem:$0x3FB2];
	_ =	sdelay $0x3  }
0x33: {  	p0 =	seq.s32 s10, $0x1;
	s10 =	sld [smem:$0x3FB4];
	_ =	sdelay $0x3  }
0x34: {  	[smem:$0x3FB4] =	sst s10  }
0x35: {  	s10 =	sld [smem:$0x3FB3];
	_ =	sdelay $0x3  }
0x36: {  	p1 =	seq.s32 s10, $0x1;
	s10 =	sld [smem:$0x3FB4];
	_ =	sdelay $0x3  }
0x37: {  	[smem:$0x3FB4] =	sst s10  }
0x38: {  	s10 =	sld [smem:$0x3FB5]  }
0x39: {  	_ = 	snop;
	(pc) =	sbr.ind lr, $3  }
0x3a: {  	_ = 	snop  }
0x3b: {  	_ = 	snop  }
0x3c: {  	p2 =	seq.s32 s10, $0x1;
	s10 =	sld [smem:$0x3FB4]  }
0x3d: {  	_ =	shalt  }
0x3e: {  	_ =	shalt  }
0x3f: {  	_ =	shalt  }
0x40: {  	_ =	shalt  }
0x41: {  	_ =	shalt  }
0x42: {  	_ =	shalt  }
0x43: {  	_ =	shalt  }
0x44: {  	_ =	shalt  }
0x45: {  	_ =	shalt  }
0x46: {  	_ =	shalt  }
0x47: {  	_ =	shalt  }
0x48: {  	_ =	shalt  }
0x49: {  	_ =	shalt  }
0x4a: {  	_ =	shalt  }
0x4b: {  	_ =	shalt  }
0x4c: {  	_ =	shalt  }
0x4d: {  	_ =	shalt  }
0x4e: {  	_ =	shalt  }
0x4f: {  	_ =	shalt  }
0x50: {  	_ =	shalt  }
0x51: {  	_ =	shalt  }
0x52: {  	_ =	shalt  }
0x53: {  	_ =	shalt  }
0x54: {  	_ =	shalt  }
0x55: {  	_ =	shalt  }
0x56: {  	_ =	shalt  }
0x57: {  	_ =	shalt  }
0x58: {  	_ =	shalt  }
0x59: {  	_ =	shalt  }
0x5a: {  	_ =	shalt  }
0x5b: {  	_ =	shalt  }
0x5c: {  	_ =	shalt  }
0x5d: {  	_ =	shalt  }
0x5e: {  	_ =	shalt  }
0x5f: {  	_ =	shalt  }
0x60: {  	_ =	shalt  }
0x61: {  	_ =	shalt  }
0x62: {  	_ =	shalt  }
0x63: {  	_ =	shalt  }
0x64: {  	_ =	shalt  }
0x65: {  	_ =	shalt  }
0x66: {  	_ =	shalt  }
0x67: {  	_ =	shalt  }
0x68: {  	_ =	shalt  }
0x69: {  	_ =	shalt  }
0x6a: {  	_ =	shalt  }
0x6b: {  	_ =	shalt  }
0x6c: {  	_ =	shalt  }
0x6d: {  	_ =	shalt  }
0x6e: {  	_ =	shalt  }
0x6f: {  	_ =	shalt  }
0x70: {  	_ =	shalt  }
0x71: {  	_ =	shalt  }
0x72: {  	_ =	shalt  }
0x73: {  	_ =	shalt  }
0x74: {  	_ =	shalt  }
0x75: {  	_ =	shalt  }
0x76: {  	_ =	shalt  }
0x77: {  	_ =	shalt  }
0x78: {  	_ =	shalt  }
0x79: {  	_ =	shalt  }
0x7a: {  	_ =	shalt  }
0x7b: {  	_ =	shalt  }
0x7c: {  	_ =	shalt  }
0x7d: {  	_ =	shalt  }
0x7e: {  	_ =	shalt  }
0x7f: {  	_ =	shalt  }
0x80: {  	_ =	shalt  }
0x81: {  	_ =	shalt  }
0x82: {  	_ =	shalt  }
0x83: {  	_ =	shalt  }
0x84: {  	_ =	shalt  }
0x85: {  	_ =	shalt  }
0x86: {  	_ =	shalt  }
0x87: {  	_ =	shalt  }
.Lfunc_end0:
.L_simem_size_0:
called_computation_lowered:
.L_overlay_start_0:
0x88: {  	s2 =	sld [smem:$0x3FD9]  }
0x89: {  	s3 =	sld [smem:$0x3FFE];
	_ =	sdelay $0x1  }
0x8a: {  	s1 =	srdreg.scid  }
0x8b: {  	s0 =	sand.u32 $0x1, s1  }
0x8c: {  	s17 =	sshll.u32 s0, $0xA;
	s2 =	sadd.s32 s3, s2  }
0x8d: {  	s2 =	sadd.s32 s2, s17  }
0x8e: {  	[smem:$0x3FC0] =	sst s2  }
0x8f: {  	_ = 	snop  }
0x90: {  	s18 =	sld [smem:$0x3FC9];
	(tm) =	ssettm $0x1  }
0x91: {  	s19 =	sld [smem:$0x3FFB];
	_ =	sdelay $0x3  }
0x92: {  	_ =	strace s19  }
0x93: {  	s2 =	sld [smem:$0x3FFC];
	_ =	sdelay $0x3  }
0x94: {  	_ =	strace s2  }
0x95: {  	s2 =	sld [smem:$0x3FFD];
	_ =	sdelay $0x3  }
0x96: {  	_ =	strace s2  }
0x97: {  	_ =	strace $0x8FFFFFFF  }
0x98: {  	s20 =	sld [smem:$0x3FDB];
	_ =	sdelay $0x1  }
0x99: {  	s4 =	simm.s32 $_scs_section_size  }
0x9a: {  	s5 =	simm.s32 $_size__tile_overlayer_lowered;
	s6 =	simm.s32 $_tile_overlayer_lowered  }
0x9b: {  	s7 =	simm.s32 $0x1BFF;
	s21 =	sshll.u32 s6, $0x1;
	s4 =	sadd.s32 s4, s20  }
0x9c: {  	s22 =	simm.s32 $0x0;
	s5 =	sshll.u32 s5, $0x1;
	s6 =	sadd.s32 s21, s4  }
0x9d: {  	[timem:s22], [sflag:s7] =	dma.local [hbm:s6], s5  }
0x9e: {  	_ =	swait.ge [sflag:s7], s5  }
0x9f: {  	s5 =	ssub.s32 $0x0, s5;
	[sflag:s7] =	ssyncset.done $0x0  }
0xa0: {  	[sflag:s7] =	ssyncadd.s32 s5;
	_ =	sdelay $0x1  }
0xa1: {  	s23 =	simm.s32 $0x1B8B  }
0xa2: {  	_ =	swait.ge [sflag:s23], $0x1  }
0xa3: {  	[sflag:s23] =	ssyncset.done $0x0  }
0xa4: {  	[sflag:s23] =	ssyncadd.s32 $0xFFFFFFFF  }
0xa5: {  	s5 =	sld [smem:$0x0]  }
0xa6: {  	s6 =	sand.u32 $0xFFFFFFFE, s1  }
0xa7: {  	p0 =	sne.s32 s1, s6  }
0xa8: {  	s6 =	sshll.u32 @p0 s6, $0xE  }
0xa9: {  	s6 =	sadd.s32 @p0 $0x11B8D, s6;
	s7 =	sshll.u32 @p0 s5, $0x11  }
0xaa: {  	s6 =	sor.u32 @p0 s7, s6  }
0xab: {  	[sflag:s6] =	ssyncadd.remote.s32 @p0 $0x1;
	_ =	sdelay $0x1  }
0xac: {  	s6 =	simm.s32 @p0 $0x1B8D  }
0xad: {  	_ =	swait.eq @p0 [sflag:s6], $0x1  }
0xae: {  	[sflag:s6] =	ssyncadd.s32 @p0 $0xFFFFFFFF  }
0xaf: {  	s7 =	sshll.u32 @!p0 s1, $0xE  }
0xb0: {  	s7 =	sor.u32 @!p0 $0x4000, s7;
	s6 =	simm.s32 @!p0 $0x1B8D  }
0xb1: {  	s5 =	sshll.u32 @!p0 s5, $0x11;
	s7 =	sadd.s32 @!p0 $0x11B8D, s7;
	_ =	swait.eq @!p0 [sflag:s6], $0x1  }
0xb2: {  	s5 =	sor.u32 @!p0 s5, s7;
	[sflag:s6] =	ssyncadd.s32 @!p0 $0xFFFFFFFF  }
0xb3: {  	s25 =	simm.s32 $0x1B8E;
	s24 =	sld [smem:$0x3FFE];
	[sflag:s5] =	ssyncadd.remote.s32 @!p0 $0x1  }
0xb4: {  	s26 =	simm.s32 $execute0_lowered;
	[smem:$0x3FD2] =	sst s25  }
0xb5: {  	s6 =	sshll.u32 s26, $0x1;
	_ =	strace $0x80000049;
	[dreg:$0x1] =	wrdreg $0xFFFFFFFF  }
0xb6: {  	s28 =	simm.s32 $_size_execute0_lowered;
	s4 =	sadd.s32 s4, s6;
	[dreg:$0x0] =	wrdreg $0x0  }
0xb7: {  	s6 =	sshll.u32 s28, $0x1;
	[dreg:$0x2] =	wrdreg s4  }
0xb8: {  	[dreg:$0x3] =	wrdreg s6  }
0xb9: {  	[dreg:$0x4] =	wrdreg $0xC0  }
0xba: {  	_ =	task [dreg:s22], $0x5FFFF  }
0xbb: {  	[dreg:$0x1] =	wrdreg $0xFFFFFFFF  }
0xbc: {  	[dreg:$0x0] =	wrdreg $0x60  }
0xbd: {  	[dreg:$0x2] =	wrdreg s18  }
0xbe: {  	[dreg:$0x3] =	wrdreg s24  }
0xbf: {  	[dreg:$0x4] =	wrdreg $0x9  }
0xc0: {  	_ =	task.clear_ibuf [dreg:s22], $0x5FFFF;
	_ =	strace $0x90000049  }
0xc1: {  	s29 =	simm.s32 $0x9;
	_ =	strace $0x8000004B  }
0xc2: {  	_ =	swait.ge [sflag:s29], $0x1  }
0xc3: {  	[sflag:s29] =	ssyncadd.s32 $0xFFFFFFFF  }
0xc4: {  	_ =	strace $0x9000004B  }
0xc5: {  	_ =	sfence  }
0xc6: {  	s30 =	sld [smem:$0x0];
	_ =	sdelay $0x2  }
0xc7: {  	s31 =	sshll.u32 s1, $0xD;
	s1 =	sshrl.u32 s1, $0x2  }
0xc8: {  	s4 =	sand.u32 $0x4000, s31;
	s1 =	sadd.s32 s1, s30  }
0xc9: {  	s0 =	sor.u32 s4, s0;
	s1 =	sshll.u32 s1, $0x11  }
0xca: {  	s0 =	sor.u32 s1, s0  }
0xcb: {  	s0 =	sadd.s32 $0x8F2B, s0  }
0xcc: {  	[sflag:s0] =	ssyncadd.remote.s32 $0x1  }
0xcd: {  	_ =	sfence.sel $0xFFFF  }
0xce: {  	[dreg:$0x0] =	wrdreg $0xFFFFFFFF;
	(pc) =	sbr.abs _section_cstart, $3  }
0xcf: {  	[dreg:$0x1] =	wrdreg $0xFFFFFFFF  }
0xd0: {  	_ =	task.clear_ibuf [dreg:s22], $0x2FFFF;
	_ =	strace $0x9FFFFFFF  }
0xd1: {  	(tm) =	ssettm $0x7FFFFFFF  }
tec
execute0_lowered:
.L_overlay_start_1:
0x0: {  	(tag) =	ssettag $0x1  }
0x1: {  	s1 =	srdreg.scid;
	s2 =	rddreg [dreg:$0x0]  }
0x2: {  	s0 =	stileid.u32;
	s5 =	rddreg [dreg:$0x1];
	s3 =	simm.s32 $0x0  }
0x3: {  	s10 =	simm.s32 $0x4A00;
	s11 =	simm.s32 $0x8A00;
	s12 =	simm.s32 $0xCA00  }
0x4: {  	s13 =	simm.s32 $0x1;
	s14 =	simm.s32 $0x2;
	s4 =	sand.u32 $0x1, s1  }
0x5: {  	s30 =	sshll.u32 s0, $0x1;
	s7 =	smul.u32 $0x14000, s0;
	[smem:$0x7FF] =	sst s3  }
0x6: {  	s1 =	sor.u32 s4, s30;
	s8 =	ssub.s32 $0x2, s4;
	s4 =	smul.u32 $0xA000, s4  }
0x7: {  	s15 =	simm.s32 $0x0;
	s6 =	smul.u32 $0x140, s1;
	s1 =	rddreg [dreg:$0x2]  }
0x8: {  	_ =	strace $0x8000004A;
	s7 =	sadd.s32 s7, s5;
	s9 =	sshrl.u32 s8, $0x1  }
0x9: {  	s31 =	ssub.s32 s8, s9;
	s7 =	sadd.s32 s4, s7;
	s8 =	simm.s32 $0x80  }
0xa: {  	s9 =	simm.s32 $0xA00;
	s5 =	sadd.s32 s6, s5;
	s6 =	sadd.s32 $0x148A00, s7  }
0xb: {  	s7 =	simm.s32 $0x3;
	s4 =	sadd.s32 $0x4A00, s5;
	s5 =	smax.u32 s31, $0x1  }
.LBB2_1:
0xc: {  	[tilespmem:s3], [sflag:$0x3] =	stream.linear.gather [hbm4b:s4+s3], $0xA00, $0x38;
	[tilespmem:$0x10A00] =	vst v63  }
0xd: {  	_ =	swait.ge [sflag:s7], $0xA00  }
0xe: {  	[sflag:s7] =	ssyncset.done $0x0  }
0xf: {  	s16 =	simm.s32 $0x0;
	[sflag:s7] =	ssyncadd.s32 $0xFFFFF600  }
0x10: {  	[tilespmem:s9], [sflag:$0x1] =	stream.indirect.gather [hbm4b:s2+s8], $0x80, s16, s8, $0xb8;
	[tilespmem:$0x10A00] =	vst v63  }
0x11: {  	s25 =	simm.s32 $0x80  }
0x12: {  	[tilespmem:s10], [sflag:$0x1] =	stream.indirect.gather [hbm4b:s2+s8], $0x80, s25, s8, $0xb8;
	[tilespmem:$0x10A00] =	vst v63  }
0x13: {  	s26 =	simm.s32 $0x100  }
0x14: {  	[tilespmem:s11], [sflag:$0x1] =	stream.indirect.gather [hbm4b:s2+s8], $0x80, s26, s8, $0xb8;
	[tilespmem:$0x10A00] =	vst v63  }
0x15: {  	s28 =	simm.s32 $0x180  }
0x16: {  	[tilespmem:s12], [sflag:$0x1] =	stream.indirect.gather [hbm4b:s2+s8], $0x80, s28, s8, $0xb8;
	[tilespmem:$0x10A00] =	vst v63  }
0x17: {  	_ =	swait.ge [sflag:s13], $0x4000  }
0x18: {  	[sflag:s13] =	ssyncset.done $0x0  }
0x19: {  	s29 =	sadd.s32 $0xFFFFE800, s6;
	[sflag:s13] =	ssyncadd.s32 $0xFFFFC000  }
0x1a: {  	[hbm4b:s29+s3] =	stream.linear.scatter [tilespmem:s9], [sflag:$0x2], $0x4000, $0x38;
	[tilespmem:$0x10A00] =	vst v63  }
0x1b: {  	_ =	swait.ge [sflag:s13], $0x4000  }
0x1c: {  	[sflag:s13] =	ssyncset.done $0x0  }
0x1d: {  	s30 =	sadd.s32 $0xFFFFF000, s6;
	[sflag:s13] =	ssyncadd.s32 $0xFFFFC000  }
0x1e: {  	[hbm4b:s30+s3] =	stream.linear.scatter [tilespmem:s10], [sflag:$0x2], $0x4000, $0x38;
	[tilespmem:$0x10A00] =	vst v63  }
0x1f: {  	_ =	swait.ge [sflag:s13], $0x4000  }
0x20: {  	[sflag:s13] =	ssyncset.done $0x0  }
0x21: {  	s31 =	sadd.s32 $0xFFFFF800, s6;
	[sflag:s13] =	ssyncadd.s32 $0xFFFFC000  }
0x22: {  	[hbm4b:s31+s3] =	stream.linear.scatter [tilespmem:s11], [sflag:$0x2], $0x4000, $0x38;
	[tilespmem:$0x10A00] =	vst v63  }
0x23: {  	_ =	swait.ge [sflag:s13], $0x4000  }
0x24: {  	[sflag:s13] =	ssyncset.done $0x0  }
0x25: {  	[sflag:s13] =	ssyncadd.s32 $0xFFFFC000  }
0x26: {  	[hbm4b:s6+s3] =	stream.linear.scatter [tilespmem:s12], [sflag:$0x2], $0x4000, $0x38;
	[tilespmem:$0x10A00] =	vst v63  }
0x27: {  	_ =	swait.ge [sflag:s14], $0x4000  }
0x28: {  	[sflag:s14] =	ssyncset.done $0x0  }
0x29: {  	[sflag:s14] =	ssyncadd.s32 $0xFFFFC000  }
0x2a: {  	_ =	swait.ge [sflag:s14], $0x4000  }
0x2b: {  	[sflag:s14] =	ssyncset.done $0x0  }
0x2c: {  	[sflag:s14] =	ssyncadd.s32 $0xFFFFC000  }
0x2d: {  	_ =	swait.ge [sflag:s14], $0x4000  }
0x2e: {  	[sflag:s14] =	ssyncset.done $0x0  }
0x2f: {  	[sflag:s14] =	ssyncadd.s32 $0xFFFFC000  }
0x30: {  	s17 =	simm.s32 $0x800;
	_ =	swait.ge [sflag:s14], $0x4000  }
0x31: {  	s19 =	simm.s32 $0x1000;
	s16 =	sadd.s32 $0x2000, s6;
	[sflag:s14] =	ssyncset.done $0x0  }
.LBB2_2:
0x32: {  	s20 =	sshra.s32 s17, $0x2  }
0x33: {  	[sflag:s14] =	ssyncadd.s32 $0xFFFFC000;
	s17 =	smov.u32 s19;
	s18 =	sadd.s32 $0x800, s19  }
0x34: {  	[tilespmem:s9], [sflag:$0x1] =	stream.indirect.gather [hbm4b:s2+s8], $0x80, s20, s8, $0xb8;
	[tilespmem:$0x10A00] =	vst v63  }
0x35: {  	p0 =	sne.s32 s19, $0x2000;
	s19 =	sadd.s32 $0x80, s20  }
0x36: {  	[tilespmem:s10], [sflag:$0x1] =	stream.indirect.gather [hbm4b:s2+s8], $0x80, s19, s8, $0xb8;
	[tilespmem:$0x10A00] =	vst v63  }
0x37: {  	s19 =	sadd.s32 $0x100, s20  }
0x38: {  	[tilespmem:s11], [sflag:$0x1] =	stream.indirect.gather [hbm4b:s2+s8], $0x80, s19, s8, $0xb8;
	[tilespmem:$0x10A00] =	vst v63  }
0x39: {  	s19 =	sadd.s32 $0x180, s20  }
0x3a: {  	[tilespmem:s12], [sflag:$0x1] =	stream.indirect.gather [hbm4b:s2+s8], $0x80, s19, s8, $0xb8;
	[tilespmem:$0x10A00] =	vst v63  }
0x3b: {  	_ =	swait.ge [sflag:s13], $0x4000  }
0x3c: {  	[sflag:s13] =	ssyncset.done $0x0  }
0x3d: {  	s19 =	sadd.s32 $0xFFFFE800, s16;
	[sflag:s13] =	ssyncadd.s32 $0xFFFFC000  }
0x3e: {  	[hbm4b:s19+s3] =	stream.linear.scatter [tilespmem:s9], [sflag:$0x2], $0x4000, $0x38;
	[tilespmem:$0x10A00] =	vst v63  }
0x3f: {  	_ =	swait.ge [sflag:s13], $0x4000  }
0x40: {  	[sflag:s13] =	ssyncset.done $0x0  }
0x41: {  	s19 =	sadd.s32 $0xFFFFF000, s16;
	[sflag:s13] =	ssyncadd.s32 $0xFFFFC000  }
0x42: {  	[hbm4b:s19+s3] =	stream.linear.scatter [tilespmem:s10], [sflag:$0x2], $0x4000, $0x38;
	[tilespmem:$0x10A00] =	vst v63  }
0x43: {  	_ =	swait.ge [sflag:s13], $0x4000  }
0x44: {  	[sflag:s13] =	ssyncset.done $0x0  }
0x45: {  	s19 =	sadd.s32 $0xFFFFF800, s16;
	[sflag:s13] =	ssyncadd.s32 $0xFFFFC000  }
0x46: {  	[hbm4b:s19+s3] =	stream.linear.scatter [tilespmem:s11], [sflag:$0x2], $0x4000, $0x38;
	[tilespmem:$0x10A00] =	vst v63  }
0x47: {  	_ =	swait.ge [sflag:s13], $0x4000  }
0x48: {  	[sflag:s13] =	ssyncset.done $0x0  }
0x49: {  	[sflag:s13] =	ssyncadd.s32 $0xFFFFC000  }
0x4a: {  	[hbm4b:s16+s3] =	stream.linear.scatter [tilespmem:s12], [sflag:$0x2], $0x4000, $0x38;
	[tilespmem:$0x10A00] =	vst v63  }
0x4b: {  	_ =	swait.ge [sflag:s14], $0x4000  }
0x4c: {  	[sflag:s14] =	ssyncset.done $0x0  }
0x4d: {  	[sflag:s14] =	ssyncadd.s32 $0xFFFFC000  }
0x4e: {  	_ =	swait.ge [sflag:s14], $0x4000  }
0x4f: {  	[sflag:s14] =	ssyncset.done $0x0  }
0x50: {  	[sflag:s14] =	ssyncadd.s32 $0xFFFFC000  }
.Ltmp0:
0x51: {  	_ =	swait.ge [sflag:s14], $0x4000;
	(pc) =	sbr.rel @p0 .LBB2_2-.Ltmp0, $4  }
0x52: {  	[sflag:s14] =	ssyncset.done $0x0  }
0x53: {  	[sflag:s14] =	ssyncadd.s32 $0xFFFFC000  }
0x54: {  	_ =	swait.ge [sflag:s14], $0x4000  }
0x55: {  	s19 =	smov.u32 s18;
	s16 =	sadd.s32 $0x2000, s16;
	[sflag:s14] =	ssyncset.done $0x0  }
0x56: {  	s17 =	sshra.s32 s17, $0x2;
	[sflag:s14] =	ssyncadd.s32 $0xFFFFC000  }
0x57: {  	[tilespmem:s9], [sflag:$0x1] =	stream.indirect.gather [hbm4b:s2+s8], $0x80, s17, s8, $0xb8;
	[tilespmem:$0x10A00] =	vst v63  }
0x58: {  	s18 =	sadd.s32 $0x80, s17  }
0x59: {  	[tilespmem:s10], [sflag:$0x1] =	stream.indirect.gather [hbm4b:s2+s8], $0x80, s18, s8, $0xb8;
	[tilespmem:$0x10A00] =	vst v63  }
0x5a: {  	s28 =	sadd.s32 $0x100, s17  }
0x5b: {  	[tilespmem:s11], [sflag:$0x1] =	stream.indirect.gather [hbm4b:s2+s8], $0x80, s28, s8, $0xb8;
	[tilespmem:$0x10A00] =	vst v63  }
0x5c: {  	s17 =	sadd.s32 $0x180, s17  }
0x5d: {  	[tilespmem:s12], [sflag:$0x1] =	stream.indirect.gather [hbm4b:s2+s8], $0x80, s17, s8, $0xb8;
	[tilespmem:$0x10A00] =	vst v63  }
0x5e: {  	_ =	swait.ge [sflag:s13], $0x4000  }
0x5f: {  	[sflag:s13] =	ssyncset.done $0x0  }
0x60: {  	s29 =	sadd.s32 $0xFFFFE800, s16;
	[sflag:s13] =	ssyncadd.s32 $0xFFFFC000  }
0x61: {  	[hbm4b:s29+s3] =	stream.linear.scatter [tilespmem:s9], [sflag:$0x2], $0x4000, $0x38;
	[tilespmem:$0x10A00] =	vst v63  }
0x62: {  	_ =	swait.ge [sflag:s13], $0x4000  }
0x63: {  	[sflag:s13] =	ssyncset.done $0x0  }
0x64: {  	s30 =	sadd.s32 $0xFFFFF000, s16;
	[sflag:s13] =	ssyncadd.s32 $0xFFFFC000  }
0x65: {  	[hbm4b:s30+s3] =	stream.linear.scatter [tilespmem:s10], [sflag:$0x2], $0x4000, $0x38;
	[tilespmem:$0x10A00] =	vst v63  }
0x66: {  	_ =	swait.ge [sflag:s13], $0x4000  }
0x67: {  	[sflag:s13] =	ssyncset.done $0x0  }
0x68: {  	s31 =	sadd.s32 $0xFFFFF800, s16;
	[sflag:s13] =	ssyncadd.s32 $0xFFFFC000  }
0x69: {  	[hbm4b:s31+s3] =	stream.linear.scatter [tilespmem:s11], [sflag:$0x2], $0x4000, $0x38;
	[tilespmem:$0x10A00] =	vst v63  }
0x6a: {  	_ =	swait.ge [sflag:s13], $0x4000  }
0x6b: {  	[sflag:s13] =	ssyncset.done $0x0  }
0x6c: {  	[sflag:s13] =	ssyncadd.s32 $0xFFFFC000  }
0x6d: {  	[hbm4b:s16+s3] =	stream.linear.scatter [tilespmem:s12], [sflag:$0x2], $0x4000, $0x38;
	[tilespmem:$0x10A00] =	vst v63  }
0x6e: {  	_ =	swait.ge [sflag:s14], $0x4000  }
0x6f: {  	[sflag:s14] =	ssyncset.done $0x0  }
0x70: {  	[sflag:s14] =	ssyncadd.s32 $0xFFFFC000  }
0x71: {  	_ =	swait.ge [sflag:s14], $0x4000  }
0x72: {  	[sflag:s14] =	ssyncset.done $0x0  }
0x73: {  	s15 =	sadd.s32 $0x1, s15;
	[sflag:s14] =	ssyncadd.s32 $0xFFFFC000  }
0x74: {  	p0 =	sne.s32 s15, s5;
	_ =	swait.ge [sflag:s14], $0x4000  }
.Ltmp1:
0x75: {  	[sflag:s14] =	ssyncset.done $0x0;
	(pc) =	sbr.rel @p0 .LBB2_1-.Ltmp1, $4  }
0x76: {  	[sflag:s14] =	ssyncadd.s32 $0xFFFFC000  }
0x77: {  	_ =	swait.ge [sflag:s14], $0x4000  }
0x78: {  	[sflag:s14] =	ssyncset.done $0x0  }
0x79: {  	[sflag:s14] =	ssyncadd.s32 $0xFFFFC000  }
0x7a: {  	_ =	sfence.sel $0x180000  }
0x7b: {  	[bflag:$0x0] =	sbarrier.arrive $0xFFFF  }
0x7c: {  	p0 =	sne.s32 s0, $0x0;
	_ =	strace $0x9000004A  }
0x7d: {  	s0 =	sadd.s32 @!p0 $0x100000, s1;
	[bflag:$0x2] =	sbarrier.arrive $0xFFFF  }
0x7e: {  	[sflag:s0] =	ssyncadd.tile.s32 @!p0 $0x1;
	_ =	shalt  }
.Lfunc_end2:
_tile_overlayer_lowered:
.L_overlay_start_2:
0x7f: {  	(tag) =	ssettag $0x2  }
0x80: {  	s0 =	rddreg [dreg:$0x0];
	s2 =	stileid.u32  }
0x81: {  	s1 =	rddreg [dreg:$0x1];
	p0 =	sne.s32 s2, $0x0  }
0x82: {  	s3 =	rddreg [dreg:$0x2];
	[bflag:$0x3] =	sbarrier.arrive $0xFFFF;
	s2 =	simm.s32 @!p0 $0x1C03  }
0x83: {  	[timem:s3], [sflag:s2] =	dma.local @!p0 [hbm:s0], s1  }
0x84: {  	s0 =	simm.s32 @!p0 $0x3  }
0x85: {  	_ =	swait.ge @!p0 [sflag:s0], s1  }
0x86: {  	s1 =	ssub.s32 @!p0 $0x0, s1;
	[sflag:s0] =	ssyncset.done @!p0 $0x0  }
0x87: {  	[sflag:s0] =	ssyncadd.s32 @!p0 s1  }
0x88: {  	[bflag:$0x3] =	sbarrier.arrive $0xFFFF  }
0x89: {  	_ =	shalt  }

</sc_bundles>
